<compile_context>
chip_gen: v7x
topology: tpu7x:2x2x1
jax: 0.10.2.dev20260603
libtpu: 0.0.44.dev20260713+nightly
codegen_flags: <defaults>
</compile_context>

<pallas_src>
import functools

import jax
import jax.numpy as jnp
from jax import lax
from jax.experimental import pallas as pl
from jax.experimental.pallas import tpu as pltpu
from jax.experimental.pallas import tpu_sc as plsc

NUM_HEADS = 8
OUT_SIZE = 16
DH = OUT_SIZE * NUM_HEADS

NC = 2
NS = 16
NW = NC * NS
LANES = 16
C = 112
ROW_W = DH + LANES


def _stage1_body(z_ref, wt_ref, b_ref, alw_ref, arw_ref,
                 tcol_ref, lrow_ref, g_ref):
    n = z_ref.shape[0]
    pad = tcol_ref.shape[0] - n
    h = jnp.dot(z_ref[...], wt_ref[...], preferred_element_type=jnp.float32,
                 precision=jax.lax.Precision.HIGHEST)
    h = h + b_ref[...]
    el = jnp.dot(h, alw_ref[...], preferred_element_type=jnp.float32,
                 precision=jax.lax.Precision.HIGHEST)
    er = jnp.dot(h, arw_ref[...], preferred_element_type=jnp.float32,
                 precision=jax.lax.Precision.HIGHEST)
    zpad_h = jnp.zeros((pad, DH), jnp.float32)
    zpad_e = jnp.zeros((pad, NUM_HEADS), jnp.float32)
    hp = jnp.concatenate([h, zpad_h], axis=0)
    elp = jnp.concatenate([el, zpad_e], axis=0)
    erp = jnp.concatenate([er, zpad_e], axis=0)
    tcol_ref[...] = jnp.concatenate([hp, erp, erp], axis=1)
    lrow_ref[...] = jnp.concatenate([elp, elp], axis=1)
    gmax = jnp.max(el, axis=0) + jnp.max(er, axis=0)
    g = jnp.maximum(gmax, 0.01 * gmax)
    g_ref[...] = jnp.concatenate([g, g]).reshape(1, 2 * NUM_HEADS)


def _stage3_body(s2_ref, t_ref, o_ref):
    s = s2_ref[0] + s2_ref[1]
    msg = s[:, 0:DH]
    den = s[:, DH:DH + NUM_HEADS]
    r = 1.0 / den
    r128 = jnp.dot(r, t_ref[...], preferred_element_type=jnp.float32,
                 precision=jax.lax.Precision.HIGHEST)
    o_ref[...] = msg * r128


def _make_sc_edge_kernel(n_tab, n_acc, e_pad, k_steps):
    rows_per = n_acc // NS

    mesh = plsc.VectorSubcoreMesh(core_axis_name="c", subcore_axis_name="s")

    @functools.partial(
        pl.kernel,
        out_type=jax.ShapeDtypeStruct((NC, n_acc, ROW_W), jnp.float32),
        mesh=mesh,
        compiler_params=pltpu.CompilerParams(use_tc_tiling_on_sc=False),
        scratch_types=[
            pltpu.VMEM((2, 2, C), jnp.int32),
            pltpu.VMEM((2, C), jnp.int32),
            pltpu.VMEM((2, C, 2 * NUM_HEADS), jnp.float32),
            pltpu.VMEM((2, C, ROW_W), jnp.float32),
            pltpu.VMEM((2 * NUM_HEADS,), jnp.float32),
            pltpu.VMEM_SHARED((n_acc, ROW_W), jnp.float32),
            pltpu.SemaphoreType.DMA,
            pltpu.SemaphoreType.DMA,
            pltpu.SemaphoreType.DMA,
            pltpu.SemaphoreType.DMA,
            pltpu.SemaphoreType.DMA,
            pltpu.SemaphoreType.DMA,
        ],
    )
    def sc_edges(rowi_hbm, coli_hbm, lrow_hbm, te_hbm, g_hbm,
                 out_hbm, idxb, sidx, ra, hc, gv,
                 acc, i0, i1, g0, g1, t0, t1):
        ci = lax.axis_index("c")
        si = lax.axis_index("s")
        wid = ci * NS + si
        isem = (i0, i1)
        gsem = (g0, g1)
        ssem = (t0, t1)

        zvec = jnp.zeros((LANES,), jnp.float32)

        @pl.loop(0, C)
        def _(r):
            for j in range(ROW_W // LANES):
                hc[0, r, pl.ds(j * LANES, LANES)] = zvec

        base_row = si * rows_per
        r0 = 0
        while r0 < rows_per:
            nr = min(rows_per - r0, C)
            pltpu.sync_copy(hc.at[0, pl.ds(0, nr)],
                            acc.at[pl.ds(base_row + r0, nr)])
            r0 += nr

        pltpu.sync_copy(g_hbm.at[0], gv)
        gvec = gv[...]

        def issue_idx(t, p):
            pltpu.async_copy(rowi_hbm.at[wid, t], idxb.at[p, 0], isem[p])
            pltpu.async_copy(coli_hbm.at[wid, t], idxb.at[p, 1], isem[p])

        def drain_idx(p):
            pltpu.make_async_copy(rowi_hbm.at[0, 0], idxb.at[p, 0],
                                  isem[p]).wait()
            pltpu.make_async_copy(coli_hbm.at[0, 0], idxb.at[p, 1],
                                  isem[p]).wait()

        def issue_gathers(p):
            pltpu.async_copy(lrow_hbm.at[idxb.at[p, 0]], ra.at[p], gsem[p])
            pltpu.async_copy(te_hbm.at[idxb.at[p, 1]], hc.at[p], gsem[p])

        def drain_gathers(p):
            pltpu.make_async_copy(lrow_hbm.at[pl.ds(0, C)], ra.at[p],
                                  gsem[p]).wait()
            pltpu.make_async_copy(te_hbm.at[pl.ds(0, C)], hc.at[p],
                                  gsem[p]).wait()

        def drain_scatter(p):
            pltpu.make_async_copy(hc.at[p], acc.at[pl.ds(0, C)],
                                  ssem[p]).wait()

        plsc.subcore_barrier()
        issue_idx(0, 0)
        issue_idx(1, 1)
        drain_idx(0)
        issue_gathers(0)

        @pl.loop(0, k_steps // 2)
        def _(outer):
            for b in (0, 1):
                t = outer * 2 + b
                drain_gathers(b)

                @pl.when(t >= 1)
                def _():
                    drain_scatter(1 - b)

                for j in range(C // LANES):
                    sidx[b, pl.ds(j * LANES, LANES)] = (
                        idxb[b, 0, pl.ds(j * LANES, LANES)])

                @pl.when(t + 2 < k_steps)
                def _():
                    issue_idx(t + 2, b)

                @pl.when(t + 1 < k_steps)
                def _():
                    drain_idx(1 - b)
                    issue_gathers(1 - b)

                @pl.loop(0, C, unroll=4)
                def _(c):
                    v = ra[b, c, :] + hc[b, c, pl.ds(DH, LANES)]
                    lr = jnp.maximum(v, 0.01 * v)
                    w = jnp.exp(lr - gvec)
                    hc[b, c, pl.ds(DH, LANES)] = w
                    for j in range(DH // LANES):
                        hc[b, c, pl.ds(j * LANES, LANES)] = (
                            w * hc[b, c, pl.ds(j * LANES, LANES)])

                pltpu.async_copy(hc.at[b], acc.at[sidx.at[b]], ssem[b],
                                 add=True)

        drain_scatter(1)
        plsc.subcore_barrier()
        pltpu.sync_copy(acc.at[pl.ds(base_row, rows_per)],
                        out_hbm.at[ci, pl.ds(base_row, rows_per)])

    return sc_edges


def kernel(Z, edge_index, W_w, W_b, a_l, a_r):
    n = Z.shape[0]
    e = edge_index.shape[1]
    n_tab = n + 16
    n_acc = ((n // (NS * 8)) + 1) * NS * 8
    k_steps = 2 * (-(-e // (NW * C * 2)))
    e_pad = NW * C * k_steps

    wt = W_w.T
    b2 = W_b.reshape(1, DH)
    eye8 = jnp.eye(NUM_HEADS, dtype=jnp.float32)
    alw = (a_l[0][:, :, None] * eye8[None, :, :]).reshape(DH, NUM_HEADS)
    arw = (a_r[0][:, :, None] * eye8[None, :, :]).reshape(DH, NUM_HEADS)
    tile8 = jnp.tile(eye8, (1, OUT_SIZE))

    row = edge_index[0].astype(jnp.int32)
    col = edge_index[1].astype(jnp.int32)
    ar = jnp.arange(e_pad - e, dtype=jnp.int32)
    pad_rows = n + ar % (n_acc - n)
    pad_cols = n + ar % (n_tab - n)
    rowp = jnp.concatenate([row, pad_rows]).reshape(NW, k_steps, C)
    colp = jnp.concatenate([col, pad_cols]).reshape(NW, k_steps, C)

    te, lrow, g = pl.pallas_call(
        _stage1_body,
        out_shape=(
            jax.ShapeDtypeStruct((n_tab, ROW_W), jnp.float32),
            jax.ShapeDtypeStruct((n_tab, 2 * NUM_HEADS), jnp.float32),
            jax.ShapeDtypeStruct((1, 2 * NUM_HEADS), jnp.float32),
        ),
    )(Z, wt, b2, alw, arw)

    sc_edges = _make_sc_edge_kernel(n_tab, n_acc, e_pad, k_steps)
    s2 = sc_edges(rowp, colp, lrow, te, g)

    blk = 2000
    out128 = pl.pallas_call(
        _stage3_body,
        grid=(n // blk,),
        in_specs=[
            pl.BlockSpec((2, blk, ROW_W), lambda i: (0, i, 0)),
            pl.BlockSpec((NUM_HEADS, DH), lambda i: (0, 0)),
        ],
        out_specs=pl.BlockSpec((blk, DH), lambda i: (i, 0)),
        out_shape=jax.ShapeDtypeStruct((n, DH), jnp.float32),
    )(s2, tile8)

    return out128.reshape(n, OUT_SIZE, NUM_HEADS)

# --- scband reference (transcript-rebuilt; emitter-appended) ---
"""Pipeline reference for scband-gatconv-86131274154633 (READ-ONLY COPY).

The authoritative reference and input builder live on the scoring server;
editing this copy changes nothing except your own understanding.
"""

import jax, jax.numpy as jnp
import numpy as np

N = 10000
E_RAND = 320000
IN_SIZE = 128
OUT_SIZE = 16
NUM_HEADS = 8


def setup_inputs(seed: int = 0) -> dict:
    key = jax.random.key(seed)
    k1, k2, k3, k4, k5 = jax.random.split(key, 5)
    Z = jax.random.normal(k1, (N, IN_SIZE), dtype=jnp.float32)
    ei_rand = jax.random.randint(k2, (2, E_RAND), 0, N)
    ar = jnp.arange(N)
    edge_index = jnp.concatenate([ei_rand, jnp.stack([ar, ar])], axis=1)  # A_hat = A + I
    gain = np.sqrt(2.0)
    W_w = jax.random.normal(k3, (OUT_SIZE * NUM_HEADS, IN_SIZE), dtype=jnp.float32) * (gain * np.sqrt(2.0 / (IN_SIZE + OUT_SIZE * NUM_HEADS)))
    W_b = jnp.zeros((OUT_SIZE * NUM_HEADS,), dtype=jnp.float32)
    a_l = jax.random.normal(k4, (1, OUT_SIZE, NUM_HEADS), dtype=jnp.float32) * (gain * np.sqrt(2.0 / (OUT_SIZE + NUM_HEADS)))
    a_r = jax.random.normal(k5, (1, OUT_SIZE, NUM_HEADS), dtype=jnp.float32) * (gain * np.sqrt(2.0 / (OUT_SIZE + NUM_HEADS)))
    return {"Z": Z, "edge_index": edge_index, "W_w": W_w, "W_b": W_b, "a_l": a_l, "a_r": a_r}


def reference(Z, edge_index, W_w, W_b, a_l, a_r):
    row = edge_index[0]
    col = edge_index[1]
    n = Z.shape[0]
    # dropout is identity (p=0.0 / eval)
    h = (Z @ W_w.T + W_b).reshape(n, OUT_SIZE, NUM_HEADS)
    e_l = (h * a_l).sum(axis=1)  # [N, H]
    e_r = (h * a_r).sum(axis=1)  # [N, H]
    e = e_l[row] + e_r[col]      # [E, H]
    a = jax.nn.leaky_relu(e, negative_slope=0.01)
    # sparse softmax per row (dglsp.softmax along last sparse dim)
    a_max = jax.ops.segment_max(a, row, num_segments=n)
    a_exp = jnp.exp(a - a_max[row])
    denom = jax.ops.segment_sum(a_exp, row, num_segments=n)
    attn = a_exp / denom[row]    # [E, H]
    # bspmm: out[i,:,h] = sum_{e:(i->j)} attn[e,h] * Zh[j,:,h]
    msg = attn[:, None, :] * h[col]  # [E, D, H]
    out = jax.ops.segment_sum(msg, row, num_segments=n)
    return out

if __name__ == "__main__":
    import jax
    _d = setup_inputs()
    print(jax.jit(kernel)(*tuple(_d.values())))

</pallas_src>

<mosaic_0001>
#map = affine_map<(d0, d1) -> (0, 0, 0)>
#map1 = affine_map<(d0, d1) -> (0, 0)>
module attributes {stable_mosaic.version = 14 : i64} {
  func.func @sc_edges(%arg0: i32, %arg1: i32, %arg2: memref<32x94x112xi32, #tpu.memory_space<hbm>>, %arg3: memref<32x94x112xi32, #tpu.memory_space<hbm>>, %arg4: memref<10016x16xf32, #tpu.memory_space<hbm>>, %arg5: memref<10016x144xf32, #tpu.memory_space<hbm>>, %arg6: memref<1x16xf32, #tpu.memory_space<hbm>>, %arg7: memref<2x10112x144xf32, #tpu.memory_space<hbm>>, %arg8: memref<2x2x112xi32, #tpu.memory_space<vmem>>, %arg9: memref<2x112xi32, #tpu.memory_space<vmem>>, %arg10: memref<2x112x16xf32, #tpu.memory_space<vmem>>, %arg11: memref<2x112x144xf32, #tpu.memory_space<vmem>>, %arg12: memref<16xf32, #tpu.memory_space<vmem>>, %arg13: memref<10112x144xf32, #tpu.memory_space<vmem_shared>>, %arg14: memref<!tpu.dma_semaphore, #tpu.memory_space<semaphore_mem>>, %arg15: memref<!tpu.dma_semaphore, #tpu.memory_space<semaphore_mem>>, %arg16: memref<!tpu.dma_semaphore, #tpu.memory_space<semaphore_mem>>, %arg17: memref<!tpu.dma_semaphore, #tpu.memory_space<semaphore_mem>>, %arg18: memref<!tpu.dma_semaphore, #tpu.memory_space<semaphore_mem>>, %arg19: memref<!tpu.dma_semaphore, #tpu.memory_space<semaphore_mem>>) attributes {dimension_semantics = [#tpu.dimension_semantics<core_parallel>, #tpu.dimension_semantics<subcore_parallel>], iteration_bounds = array<i64: 2, 16>, scalar_prefetch = 0 : i64, scratch_operands = 12 : i64, tpu.core_type = #tpu.core_type<sc_vector_subcore>, window_params = [{transform_indices = #map}, {transform_indices = #map}, {transform_indices = #map1}, {transform_indices = #map1}, {transform_indices = #map1}, {transform_indices = #map}]} {
    %mul3A = arith.constant 16 : i32
    %mul3A_0 = arith.muli %arg0, %mul3A : i32
    %add3A = arith.addi %mul3A_0, %arg1 : i32
    %broadcast_in_dim3A = arith.constant 0.000000e+00 : f32
    %broadcast_in_dim3A_1 = vector.broadcast %broadcast_in_dim3A : f32 to vector<16xf32>
    %scan3A = arith.constant 0 : i32
    %scan3A_2 = arith.constant 112 : i32
    %scan3A_3 = arith.addi %scan3A, %scan3A_2 : i32
    %scan3A_4 = arith.constant 1 : i32
    scf.for %scan3A_165 = %scan3A to %scan3A_3 step %scan3A_4  : i32 {
      %mul3A_166 = arith.constant 1 : i32
      %mul3A_167 = arith.muli %scan3A_165, %mul3A_166 : i32
      %add3A_168 = arith.constant 0 : i32
      %add3A_169 = arith.addi %add3A_168, %mul3A_167 : i32
      %swap3A = arith.constant 0 : i32
      %swap3A_170 = arith.index_cast %swap3A : i32 to index
      %swap3A_171 = arith.index_cast %add3A_169 : i32 to index
      %swap3A_172 = arith.constant 0 : index
      %swap3A_173 = tpu.vector_load %arg11[%swap3A_170, %swap3A_171, %swap3A_172] {strides = array<i32>} : memref<2x112x144xf32, #tpu.memory_space<vmem>>, vector<1x1x16xf32>,
      %swap3A_174 = vector.shape_cast %swap3A_173 : vector<1x1x16xf32> to vector<16xf32>
      %swap3A_175 = vector.shape_cast %broadcast_in_dim3A_1 : vector<16xf32> to vector<1x1x16xf32>
      tpu.vector_store %arg11[%swap3A_170, %swap3A_171, %swap3A_172], %swap3A_175 {strides = array<i32>} : memref<2x112x144xf32, #tpu.memory_space<vmem>>, vector<1x1x16xf32>,
      %swap3A_176 = arith.constant 0 : i32
      %swap3A_177 = arith.index_cast %swap3A_176 : i32 to index
      %swap3A_178 = arith.index_cast %add3A_169 : i32 to index
      %swap3A_179 = arith.constant 16 : index
      %swap3A_180 = tpu.vector_load %arg11[%swap3A_177, %swap3A_178, %swap3A_179] {strides = array<i32>} : memref<2x112x144xf32, #tpu.memory_space<vmem>>, vector<1x1x16xf32>,
      %swap3A_181 = vector.shape_cast %swap3A_180 : vector<1x1x16xf32> to vector<16xf32>
      %swap3A_182 = vector.shape_cast %broadcast_in_dim3A_1 : vector<16xf32> to vector<1x1x16xf32>
      tpu.vector_store %arg11[%swap3A_177, %swap3A_178, %swap3A_179], %swap3A_182 {strides = array<i32>} : memref<2x112x144xf32, #tpu.memory_space<vmem>>, vector<1x1x16xf32>,
      %swap3A_183 = arith.constant 0 : i32
      %swap3A_184 = arith.index_cast %swap3A_183 : i32 to index
      %swap3A_185 = arith.index_cast %add3A_169 : i32 to index
      %swap3A_186 = arith.constant 32 : index
      %swap3A_187 = tpu.vector_load %arg11[%swap3A_184, %swap3A_185, %swap3A_186] {strides = array<i32>} : memref<2x112x144xf32, #tpu.memory_space<vmem>>, vector<1x1x16xf32>,
      %swap3A_188 = vector.shape_cast %swap3A_187 : vector<1x1x16xf32> to vector<16xf32>
      %swap3A_189 = vector.shape_cast %broadcast_in_dim3A_1 : vector<16xf32> to vector<1x1x16xf32>
      tpu.vector_store %arg11[%swap3A_184, %swap3A_185, %swap3A_186], %swap3A_189 {strides = array<i32>} : memref<2x112x144xf32, #tpu.memory_space<vmem>>, vector<1x1x16xf32>,
      %swap3A_190 = arith.constant 0 : i32
      %swap3A_191 = arith.index_cast %swap3A_190 : i32 to index
      %swap3A_192 = arith.index_cast %add3A_169 : i32 to index
      %swap3A_193 = arith.constant 48 : index
      %swap3A_194 = tpu.vector_load %arg11[%swap3A_191, %swap3A_192, %swap3A_193] {strides = array<i32>} : memref<2x112x144xf32, #tpu.memory_space<vmem>>, vector<1x1x16xf32>,
      %swap3A_195 = vector.shape_cast %swap3A_194 : vector<1x1x16xf32> to vector<16xf32>
      %swap3A_196 = vector.shape_cast %broadcast_in_dim3A_1 : vector<16xf32> to vector<1x1x16xf32>
      tpu.vector_store %arg11[%swap3A_191, %swap3A_192, %swap3A_193], %swap3A_196 {strides = array<i32>} : memref<2x112x144xf32, #tpu.memory_space<vmem>>, vector<1x1x16xf32>,
      %swap3A_197 = arith.constant 0 : i32
      %swap3A_198 = arith.index_cast %swap3A_197 : i32 to index
      %swap3A_199 = arith.index_cast %add3A_169 : i32 to index
      %swap3A_200 = arith.constant 64 : index
      %swap3A_201 = tpu.vector_load %arg11[%swap3A_198, %swap3A_199, %swap3A_200] {strides = array<i32>} : memref<2x112x144xf32, #tpu.memory_space<vmem>>, vector<1x1x16xf32>,
      %swap3A_202 = vector.shape_cast %swap3A_201 : vector<1x1x16xf32> to vector<16xf32>
      %swap3A_203 = vector.shape_cast %broadcast_in_dim3A_1 : vector<16xf32> to vector<1x1x16xf32>
      tpu.vector_store %arg11[%swap3A_198, %swap3A_199, %swap3A_200], %swap3A_203 {strides = array<i32>} : memref<2x112x144xf32, #tpu.memory_space<vmem>>, vector<1x1x16xf32>,
      %swap3A_204 = arith.constant 0 : i32
      %swap3A_205 = arith.index_cast %swap3A_204 : i32 to index
      %swap3A_206 = arith.index_cast %add3A_169 : i32 to index
      %swap3A_207 = arith.constant 80 : index
      %swap3A_208 = tpu.vector_load %arg11[%swap3A_205, %swap3A_206, %swap3A_207] {strides = array<i32>} : memref<2x112x144xf32, #tpu.memory_space<vmem>>, vector<1x1x16xf32>,
      %swap3A_209 = vector.shape_cast %swap3A_208 : vector<1x1x16xf32> to vector<16xf32>
      %swap3A_210 = vector.shape_cast %broadcast_in_dim3A_1 : vector<16xf32> to vector<1x1x16xf32>
      tpu.vector_store %arg11[%swap3A_205, %swap3A_206, %swap3A_207], %swap3A_210 {strides = array<i32>} : memref<2x112x144xf32, #tpu.memory_space<vmem>>, vector<1x1x16xf32>,
      %swap3A_211 = arith.constant 0 : i32
      %swap3A_212 = arith.index_cast %swap3A_211 : i32 to index
      %swap3A_213 = arith.index_cast %add3A_169 : i32 to index
      %swap3A_214 = arith.constant 96 : index
      %swap3A_215 = tpu.vector_load %arg11[%swap3A_212, %swap3A_213, %swap3A_214] {strides = array<i32>} : memref<2x112x144xf32, #tpu.memory_space<vmem>>, vector<1x1x16xf32>,
      %swap3A_216 = vector.shape_cast %swap3A_215 : vector<1x1x16xf32> to vector<16xf32>
      %swap3A_217 = vector.shape_cast %broadcast_in_dim3A_1 : vector<16xf32> to vector<1x1x16xf32>
      tpu.vector_store %arg11[%swap3A_212, %swap3A_213, %swap3A_214], %swap3A_217 {strides = array<i32>} : memref<2x112x144xf32, #tpu.memory_space<vmem>>, vector<1x1x16xf32>,
      %swap3A_218 = arith.constant 0 : i32
      %swap3A_219 = arith.index_cast %swap3A_218 : i32 to index
      %swap3A_220 = arith.index_cast %add3A_169 : i32 to index
      %swap3A_221 = arith.constant 112 : index
      %swap3A_222 = tpu.vector_load %arg11[%swap3A_219, %swap3A_220, %swap3A_221] {strides = array<i32>} : memref<2x112x144xf32, #tpu.memory_space<vmem>>, vector<1x1x16xf32>,
      %swap3A_223 = vector.shape_cast %swap3A_222 : vector<1x1x16xf32> to vector<16xf32>
      %swap3A_224 = vector.shape_cast %broadcast_in_dim3A_1 : vector<16xf32> to vector<1x1x16xf32>
      tpu.vector_store %arg11[%swap3A_219, %swap3A_220, %swap3A_221], %swap3A_224 {strides = array<i32>} : memref<2x112x144xf32, #tpu.memory_space<vmem>>, vector<1x1x16xf32>,
      %swap3A_225 = arith.constant 0 : i32
      %swap3A_226 = arith.index_cast %swap3A_225 : i32 to index
      %swap3A_227 = arith.index_cast %add3A_169 : i32 to index
      %swap3A_228 = arith.constant 128 : index
      %swap3A_229 = tpu.vector_load %arg11[%swap3A_226, %swap3A_227, %swap3A_228] {strides = array<i32>} : memref<2x112x144xf32, #tpu.memory_space<vmem>>, vector<1x1x16xf32>,
      %swap3A_230 = vector.shape_cast %swap3A_229 : vector<1x1x16xf32> to vector<16xf32>
      %swap3A_231 = vector.shape_cast %broadcast_in_dim3A_1 : vector<16xf32> to vector<1x1x16xf32>
      tpu.vector_store %arg11[%swap3A_226, %swap3A_227, %swap3A_228], %swap3A_231 {strides = array<i32>} : memref<2x112x144xf32, #tpu.memory_space<vmem>>, vector<1x1x16xf32>,
    }
    %scan3A_5 = arith.constant 112 : i32
    %mul3A_6 = arith.constant 632 : i32
    %mul3A_7 = arith.muli %arg1, %mul3A_6 : i32
    %add3A_8 = arith.constant 0 : i32
    %add3A_9 = arith.addi %mul3A_7, %add3A_8 : i32
    %run_scoped3A = arith.constant 0 : i32
    "tpu.region"() ({
      %run_scoped3A_165 = tpu.sem_alloc : memref<!tpu.dma_semaphore, #tpu.memory_space<semaphore_mem>>
      %dma_start3A_166 = arith.constant 0 : i32
      %dma_start3A_167 = arith.constant 0 : i32
      %dma_start3A_168 = tpu.memref_slice %arg11[%run_scoped3A, %dma_start3A_166, %dma_start3A_167] : memref<2x112x144xf32, #tpu.memory_space<vmem>> -> memref<1x112x144xf32, #tpu.memory_space<vmem>>
      %dma_start3A_169 = tpu.memref_squeeze %dma_start3A_168 : memref<1x112x144xf32, #tpu.memory_space<vmem>> -> memref<112x144xf32, #tpu.memory_space<vmem>>
      %dma_start3A_170 = arith.constant 0 : i32
      %dma_start3A_171 = tpu.memref_slice %arg13[%add3A_9, %dma_start3A_170] : memref<10112x144xf32, #tpu.memory_space<vmem_shared>> -> memref<112x144xf32, #tpu.memory_space<vmem_shared>>
      %dma_start3A_172 = arith.constant 0 : i32
      %dma_start3A_173 = tpu.memref_slice %arg13[%add3A_9, %dma_start3A_172] : memref<10112x144xf32, #tpu.memory_space<vmem_shared>> -> memref<112x144xf32, #tpu.memory_space<vmem_shared>>
      %dma_start3A_174 = arith.constant 0 : i32
      %dma_start3A_175 = arith.constant 0 : i32
      %dma_start3A_176 = tpu.memref_slice %arg11[%run_scoped3A, %dma_start3A_174, %dma_start3A_175] : memref<2x112x144xf32, #tpu.memory_space<vmem>> -> memref<1x112x144xf32, #tpu.memory_space<vmem>>
      %dma_start3A_177 = tpu.memref_squeeze %dma_start3A_176 : memref<1x112x144xf32, #tpu.memory_space<vmem>> -> memref<112x144xf32, #tpu.memory_space<vmem>>
      tpu.enqueue_dma source(%dma_start3A_177 : memref<112x144xf32, #tpu.memory_space<vmem>>) target(%dma_start3A_173 : memref<112x144xf32, #tpu.memory_space<vmem_shared>>) target_semaphore(%run_scoped3A_165 : memref<!tpu.dma_semaphore, #tpu.memory_space<semaphore_mem>>)
      %dma_wait3A_178 = arith.constant 0 : i32
      %dma_wait3A_179 = arith.constant 0 : i32
      %dma_wait3A_180 = tpu.memref_slice %arg11[%run_scoped3A, %dma_wait3A_178, %dma_wait3A_179] : memref<2x112x144xf32, #tpu.memory_space<vmem>> -> memref<1x112x144xf32, #tpu.memory_space<vmem>>
      %dma_wait3A_181 = tpu.memref_squeeze %dma_wait3A_180 : memref<1x112x144xf32, #tpu.memory_space<vmem>> -> memref<112x144xf32, #tpu.memory_space<vmem>>
      %dma_wait3A_182 = arith.constant 0 : i32
      %dma_wait3A_183 = tpu.memref_slice %arg13[%add3A_9, %dma_wait3A_182] : memref<10112x144xf32, #tpu.memory_space<vmem_shared>> -> memref<112x144xf32, #tpu.memory_space<vmem_shared>>
      %dma_wait3A_184 = arith.constant 0 : i32
      %dma_wait3A_185 = tpu.memref_slice %arg13[%add3A_9, %dma_wait3A_184] : memref<10112x144xf32, #tpu.memory_space<vmem_shared>> -> memref<112x144xf32, #tpu.memory_space<vmem_shared>>
      %dma_wait3A_186 = arith.constant 0 : i32
      %dma_wait3A_187 = arith.constant 0 : i32
      %dma_wait3A_188 = tpu.memref_slice %arg11[%run_scoped3A, %dma_wait3A_186, %dma_wait3A_187] : memref<2x112x144xf32, #tpu.memory_space<vmem>> -> memref<1x112x144xf32, #tpu.memory_space<vmem>>
      %dma_wait3A_189 = tpu.memref_squeeze %dma_wait3A_188 : memref<1x112x144xf32, #tpu.memory_space<vmem>> -> memref<112x144xf32, #tpu.memory_space<vmem>>
      tpu.wait_dma2 semaphore(%run_scoped3A_165 : memref<!tpu.dma_semaphore, #tpu.memory_space<semaphore_mem>>) src(%dma_wait3A_189 : memref<112x144xf32, #tpu.memory_space<vmem>>) dst(%dma_wait3A_185 : memref<112x144xf32, #tpu.memory_space<vmem_shared>>)
      tpu.yield
    }) : () -> ()
    %add3A_10 = arith.constant 112 : i32
    %add3A_11 = arith.addi %mul3A_7, %add3A_10 : i32
    %run_scoped3A_12 = arith.constant 0 : i32
    "tpu.region"() ({
      %run_scoped3A_165 = tpu.sem_alloc : memref<!tpu.dma_semaphore, #tpu.memory_space<semaphore_mem>>
      %dma_start3A_166 = arith.constant 0 : i32
      %dma_start3A_167 = arith.constant 0 : i32
      %dma_start3A_168 = tpu.memref_slice %arg11[%run_scoped3A_12, %dma_start3A_166, %dma_start3A_167] : memref<2x112x144xf32, #tpu.memory_space<vmem>> -> memref<1x112x144xf32, #tpu.memory_space<vmem>>
      %dma_start3A_169 = tpu.memref_squeeze %dma_start3A_168 : memref<1x112x144xf32, #tpu.memory_space<vmem>> -> memref<112x144xf32, #tpu.memory_space<vmem>>
      %dma_start3A_170 = arith.constant 0 : i32
      %dma_start3A_171 = tpu.memref_slice %arg13[%add3A_11, %dma_start3A_170] : memref<10112x144xf32, #tpu.memory_space<vmem_shared>> -> memref<112x144xf32, #tpu.memory_space<vmem_shared>>
      %dma_start3A_172 = arith.constant 0 : i32
      %dma_start3A_173 = tpu.memref_slice %arg13[%add3A_11, %dma_start3A_172] : memref<10112x144xf32, #tpu.memory_space<vmem_shared>> -> memref<112x144xf32, #tpu.memory_space<vmem_shared>>
      %dma_start3A_174 = arith.constant 0 : i32
      %dma_start3A_175 = arith.constant 0 : i32
      %dma_start3A_176 = tpu.memref_slice %arg11[%run_scoped3A_12, %dma_start3A_174, %dma_start3A_175] : memref<2x112x144xf32, #tpu.memory_space<vmem>> -> memref<1x112x144xf32, #tpu.memory_space<vmem>>
      %dma_start3A_177 = tpu.memref_squeeze %dma_start3A_176 : memref<1x112x144xf32, #tpu.memory_space<vmem>> -> memref<112x144xf32, #tpu.memory_space<vmem>>
      tpu.enqueue_dma source(%dma_start3A_177 : memref<112x144xf32, #tpu.memory_space<vmem>>) target(%dma_start3A_173 : memref<112x144xf32, #tpu.memory_space<vmem_shared>>) target_semaphore(%run_scoped3A_165 : memref<!tpu.dma_semaphore, #tpu.memory_space<semaphore_mem>>)
      %dma_wait3A_178 = arith.constant 0 : i32
      %dma_wait3A_179 = arith.constant 0 : i32
      %dma_wait3A_180 = tpu.memref_slice %arg11[%run_scoped3A_12, %dma_wait3A_178, %dma_wait3A_179] : memref<2x112x144xf32, #tpu.memory_space<vmem>> -> memref<1x112x144xf32, #tpu.memory_space<vmem>>
      %dma_wait3A_181 = tpu.memref_squeeze %dma_wait3A_180 : memref<1x112x144xf32, #tpu.memory_space<vmem>> -> memref<112x144xf32, #tpu.memory_space<vmem>>
      %dma_wait3A_182 = arith.constant 0 : i32
      %dma_wait3A_183 = tpu.memref_slice %arg13[%add3A_11, %dma_wait3A_182] : memref<10112x144xf32, #tpu.memory_space<vmem_shared>> -> memref<112x144xf32, #tpu.memory_space<vmem_shared>>
      %dma_wait3A_184 = arith.constant 0 : i32
      %dma_wait3A_185 = tpu.memref_slice %arg13[%add3A_11, %dma_wait3A_184] : memref<10112x144xf32, #tpu.memory_space<vmem_shared>> -> memref<112x144xf32, #tpu.memory_space<vmem_shared>>
      %dma_wait3A_186 = arith.constant 0 : i32
      %dma_wait3A_187 = arith.constant 0 : i32
      %dma_wait3A_188 = tpu.memref_slice %arg11[%run_scoped3A_12, %dma_wait3A_186, %dma_wait3A_187] : memref<2x112x144xf32, #tpu.memory_space<vmem>> -> memref<1x112x144xf32, #tpu.memory_space<vmem>>
      %dma_wait3A_189 = tpu.memref_squeeze %dma_wait3A_188 : memref<1x112x144xf32, #tpu.memory_space<vmem>> -> memref<112x144xf32, #tpu.memory_space<vmem>>
      tpu.wait_dma2 semaphore(%run_scoped3A_165 : memref<!tpu.dma_semaphore, #tpu.memory_space<semaphore_mem>>) src(%dma_wait3A_189 : memref<112x144xf32, #tpu.memory_space<vmem>>) dst(%dma_wait3A_185 : memref<112x144xf32, #tpu.memory_space<vmem_shared>>)
      tpu.yield
    }) : () -> ()
    %add3A_13 = arith.constant 224 : i32
    %add3A_14 = arith.addi %mul3A_7, %add3A_13 : i32
    %run_scoped3A_15 = arith.constant 0 : i32
    "tpu.region"() ({
      %run_scoped3A_165 = tpu.sem_alloc : memref<!tpu.dma_semaphore, #tpu.memory_space<semaphore_mem>>
      %dma_start3A_166 = arith.constant 0 : i32
      %dma_start3A_167 = arith.constant 0 : i32
      %dma_start3A_168 = tpu.memref_slice %arg11[%run_scoped3A_15, %dma_start3A_166, %dma_start3A_167] : memref<2x112x144xf32, #tpu.memory_space<vmem>> -> memref<1x112x144xf32, #tpu.memory_space<vmem>>
      %dma_start3A_169 = tpu.memref_squeeze %dma_start3A_168 : memref<1x112x144xf32, #tpu.memory_space<vmem>> -> memref<112x144xf32, #tpu.memory_space<vmem>>
      %dma_start3A_170 = arith.constant 0 : i32
      %dma_start3A_171 = tpu.memref_slice %arg13[%add3A_14, %dma_start3A_170] : memref<10112x144xf32, #tpu.memory_space<vmem_shared>> -> memref<112x144xf32, #tpu.memory_space<vmem_shared>>
      %dma_start3A_172 = arith.constant 0 : i32
      %dma_start3A_173 = tpu.memref_slice %arg13[%add3A_14, %dma_start3A_172] : memref<10112x144xf32, #tpu.memory_space<vmem_shared>> -> memref<112x144xf32, #tpu.memory_space<vmem_shared>>
      %dma_start3A_174 = arith.constant 0 : i32
      %dma_start3A_175 = arith.constant 0 : i32
      %dma_start3A_176 = tpu.memref_slice %arg11[%run_scoped3A_15, %dma_start3A_174, %dma_start3A_175] : memref<2x112x144xf32, #tpu.memory_space<vmem>> -> memref<1x112x144xf32, #tpu.memory_space<vmem>>
      %dma_start3A_177 = tpu.memref_squeeze %dma_start3A_176 : memref<1x112x144xf32, #tpu.memory_space<vmem>> -> memref<112x144xf32, #tpu.memory_space<vmem>>
      tpu.enqueue_dma source(%dma_start3A_177 : memref<112x144xf32, #tpu.memory_space<vmem>>) target(%dma_start3A_173 : memref<112x144xf32, #tpu.memory_space<vmem_shared>>) target_semaphore(%run_scoped3A_165 : memref<!tpu.dma_semaphore, #tpu.memory_space<semaphore_mem>>)
      %dma_wait3A_178 = arith.constant 0 : i32
      %dma_wait3A_179 = arith.constant 0 : i32
      %dma_wait3A_180 = tpu.memref_slice %arg11[%run_scoped3A_15, %dma_wait3A_178, %dma_wait3A_179] : memref<2x112x144xf32, #tpu.memory_space<vmem>> -> memref<1x112x144xf32, #tpu.memory_space<vmem>>
      %dma_wait3A_181 = tpu.memref_squeeze %dma_wait3A_180 : memref<1x112x144xf32, #tpu.memory_space<vmem>> -> memref<112x144xf32, #tpu.memory_space<vmem>>
      %dma_wait3A_182 = arith.constant 0 : i32
      %dma_wait3A_183 = tpu.memref_slice %arg13[%add3A_14, %dma_wait3A_182] : memref<10112x144xf32, #tpu.memory_space<vmem_shared>> -> memref<112x144xf32, #tpu.memory_space<vmem_shared>>
      %dma_wait3A_184 = arith.constant 0 : i32
      %dma_wait3A_185 = tpu.memref_slice %arg13[%add3A_14, %dma_wait3A_184] : memref<10112x144xf32, #tpu.memory_space<vmem_shared>> -> memref<112x144xf32, #tpu.memory_space<vmem_shared>>
      %dma_wait3A_186 = arith.constant 0 : i32
      %dma_wait3A_187 = arith.constant 0 : i32
      %dma_wait3A_188 = tpu.memref_slice %arg11[%run_scoped3A_15, %dma_wait3A_186, %dma_wait3A_187] : memref<2x112x144xf32, #tpu.memory_space<vmem>> -> memref<1x112x144xf32, #tpu.memory_space<vmem>>
      %dma_wait3A_189 = tpu.memref_squeeze %dma_wait3A_188 : memref<1x112x144xf32, #tpu.memory_space<vmem>> -> memref<112x144xf32, #tpu.memory_space<vmem>>
      tpu.wait_dma2 semaphore(%run_scoped3A_165 : memref<!tpu.dma_semaphore, #tpu.memory_space<semaphore_mem>>) src(%dma_wait3A_189 : memref<112x144xf32, #tpu.memory_space<vmem>>) dst(%dma_wait3A_185 : memref<112x144xf32, #tpu.memory_space<vmem_shared>>)
      tpu.yield
    }) : () -> ()
    %add3A_16 = arith.constant 336 : i32
    %add3A_17 = arith.addi %mul3A_7, %add3A_16 : i32
    %run_scoped3A_18 = arith.constant 0 : i32
    "tpu.region"() ({
      %run_scoped3A_165 = tpu.sem_alloc : memref<!tpu.dma_semaphore, #tpu.memory_space<semaphore_mem>>
      %dma_start3A_166 = arith.constant 0 : i32
      %dma_start3A_167 = arith.constant 0 : i32
      %dma_start3A_168 = tpu.memref_slice %arg11[%run_scoped3A_18, %dma_start3A_166, %dma_start3A_167] : memref<2x112x144xf32, #tpu.memory_space<vmem>> -> memref<1x112x144xf32, #tpu.memory_space<vmem>>
      %dma_start3A_169 = tpu.memref_squeeze %dma_start3A_168 : memref<1x112x144xf32, #tpu.memory_space<vmem>> -> memref<112x144xf32, #tpu.memory_space<vmem>>
      %dma_start3A_170 = arith.constant 0 : i32
      %dma_start3A_171 = tpu.memref_slice %arg13[%add3A_17, %dma_start3A_170] : memref<10112x144xf32, #tpu.memory_space<vmem_shared>> -> memref<112x144xf32, #tpu.memory_space<vmem_shared>>
      %dma_start3A_172 = arith.constant 0 : i32
      %dma_start3A_173 = tpu.memref_slice %arg13[%add3A_17, %dma_start3A_172] : memref<10112x144xf32, #tpu.memory_space<vmem_shared>> -> memref<112x144xf32, #tpu.memory_space<vmem_shared>>
      %dma_start3A_174 = arith.constant 0 : i32
      %dma_start3A_175 = arith.constant 0 : i32
      %dma_start3A_176 = tpu.memref_slice %arg11[%run_scoped3A_18, %dma_start3A_174, %dma_start3A_175] : memref<2x112x144xf32, #tpu.memory_space<vmem>> -> memref<1x112x144xf32, #tpu.memory_space<vmem>>
      %dma_start3A_177 = tpu.memref_squeeze %dma_start3A_176 : memref<1x112x144xf32, #tpu.memory_space<vmem>> -> memref<112x144xf32, #tpu.memory_space<vmem>>
      tpu.enqueue_dma source(%dma_start3A_177 : memref<112x144xf32, #tpu.memory_space<vmem>>) target(%dma_start3A_173 : memref<112x144xf32, #tpu.memory_space<vmem_shared>>) target_semaphore(%run_scoped3A_165 : memref<!tpu.dma_semaphore, #tpu.memory_space<semaphore_mem>>)
      %dma_wait3A_178 = arith.constant 0 : i32
      %dma_wait3A_179 = arith.constant 0 : i32
      %dma_wait3A_180 = tpu.memref_slice %arg11[%run_scoped3A_18, %dma_wait3A_178, %dma_wait3A_179] : memref<2x112x144xf32, #tpu.memory_space<vmem>> -> memref<1x112x144xf32, #tpu.memory_space<vmem>>
      %dma_wait3A_181 = tpu.memref_squeeze %dma_wait3A_180 : memref<1x112x144xf32, #tpu.memory_space<vmem>> -> memref<112x144xf32, #tpu.memory_space<vmem>>
      %dma_wait3A_182 = arith.constant 0 : i32
      %dma_wait3A_183 = tpu.memref_slice %arg13[%add3A_17, %dma_wait3A_182] : memref<10112x144xf32, #tpu.memory_space<vmem_shared>> -> memref<112x144xf32, #tpu.memory_space<vmem_shared>>
      %dma_wait3A_184 = arith.constant 0 : i32
      %dma_wait3A_185 = tpu.memref_slice %arg13[%add3A_17, %dma_wait3A_184] : memref<10112x144xf32, #tpu.memory_space<vmem_shared>> -> memref<112x144xf32, #tpu.memory_space<vmem_shared>>
      %dma_wait3A_186 = arith.constant 0 : i32
      %dma_wait3A_187 = arith.constant 0 : i32
      %dma_wait3A_188 = tpu.memref_slice %arg11[%run_scoped3A_18, %dma_wait3A_186, %dma_wait3A_187] : memref<2x112x144xf32, #tpu.memory_space<vmem>> -> memref<1x112x144xf32, #tpu.memory_space<vmem>>
      %dma_wait3A_189 = tpu.memref_squeeze %dma_wait3A_188 : memref<1x112x144xf32, #tpu.memory_space<vmem>> -> memref<112x144xf32, #tpu.memory_space<vmem>>
      tpu.wait_dma2 semaphore(%run_scoped3A_165 : memref<!tpu.dma_semaphore, #tpu.memory_space<semaphore_mem>>) src(%dma_wait3A_189 : memref<112x144xf32, #tpu.memory_space<vmem>>) dst(%dma_wait3A_185 : memref<112x144xf32, #tpu.memory_space<vmem_shared>>)
      tpu.yield
    }) : () -> ()
    %add3A_19 = arith.constant 448 : i32
    %add3A_20 = arith.addi %mul3A_7, %add3A_19 : i32
    %run_scoped3A_21 = arith.constant 0 : i32
    "tpu.region"() ({
      %run_scoped3A_165 = tpu.sem_alloc : memref<!tpu.dma_semaphore, #tpu.memory_space<semaphore_mem>>
      %dma_start3A_166 = arith.constant 0 : i32
      %dma_start3A_167 = arith.constant 0 : i32
      %dma_start3A_168 = tpu.memref_slice %arg11[%run_scoped3A_21, %dma_start3A_166, %dma_start3A_167] : memref<2x112x144xf32, #tpu.memory_space<vmem>> -> memref<1x112x144xf32, #tpu.memory_space<vmem>>
      %dma_start3A_169 = tpu.memref_squeeze %dma_start3A_168 : memref<1x112x144xf32, #tpu.memory_space<vmem>> -> memref<112x144xf32, #tpu.memory_space<vmem>>
      %dma_start3A_170 = arith.constant 0 : i32
      %dma_start3A_171 = tpu.memref_slice %arg13[%add3A_20, %dma_start3A_170] : memref<10112x144xf32, #tpu.memory_space<vmem_shared>> -> memref<112x144xf32, #tpu.memory_space<vmem_shared>>
      %dma_start3A_172 = arith.constant 0 : i32
      %dma_start3A_173 = tpu.memref_slice %arg13[%add3A_20, %dma_start3A_172] : memref<10112x144xf32, #tpu.memory_space<vmem_shared>> -> memref<112x144xf32, #tpu.memory_space<vmem_shared>>
      %dma_start3A_174 = arith.constant 0 : i32
      %dma_start3A_175 = arith.constant 0 : i32
      %dma_start3A_176 = tpu.memref_slice %arg11[%run_scoped3A_21, %dma_start3A_174, %dma_start3A_175] : memref<2x112x144xf32, #tpu.memory_space<vmem>> -> memref<1x112x144xf32, #tpu.memory_space<vmem>>
      %dma_start3A_177 = tpu.memref_squeeze %dma_start3A_176 : memref<1x112x144xf32, #tpu.memory_space<vmem>> -> memref<112x144xf32, #tpu.memory_space<vmem>>
      tpu.enqueue_dma source(%dma_start3A_177 : memref<112x144xf32, #tpu.memory_space<vmem>>) target(%dma_start3A_173 : memref<112x144xf32, #tpu.memory_space<vmem_shared>>) target_semaphore(%run_scoped3A_165 : memref<!tpu.dma_semaphore, #tpu.memory_space<semaphore_mem>>)
      %dma_wait3A_178 = arith.constant 0 : i32
      %dma_wait3A_179 = arith.constant 0 : i32
      %dma_wait3A_180 = tpu.memref_slice %arg11[%run_scoped3A_21, %dma_wait3A_178, %dma_wait3A_179] : memref<2x112x144xf32, #tpu.memory_space<vmem>> -> memref<1x112x144xf32, #tpu.memory_space<vmem>>
      %dma_wait3A_181 = tpu.memref_squeeze %dma_wait3A_180 : memref<1x112x144xf32, #tpu.memory_space<vmem>> -> memref<112x144xf32, #tpu.memory_space<vmem>>
      %dma_wait3A_182 = arith.constant 0 : i32
      %dma_wait3A_183 = tpu.memref_slice %arg13[%add3A_20, %dma_wait3A_182] : memref<10112x144xf32, #tpu.memory_space<vmem_shared>> -> memref<112x144xf32, #tpu.memory_space<vmem_shared>>
      %dma_wait3A_184 = arith.constant 0 : i32
      %dma_wait3A_185 = tpu.memref_slice %arg13[%add3A_20, %dma_wait3A_184] : memref<10112x144xf32, #tpu.memory_space<vmem_shared>> -> memref<112x144xf32, #tpu.memory_space<vmem_shared>>
      %dma_wait3A_186 = arith.constant 0 : i32
      %dma_wait3A_187 = arith.constant 0 : i32
      %dma_wait3A_188 = tpu.memref_slice %arg11[%run_scoped3A_21, %dma_wait3A_186, %dma_wait3A_187] : memref<2x112x144xf32, #tpu.memory_space<vmem>> -> memref<1x112x144xf32, #tpu.memory_space<vmem>>
      %dma_wait3A_189 = tpu.memref_squeeze %dma_wait3A_188 : memref<1x112x144xf32, #tpu.memory_space<vmem>> -> memref<112x144xf32, #tpu.memory_space<vmem>>
      tpu.wait_dma2 semaphore(%run_scoped3A_165 : memref<!tpu.dma_semaphore, #tpu.memory_space<semaphore_mem>>) src(%dma_wait3A_189 : memref<112x144xf32, #tpu.memory_space<vmem>>) dst(%dma_wait3A_185 : memref<112x144xf32, #tpu.memory_space<vmem_shared>>)
      tpu.yield
    }) : () -> ()
    %add3A_22 = arith.constant 560 : i32
    %add3A_23 = arith.addi %mul3A_7, %add3A_22 : i32
    %run_scoped3A_24 = arith.constant 0 : i32
    "tpu.region"() ({
      %run_scoped3A_165 = tpu.sem_alloc : memref<!tpu.dma_semaphore, #tpu.memory_space<semaphore_mem>>
      %dma_start3A_166 = arith.constant 0 : i32
      %dma_start3A_167 = arith.constant 0 : i32
      %dma_start3A_168 = tpu.memref_slice %arg11[%run_scoped3A_24, %dma_start3A_166, %dma_start3A_167] : memref<2x112x144xf32, #tpu.memory_space<vmem>> -> memref<1x72x144xf32, #tpu.memory_space<vmem>>
      %dma_start3A_169 = tpu.memref_squeeze %dma_start3A_168 : memref<1x72x144xf32, #tpu.memory_space<vmem>> -> memref<72x144xf32, #tpu.memory_space<vmem>>
      %dma_start3A_170 = arith.constant 0 : i32
      %dma_start3A_171 = tpu.memref_slice %arg13[%add3A_23, %dma_start3A_170] : memref<10112x144xf32, #tpu.memory_space<vmem_shared>> -> memref<72x144xf32, #tpu.memory_space<vmem_shared>>
      %dma_start3A_172 = arith.constant 0 : i32
      %dma_start3A_173 = tpu.memref_slice %arg13[%add3A_23, %dma_start3A_172] : memref<10112x144xf32, #tpu.memory_space<vmem_shared>> -> memref<72x144xf32, #tpu.memory_space<vmem_shared>>
      %dma_start3A_174 = arith.constant 0 : i32
      %dma_start3A_175 = arith.constant 0 : i32
      %dma_start3A_176 = tpu.memref_slice %arg11[%run_scoped3A_24, %dma_start3A_174, %dma_start3A_175] : memref<2x112x144xf32, #tpu.memory_space<vmem>> -> memref<1x72x144xf32, #tpu.memory_space<vmem>>
      %dma_start3A_177 = tpu.memref_squeeze %dma_start3A_176 : memref<1x72x144xf32, #tpu.memory_space<vmem>> -> memref<72x144xf32, #tpu.memory_space<vmem>>
      tpu.enqueue_dma source(%dma_start3A_177 : memref<72x144xf32, #tpu.memory_space<vmem>>) target(%dma_start3A_173 : memref<72x144xf32, #tpu.memory_space<vmem_shared>>) target_semaphore(%run_scoped3A_165 : memref<!tpu.dma_semaphore, #tpu.memory_space<semaphore_mem>>)
      %dma_wait3A_178 = arith.constant 0 : i32
      %dma_wait3A_179 = arith.constant 0 : i32
      %dma_wait3A_180 = tpu.memref_slice %arg11[%run_scoped3A_24, %dma_wait3A_178, %dma_wait3A_179] : memref<2x112x144xf32, #tpu.memory_space<vmem>> -> memref<1x72x144xf32, #tpu.memory_space<vmem>>
      %dma_wait3A_181 = tpu.memref_squeeze %dma_wait3A_180 : memref<1x72x144xf32, #tpu.memory_space<vmem>> -> memref<72x144xf32, #tpu.memory_space<vmem>>
      %dma_wait3A_182 = arith.constant 0 : i32
      %dma_wait3A_183 = tpu.memref_slice %arg13[%add3A_23, %dma_wait3A_182] : memref<10112x144xf32, #tpu.memory_space<vmem_shared>> -> memref<72x144xf32, #tpu.memory_space<vmem_shared>>
      %dma_wait3A_184 = arith.constant 0 : i32
      %dma_wait3A_185 = tpu.memref_slice %arg13[%add3A_23, %dma_wait3A_184] : memref<10112x144xf32, #tpu.memory_space<vmem_shared>> -> memref<72x144xf32, #tpu.memory_space<vmem_shared>>
      %dma_wait3A_186 = arith.constant 0 : i32
      %dma_wait3A_187 = arith.constant 0 : i32
      %dma_wait3A_188 = tpu.memref_slice %arg11[%run_scoped3A_24, %dma_wait3A_186, %dma_wait3A_187] : memref<2x112x144xf32, #tpu.memory_space<vmem>> -> memref<1x72x144xf32, #tpu.memory_space<vmem>>
      %dma_wait3A_189 = tpu.memref_squeeze %dma_wait3A_188 : memref<1x72x144xf32, #tpu.memory_space<vmem>> -> memref<72x144xf32, #tpu.memory_space<vmem>>
      tpu.wait_dma2 semaphore(%run_scoped3A_165 : memref<!tpu.dma_semaphore, #tpu.memory_space<semaphore_mem>>) src(%dma_wait3A_189 : memref<72x144xf32, #tpu.memory_space<vmem>>) dst(%dma_wait3A_185 : memref<72x144xf32, #tpu.memory_space<vmem_shared>>)
      tpu.yield
    }) : () -> ()
    %run_scoped3A_25 = arith.constant 0 : i32
    "tpu.region"() ({
      %run_scoped3A_165 = tpu.sem_alloc : memref<!tpu.dma_semaphore, #tpu.memory_space<semaphore_mem>>
      %dma_start3A_166 = arith.constant 0 : i32
      %dma_start3A_167 = tpu.memref_slice %arg6[%run_scoped3A_25, %dma_start3A_166] : memref<1x16xf32, #tpu.memory_space<hbm>> -> memref<1x16xf32, #tpu.memory_space<hbm>>
      %dma_start3A_168 = tpu.memref_squeeze %dma_start3A_167 : memref<1x16xf32, #tpu.memory_space<hbm>> -> memref<16xf32, #tpu.memory_space<hbm>>
      %dma_start3A_169 = arith.constant 0 : i32
      %dma_start3A_170 = tpu.memref_slice %arg6[%run_scoped3A_25, %dma_start3A_169] : memref<1x16xf32, #tpu.memory_space<hbm>> -> memref<1x16xf32, #tpu.memory_space<hbm>>
      %dma_start3A_171 = tpu.memref_squeeze %dma_start3A_170 : memref<1x16xf32, #tpu.memory_space<hbm>> -> memref<16xf32, #tpu.memory_space<hbm>>
      tpu.enqueue_dma source(%dma_start3A_171 : memref<16xf32, #tpu.memory_space<hbm>>) target(%arg12 : memref<16xf32, #tpu.memory_space<vmem>>) target_semaphore(%run_scoped3A_165 : memref<!tpu.dma_semaphore, #tpu.memory_space<semaphore_mem>>)
      %dma_wait3A_172 = arith.constant 0 : i32
      %dma_wait3A_173 = tpu.memref_slice %arg6[%run_scoped3A_25, %dma_wait3A_172] : memref<1x16xf32, #tpu.memory_space<hbm>> -> memref<1x16xf32, #tpu.memory_space<hbm>>
      %dma_wait3A_174 = tpu.memref_squeeze %dma_wait3A_173 : memref<1x16xf32, #tpu.memory_space<hbm>> -> memref<16xf32, #tpu.memory_space<hbm>>
      %dma_wait3A_175 = arith.constant 0 : i32
      %dma_wait3A_176 = tpu.memref_slice %arg6[%run_scoped3A_25, %dma_wait3A_175] : memref<1x16xf32, #tpu.memory_space<hbm>> -> memref<1x16xf32, #tpu.memory_space<hbm>>
      %dma_wait3A_177 = tpu.memref_squeeze %dma_wait3A_176 : memref<1x16xf32, #tpu.memory_space<hbm>> -> memref<16xf32, #tpu.memory_space<hbm>>
      tpu.wait_dma2 semaphore(%run_scoped3A_165 : memref<!tpu.dma_semaphore, #tpu.memory_space<semaphore_mem>>) src(%dma_wait3A_177 : memref<16xf32, #tpu.memory_space<hbm>>) dst(%arg12 : memref<16xf32, #tpu.memory_space<vmem>>)
      tpu.yield
    }) : () -> ()
    %get3A = arith.constant 0 : index
    %get3A_26 = tpu.vector_load %arg12[%get3A] {strides = array<i32>} : memref<16xf32, #tpu.memory_space<vmem>>, vector<16xf32>,
    %get3A_27 = vector.shape_cast %get3A_26 : vector<16xf32> to vector<16xf32>
    %barrier3A = arith.constant 0 : index
    tpu.barrier barrier_id(%barrier3A)
    %dma_start3A = arith.constant 0 : i32
    %dma_start3A_28 = arith.constant 0 : i32
    %dma_start3A_29 = arith.constant 0 : i32
    %dma_start3A_30 = arith.constant 0 : i32
    %dma_start3A_31 = tpu.memref_slice %arg8[%dma_start3A_28, %dma_start3A_29, %dma_start3A_30] : memref<2x2x112xi32, #tpu.memory_space<vmem>> -> memref<1x1x112xi32, #tpu.memory_space<vmem>>
    %dma_start3A_32 = tpu.memref_squeeze %dma_start3A_31 : memref<1x1x112xi32, #tpu.memory_space<vmem>> -> memref<112xi32, #tpu.memory_space<vmem>>
    %dma_start3A_33 = arith.constant 0 : i32
    %dma_start3A_34 = tpu.memref_slice %arg2[%add3A, %dma_start3A, %dma_start3A_33] : memref<32x94x112xi32, #tpu.memory_space<hbm>> -> memref<1x1x112xi32, #tpu.memory_space<hbm>>
    %dma_start3A_35 = tpu.memref_squeeze %dma_start3A_34 : memref<1x1x112xi32, #tpu.memory_space<hbm>> -> memref<112xi32, #tpu.memory_space<hbm>>
    %dma_start3A_36 = arith.constant 0 : i32
    %dma_start3A_37 = tpu.memref_slice %arg8[%dma_start3A_28, %dma_start3A_29, %dma_start3A_36] : memref<2x2x112xi32, #tpu.memory_space<vmem>> -> memref<1x1x112xi32, #tpu.memory_space<vmem>>
    %dma_start3A_38 = tpu.memref_squeeze %dma_start3A_37 : memref<1x1x112xi32, #tpu.memory_space<vmem>> -> memref<112xi32, #tpu.memory_space<vmem>>
    %dma_start3A_39 = arith.constant 0 : i32
    %dma_start3A_40 = tpu.memref_slice %arg2[%add3A, %dma_start3A, %dma_start3A_39] : memref<32x94x112xi32, #tpu.memory_space<hbm>> -> memref<1x1x112xi32, #tpu.memory_space<hbm>>
    %dma_start3A_41 = tpu.memref_squeeze %dma_start3A_40 : memref<1x1x112xi32, #tpu.memory_space<hbm>> -> memref<112xi32, #tpu.memory_space<hbm>>
    tpu.enqueue_dma source(%dma_start3A_41 : memref<112xi32, #tpu.memory_space<hbm>>) target(%dma_start3A_38 : memref<112xi32, #tpu.memory_space<vmem>>) target_semaphore(%arg14 : memref<!tpu.dma_semaphore, #tpu.memory_space<semaphore_mem>>)
    %dma_start3A_42 = arith.constant 0 : i32
    %dma_start3A_43 = arith.constant 0 : i32
    %dma_start3A_44 = arith.constant 1 : i32
    %dma_start3A_45 = arith.constant 0 : i32
    %dma_start3A_46 = tpu.memref_slice %arg8[%dma_start3A_43, %dma_start3A_44, %dma_start3A_45] : memref<2x2x112xi32, #tpu.memory_space<vmem>> -> memref<1x1x112xi32, #tpu.memory_space<vmem>>
    %dma_start3A_47 = tpu.memref_squeeze %dma_start3A_46 : memref<1x1x112xi32, #tpu.memory_space<vmem>> -> memref<112xi32, #tpu.memory_space<vmem>>
    %dma_start3A_48 = arith.constant 0 : i32
    %dma_start3A_49 = tpu.memref_slice %arg3[%add3A, %dma_start3A_42, %dma_start3A_48] : memref<32x94x112xi32, #tpu.memory_space<hbm>> -> memref<1x1x112xi32, #tpu.memory_space<hbm>>
    %dma_start3A_50 = tpu.memref_squeeze %dma_start3A_49 : memref<1x1x112xi32, #tpu.memory_space<hbm>> -> memref<112xi32, #tpu.memory_space<hbm>>
    %dma_start3A_51 = arith.constant 0 : i32
    %dma_start3A_52 = tpu.memref_slice %arg8[%dma_start3A_43, %dma_start3A_44, %dma_start3A_51] : memref<2x2x112xi32, #tpu.memory_space<vmem>> -> memref<1x1x112xi32, #tpu.memory_space<vmem>>
    %dma_start3A_53 = tpu.memref_squeeze %dma_start3A_52 : memref<1x1x112xi32, #tpu.memory_space<vmem>> -> memref<112xi32, #tpu.memory_space<vmem>>
    %dma_start3A_54 = arith.constant 0 : i32
    %dma_start3A_55 = tpu.memref_slice %arg3[%add3A, %dma_start3A_42, %dma_start3A_54] : memref<32x94x112xi32, #tpu.memory_space<hbm>> -> memref<1x1x112xi32, #tpu.memory_space<hbm>>
    %dma_start3A_56 = tpu.memref_squeeze %dma_start3A_55 : memref<1x1x112xi32, #tpu.memory_space<hbm>> -> memref<112xi32, #tpu.memory_space<hbm>>
    tpu.enqueue_dma source(%dma_start3A_56 : memref<112xi32, #tpu.memory_space<hbm>>) target(%dma_start3A_53 : memref<112xi32, #tpu.memory_space<vmem>>) target_semaphore(%arg14 : memref<!tpu.dma_semaphore, #tpu.memory_space<semaphore_mem>>)
    %dma_start3A_57 = arith.constant 1 : i32
    %dma_start3A_58 = arith.constant 1 : i32
    %dma_start3A_59 = arith.constant 0 : i32
    %dma_start3A_60 = arith.constant 0 : i32
    %dma_start3A_61 = tpu.memref_slice %arg8[%dma_start3A_58, %dma_start3A_59, %dma_start3A_60] : memref<2x2x112xi32, #tpu.memory_space<vmem>> -> memref<1x1x112xi32, #tpu.memory_space<vmem>>
    %dma_start3A_62 = tpu.memref_squeeze %dma_start3A_61 : memref<1x1x112xi32, #tpu.memory_space<vmem>> -> memref<112xi32, #tpu.memory_space<vmem>>
    %dma_start3A_63 = arith.constant 0 : i32
    %dma_start3A_64 = tpu.memref_slice %arg2[%add3A, %dma_start3A_57, %dma_start3A_63] : memref<32x94x112xi32, #tpu.memory_space<hbm>> -> memref<1x1x112xi32, #tpu.memory_space<hbm>>
    %dma_start3A_65 = tpu.memref_squeeze %dma_start3A_64 : memref<1x1x112xi32, #tpu.memory_space<hbm>> -> memref<112xi32, #tpu.memory_space<hbm>>
    %dma_start3A_66 = arith.constant 0 : i32
    %dma_start3A_67 = tpu.memref_slice %arg8[%dma_start3A_58, %dma_start3A_59, %dma_start3A_66] : memref<2x2x112xi32, #tpu.memory_space<vmem>> -> memref<1x1x112xi32, #tpu.memory_space<vmem>>
    %dma_start3A_68 = tpu.memref_squeeze %dma_start3A_67 : memref<1x1x112xi32, #tpu.memory_space<vmem>> -> memref<112xi32, #tpu.memory_space<vmem>>
    %dma_start3A_69 = arith.constant 0 : i32
    %dma_start3A_70 = tpu.memref_slice %arg2[%add3A, %dma_start3A_57, %dma_start3A_69] : memref<32x94x112xi32, #tpu.memory_space<hbm>> -> memref<1x1x112xi32, #tpu.memory_space<hbm>>
    %dma_start3A_71 = tpu.memref_squeeze %dma_start3A_70 : memref<1x1x112xi32, #tpu.memory_space<hbm>> -> memref<112xi32, #tpu.memory_space<hbm>>
    tpu.enqueue_dma source(%dma_start3A_71 : memref<112xi32, #tpu.memory_space<hbm>>) target(%dma_start3A_68 : memref<112xi32, #tpu.memory_space<vmem>>) target_semaphore(%arg15 : memref<!tpu.dma_semaphore, #tpu.memory_space<semaphore_mem>>)
    %dma_start3A_72 = arith.constant 1 : i32
    %dma_start3A_73 = arith.constant 1 : i32
    %dma_start3A_74 = arith.constant 1 : i32
    %dma_start3A_75 = arith.constant 0 : i32
    %dma_start3A_76 = tpu.memref_slice %arg8[%dma_start3A_73, %dma_start3A_74, %dma_start3A_75] : memref<2x2x112xi32, #tpu.memory_space<vmem>> -> memref<1x1x112xi32, #tpu.memory_space<vmem>>
    %dma_start3A_77 = tpu.memref_squeeze %dma_start3A_76 : memref<1x1x112xi32, #tpu.memory_space<vmem>> -> memref<112xi32, #tpu.memory_space<vmem>>
    %dma_start3A_78 = arith.constant 0 : i32
    %dma_start3A_79 = tpu.memref_slice %arg3[%add3A, %dma_start3A_72, %dma_start3A_78] : memref<32x94x112xi32, #tpu.memory_space<hbm>> -> memref<1x1x112xi32, #tpu.memory_space<hbm>>
    %dma_start3A_80 = tpu.memref_squeeze %dma_start3A_79 : memref<1x1x112xi32, #tpu.memory_space<hbm>> -> memref<112xi32, #tpu.memory_space<hbm>>
    %dma_start3A_81 = arith.constant 0 : i32
    %dma_start3A_82 = tpu.memref_slice %arg8[%dma_start3A_73, %dma_start3A_74, %dma_start3A_81] : memref<2x2x112xi32, #tpu.memory_space<vmem>> -> memref<1x1x112xi32, #tpu.memory_space<vmem>>
    %dma_start3A_83 = tpu.memref_squeeze %dma_start3A_82 : memref<1x1x112xi32, #tpu.memory_space<vmem>> -> memref<112xi32, #tpu.memory_space<vmem>>
    %dma_start3A_84 = arith.constant 0 : i32
    %dma_start3A_85 = tpu.memref_slice %arg3[%add3A, %dma_start3A_72, %dma_start3A_84] : memref<32x94x112xi32, #tpu.memory_space<hbm>> -> memref<1x1x112xi32, #tpu.memory_space<hbm>>
    %dma_start3A_86 = tpu.memref_squeeze %dma_start3A_85 : memref<1x1x112xi32, #tpu.memory_space<hbm>> -> memref<112xi32, #tpu.memory_space<hbm>>
    tpu.enqueue_dma source(%dma_start3A_86 : memref<112xi32, #tpu.memory_space<hbm>>) target(%dma_start3A_83 : memref<112xi32, #tpu.memory_space<vmem>>) target_semaphore(%arg15 : memref<!tpu.dma_semaphore, #tpu.memory_space<semaphore_mem>>)
    %dma_wait3A = arith.constant 0 : i32
    %dma_wait3A_87 = arith.constant 0 : i32
    %dma_wait3A_88 = arith.constant 0 : i32
    %dma_wait3A_89 = arith.constant 0 : i32
    %dma_wait3A_90 = arith.constant 0 : i32
    %dma_wait3A_91 = tpu.memref_slice %arg8[%dma_wait3A_88, %dma_wait3A_89, %dma_wait3A_90] : memref<2x2x112xi32, #tpu.memory_space<vmem>> -> memref<1x1x112xi32, #tpu.memory_space<vmem>>
    %dma_wait3A_92 = tpu.memref_squeeze %dma_wait3A_91 : memref<1x1x112xi32, #tpu.memory_space<vmem>> -> memref<112xi32, #tpu.memory_space<vmem>>
    %dma_wait3A_93 = arith.constant 0 : i32
    %dma_wait3A_94 = tpu.memref_slice %arg2[%dma_wait3A, %dma_wait3A_87, %dma_wait3A_93] : memref<32x94x112xi32, #tpu.memory_space<hbm>> -> memref<1x1x112xi32, #tpu.memory_space<hbm>>
    %dma_wait3A_95 = tpu.memref_squeeze %dma_wait3A_94 : memref<1x1x112xi32, #tpu.memory_space<hbm>> -> memref<112xi32, #tpu.memory_space<hbm>>
    %dma_wait3A_96 = arith.constant 0 : i32
    %dma_wait3A_97 = tpu.memref_slice %arg8[%dma_wait3A_88, %dma_wait3A_89, %dma_wait3A_96] : memref<2x2x112xi32, #tpu.memory_space<vmem>> -> memref<1x1x112xi32, #tpu.memory_space<vmem>>
    %dma_wait3A_98 = tpu.memref_squeeze %dma_wait3A_97 : memref<1x1x112xi32, #tpu.memory_space<vmem>> -> memref<112xi32, #tpu.memory_space<vmem>>
    %dma_wait3A_99 = arith.constant 0 : i32
    %dma_wait3A_100 = tpu.memref_slice %arg2[%dma_wait3A, %dma_wait3A_87, %dma_wait3A_99] : memref<32x94x112xi32, #tpu.memory_space<hbm>> -> memref<1x1x112xi32, #tpu.memory_space<hbm>>
    %dma_wait3A_101 = tpu.memref_squeeze %dma_wait3A_100 : memref<1x1x112xi32, #tpu.memory_space<hbm>> -> memref<112xi32, #tpu.memory_space<hbm>>
    tpu.wait_dma2 semaphore(%arg14 : memref<!tpu.dma_semaphore, #tpu.memory_space<semaphore_mem>>) src(%dma_wait3A_101 : memref<112xi32, #tpu.memory_space<hbm>>) dst(%dma_wait3A_98 : memref<112xi32, #tpu.memory_space<vmem>>)
    %dma_wait3A_102 = arith.constant 0 : i32
    %dma_wait3A_103 = arith.constant 0 : i32
    %dma_wait3A_104 = arith.constant 0 : i32
    %dma_wait3A_105 = arith.constant 1 : i32
    %dma_wait3A_106 = arith.constant 0 : i32
    %dma_wait3A_107 = tpu.memref_slice %arg8[%dma_wait3A_104, %dma_wait3A_105, %dma_wait3A_106] : memref<2x2x112xi32, #tpu.memory_space<vmem>> -> memref<1x1x112xi32, #tpu.memory_space<vmem>>
    %dma_wait3A_108 = tpu.memref_squeeze %dma_wait3A_107 : memref<1x1x112xi32, #tpu.memory_space<vmem>> -> memref<112xi32, #tpu.memory_space<vmem>>
    %dma_wait3A_109 = arith.constant 0 : i32
    %dma_wait3A_110 = tpu.memref_slice %arg3[%dma_wait3A_102, %dma_wait3A_103, %dma_wait3A_109] : memref<32x94x112xi32, #tpu.memory_space<hbm>> -> memref<1x1x112xi32, #tpu.memory_space<hbm>>
    %dma_wait3A_111 = tpu.memref_squeeze %dma_wait3A_110 : memref<1x1x112xi32, #tpu.memory_space<hbm>> -> memref<112xi32, #tpu.memory_space<hbm>>
    %dma_wait3A_112 = arith.constant 0 : i32
    %dma_wait3A_113 = tpu.memref_slice %arg8[%dma_wait3A_104, %dma_wait3A_105, %dma_wait3A_112] : memref<2x2x112xi32, #tpu.memory_space<vmem>> -> memref<1x1x112xi32, #tpu.memory_space<vmem>>
    %dma_wait3A_114 = tpu.memref_squeeze %dma_wait3A_113 : memref<1x1x112xi32, #tpu.memory_space<vmem>> -> memref<112xi32, #tpu.memory_space<vmem>>
    %dma_wait3A_115 = arith.constant 0 : i32
    %dma_wait3A_116 = tpu.memref_slice %arg3[%dma_wait3A_102, %dma_wait3A_103, %dma_wait3A_115] : memref<32x94x112xi32, #tpu.memory_space<hbm>> -> memref<1x1x112xi32, #tpu.memory_space<hbm>>
    %dma_wait3A_117 = tpu.memref_squeeze %dma_wait3A_116 : memref<1x1x112xi32, #tpu.memory_space<hbm>> -> memref<112xi32, #tpu.memory_space<hbm>>
    tpu.wait_dma2 semaphore(%arg14 : memref<!tpu.dma_semaphore, #tpu.memory_space<semaphore_mem>>) src(%dma_wait3A_117 : memref<112xi32, #tpu.memory_space<hbm>>) dst(%dma_wait3A_114 : memref<112xi32, #tpu.memory_space<vmem>>)
    %dma_start3A_118 = arith.constant 0 : i32
    %dma_start3A_119 = arith.constant 0 : i32
    %dma_start3A_120 = arith.constant 0 : i32
    %dma_start3A_121 = arith.constant 0 : i32
    %dma_start3A_122 = arith.constant 0 : i32
    %dma_start3A_123 = tpu.memref_slice %arg10[%dma_start3A_120, %dma_start3A_121, %dma_start3A_122] : memref<2x112x16xf32, #tpu.memory_space<vmem>> -> memref<1x112x16xf32, #tpu.memory_space<vmem>>
    %dma_start3A_124 = tpu.memref_squeeze %dma_start3A_123 : memref<1x112x16xf32, #tpu.memory_space<vmem>> -> memref<112x16xf32, #tpu.memory_space<vmem>>
    %dma_start3A_125 = arith.constant 0 : i32
    %dma_start3A_126 = tpu.memref_slice %arg8[%dma_start3A_118, %dma_start3A_119, %dma_start3A_125] : memref<2x2x112xi32, #tpu.memory_space<vmem>> -> memref<1x1x112xi32, #tpu.memory_space<vmem>>
    %dma_start3A_127 = tpu.memref_squeeze %dma_start3A_126 : memref<1x1x112xi32, #tpu.memory_space<vmem>> -> memref<112xi32, #tpu.memory_space<vmem>>
    %dma_start3A_128 = arith.constant 0 : i32
    %dma_start3A_129 = arith.constant 0 : i32
    %dma_start3A_130 = tpu.memref_slice %arg4[%dma_start3A_128, %dma_start3A_129] : memref<10016x16xf32, #tpu.memory_space<hbm>> -> memref<10016x16xf32, #tpu.memory_space<hbm>>
    tpu.enqueue_indirect_dma source(%dma_start3A_130 : memref<10016x16xf32, #tpu.memory_space<hbm>>) target(%dma_start3A_124 : memref<112x16xf32, #tpu.memory_space<vmem>>) offsets(%dma_start3A_127 : memref<112xi32, #tpu.memory_space<vmem>>) semaphore(%arg16 : memref<!tpu.dma_semaphore, #tpu.memory_space<semaphore_mem>>)
    %dma_start3A_131 = arith.constant 0 : i32
    %dma_start3A_132 = arith.constant 1 : i32
    %dma_start3A_133 = arith.constant 0 : i32
    %dma_start3A_134 = arith.constant 0 : i32
    %dma_start3A_135 = arith.constant 0 : i32
    %dma_start3A_136 = tpu.memref_slice %arg11[%dma_start3A_133, %dma_start3A_134, %dma_start3A_135] : memref<2x112x144xf32, #tpu.memory_space<vmem>> -> memref<1x112x144xf32, #tpu.memory_space<vmem>>
    %dma_start3A_137 = tpu.memref_squeeze %dma_start3A_136 : memref<1x112x144xf32, #tpu.memory_space<vmem>> -> memref<112x144xf32, #tpu.memory_space<vmem>>
    %dma_start3A_138 = arith.constant 0 : i32
    %dma_start3A_139 = tpu.memref_slice %arg8[%dma_start3A_131, %dma_start3A_132, %dma_start3A_138] : memref<2x2x112xi32, #tpu.memory_space<vmem>> -> memref<1x1x112xi32, #tpu.memory_space<vmem>>
    %dma_start3A_140 = tpu.memref_squeeze %dma_start3A_139 : memref<1x1x112xi32, #tpu.memory_space<vmem>> -> memref<112xi32, #tpu.memory_space<vmem>>
    %dma_start3A_141 = arith.constant 0 : i32
    %dma_start3A_142 = arith.constant 0 : i32
    %dma_start3A_143 = tpu.memref_slice %arg5[%dma_start3A_141, %dma_start3A_142] : memref<10016x144xf32, #tpu.memory_space<hbm>> -> memref<10016x144xf32, #tpu.memory_space<hbm>>
    tpu.enqueue_indirect_dma source(%dma_start3A_143 : memref<10016x144xf32, #tpu.memory_space<hbm>>) target(%dma_start3A_137 : memref<112x144xf32, #tpu.memory_space<vmem>>) offsets(%dma_start3A_140 : memref<112xi32, #tpu.memory_space<vmem>>) semaphore(%arg16 : memref<!tpu.dma_semaphore, #tpu.memory_space<semaphore_mem>>)
    %scan3A_144 = arith.constant 0 : i32
    %scan3A_145 = arith.constant 47 : i32
    %scan3A_146 = arith.addi %scan3A_144, %scan3A_145 : i32
    %scan3A_147 = arith.constant 1 : i32
    scf.for %scan3A_165 = %scan3A_144 to %scan3A_146 step %scan3A_147  : i32 {
      %mul3A_166 = arith.constant 1 : i32
      %mul3A_167 = arith.muli %scan3A_165, %mul3A_166 : i32
      %add3A_168 = arith.constant 0 : i32
      %add3A_169 = arith.addi %add3A_168, %mul3A_167 : i32
      %mul3A_170 = arith.constant 2 : i32
      %mul3A_171 = arith.muli %add3A_169, %mul3A_170 : i32
      %add3A_172 = arith.constant 0 : i32
      %add3A_173 = arith.addi %mul3A_171, %add3A_172 : i32
      %dma_wait3A_174 = arith.constant 0 : i32
      %dma_wait3A_175 = arith.constant 0 : i32
      %dma_wait3A_176 = arith.constant 0 : i32
      %dma_wait3A_177 = tpu.memref_slice %arg10[%dma_wait3A_174, %dma_wait3A_175, %dma_wait3A_176] : memref<2x112x16xf32, #tpu.memory_space<vmem>> -> memref<1x112x16xf32, #tpu.memory_space<vmem>>
      %dma_wait3A_178 = tpu.memref_squeeze %dma_wait3A_177 : memref<1x112x16xf32, #tpu.memory_space<vmem>> -> memref<112x16xf32, #tpu.memory_space<vmem>>
      %dma_wait3A_179 = arith.constant 0 : i32
      %dma_wait3A_180 = arith.constant 0 : i32
      %dma_wait3A_181 = tpu.memref_slice %arg4[%dma_wait3A_179, %dma_wait3A_180] : memref<10016x16xf32, #tpu.memory_space<hbm>> -> memref<112x16xf32, #tpu.memory_space<hbm>>
      %dma_wait3A_182 = arith.constant 0 : i32
      %dma_wait3A_183 = arith.constant 0 : i32
      %dma_wait3A_184 = tpu.memref_slice %arg10[%dma_wait3A_174, %dma_wait3A_182, %dma_wait3A_183] : memref<2x112x16xf32, #tpu.memory_space<vmem>> -> memref<1x112x16xf32, #tpu.memory_space<vmem>>
      %dma_wait3A_185 = tpu.memref_squeeze %dma_wait3A_184 : memref<1x112x16xf32, #tpu.memory_space<vmem>> -> memref<112x16xf32, #tpu.memory_space<vmem>>
      %dma_wait3A_186 = arith.constant 0 : i32
      %dma_wait3A_187 = arith.constant 0 : i32
      %dma_wait3A_188 = tpu.memref_slice %arg4[%dma_wait3A_186, %dma_wait3A_187] : memref<10016x16xf32, #tpu.memory_space<hbm>> -> memref<112x16xf32, #tpu.memory_space<hbm>>
      tpu.wait_dma2 semaphore(%arg16 : memref<!tpu.dma_semaphore, #tpu.memory_space<semaphore_mem>>) src(%dma_wait3A_188 : memref<112x16xf32, #tpu.memory_space<hbm>>) dst(%dma_wait3A_185 : memref<112x16xf32, #tpu.memory_space<vmem>>)
      %dma_wait3A_189 = arith.constant 0 : i32
      %dma_wait3A_190 = arith.constant 0 : i32
      %dma_wait3A_191 = arith.constant 0 : i32
      %dma_wait3A_192 = tpu.memref_slice %arg11[%dma_wait3A_189, %dma_wait3A_190, %dma_wait3A_191] : memref<2x112x144xf32, #tpu.memory_space<vmem>> -> memref<1x112x144xf32, #tpu.memory_space<vmem>>
      %dma_wait3A_193 = tpu.memref_squeeze %dma_wait3A_192 : memref<1x112x144xf32, #tpu.memory_space<vmem>> -> memref<112x144xf32, #tpu.memory_space<vmem>>
      %dma_wait3A_194 = arith.constant 0 : i32
      %dma_wait3A_195 = arith.constant 0 : i32
      %dma_wait3A_196 = tpu.memref_slice %arg5[%dma_wait3A_194, %dma_wait3A_195] : memref<10016x144xf32, #tpu.memory_space<hbm>> -> memref<112x144xf32, #tpu.memory_space<hbm>>
      %dma_wait3A_197 = arith.constant 0 : i32
      %dma_wait3A_198 = arith.constant 0 : i32
      %dma_wait3A_199 = tpu.memref_slice %arg11[%dma_wait3A_189, %dma_wait3A_197, %dma_wait3A_198] : memref<2x112x144xf32, #tpu.memory_space<vmem>> -> memref<1x112x144xf32, #tpu.memory_space<vmem>>
      %dma_wait3A_200 = tpu.memref_squeeze %dma_wait3A_199 : memref<1x112x144xf32, #tpu.memory_space<vmem>> -> memref<112x144xf32, #tpu.memory_space<vmem>>
      %dma_wait3A_201 = arith.constant 0 : i32
      %dma_wait3A_202 = arith.constant 0 : i32
      %dma_wait3A_203 = tpu.memref_slice %arg5[%dma_wait3A_201, %dma_wait3A_202] : memref<10016x144xf32, #tpu.memory_space<hbm>> -> memref<112x144xf32, #tpu.memory_space<hbm>>
      tpu.wait_dma2 semaphore(%arg16 : memref<!tpu.dma_semaphore, #tpu.memory_space<semaphore_mem>>) src(%dma_wait3A_203 : memref<112x144xf32, #tpu.memory_space<hbm>>) dst(%dma_wait3A_200 : memref<112x144xf32, #tpu.memory_space<vmem>>)
      %ge3A = arith.constant 1 : i32
      %ge3A_204 = arith.cmpi sge, %add3A_173, %ge3A : i32
      %convert_element_type3A = arith.extui %ge3A_204 : i1 to i32
      %cond3A = arith.constant 0 : i32
      %cond3A_205 = arith.cmpi ne, %convert_element_type3A, %cond3A : i32
      scf.if %cond3A_205 {
        %dma_wait3A_487 = arith.constant 1 : i32
        %dma_wait3A_488 = arith.constant 0 : i32
        %dma_wait3A_489 = arith.constant 0 : i32
        %dma_wait3A_490 = tpu.memref_slice %arg11[%dma_wait3A_487, %dma_wait3A_488, %dma_wait3A_489] : memref<2x112x144xf32, #tpu.memory_space<vmem>> -> memref<1x112x144xf32, #tpu.memory_space<vmem>>
        %dma_wait3A_491 = tpu.memref_squeeze %dma_wait3A_490 : memref<1x112x144xf32, #tpu.memory_space<vmem>> -> memref<112x144xf32, #tpu.memory_space<vmem>>
        %dma_wait3A_492 = arith.constant 0 : i32
        %dma_wait3A_493 = arith.constant 0 : i32
        %dma_wait3A_494 = tpu.memref_slice %arg13[%dma_wait3A_492, %dma_wait3A_493] : memref<10112x144xf32, #tpu.memory_space<vmem_shared>> -> memref<112x144xf32, #tpu.memory_space<vmem_shared>>
        %dma_wait3A_495 = arith.constant 0 : i32
        %dma_wait3A_496 = arith.constant 0 : i32
        %dma_wait3A_497 = tpu.memref_slice %arg13[%dma_wait3A_495, %dma_wait3A_496] : memref<10112x144xf32, #tpu.memory_space<vmem_shared>> -> memref<112x144xf32, #tpu.memory_space<vmem_shared>>
        %dma_wait3A_498 = arith.constant 0 : i32
        %dma_wait3A_499 = arith.constant 0 : i32
        %dma_wait3A_500 = tpu.memref_slice %arg11[%dma_wait3A_487, %dma_wait3A_498, %dma_wait3A_499] : memref<2x112x144xf32, #tpu.memory_space<vmem>> -> memref<1x112x144xf32, #tpu.memory_space<vmem>>
        %dma_wait3A_501 = tpu.memref_squeeze %dma_wait3A_500 : memref<1x112x144xf32, #tpu.memory_space<vmem>> -> memref<112x144xf32, #tpu.memory_space<vmem>>
        tpu.wait_dma2 semaphore(%arg19 : memref<!tpu.dma_semaphore, #tpu.memory_space<semaphore_mem>>) src(%dma_wait3A_501 : memref<112x144xf32, #tpu.memory_space<vmem>>) dst(%dma_wait3A_497 : memref<112x144xf32, #tpu.memory_space<vmem_shared>>)
      } else {
      }
      %get3A_206 = arith.constant 0 : i32
      %get3A_207 = arith.constant 0 : i32
      %get3A_208 = arith.index_cast %get3A_206 : i32 to index
      %get3A_209 = arith.index_cast %get3A_207 : i32 to index
      %get3A_210 = arith.constant 0 : index
      %get3A_211 = tpu.vector_load %arg8[%get3A_208, %get3A_209, %get3A_210] {strides = array<i32>} : memref<2x2x112xi32, #tpu.memory_space<vmem>>, vector<1x1x16xi32>,
      %get3A_212 = vector.shape_cast %get3A_211 : vector<1x1x16xi32> to vector<16xi32>
      %swap3A = arith.constant 0 : i32
      %swap3A_213 = arith.index_cast %swap3A : i32 to index
      %swap3A_214 = arith.constant 0 : index
      %swap3A_215 = tpu.vector_load %arg9[%swap3A_213, %swap3A_214] {strides = array<i32>} : memref<2x112xi32, #tpu.memory_space<vmem>>, vector<1x16xi32>,
      %swap3A_216 = vector.shape_cast %swap3A_215 : vector<1x16xi32> to vector<16xi32>
      %swap3A_217 = vector.shape_cast %get3A_212 : vector<16xi32> to vector<1x16xi32>
      tpu.vector_store %arg9[%swap3A_213, %swap3A_214], %swap3A_217 {strides = array<i32>} : memref<2x112xi32, #tpu.memory_space<vmem>>, vector<1x16xi32>,
      %get3A_218 = arith.constant 0 : i32
      %get3A_219 = arith.constant 0 : i32
      %get3A_220 = arith.index_cast %get3A_218 : i32 to index
      %get3A_221 = arith.index_cast %get3A_219 : i32 to index
      %get3A_222 = arith.constant 16 : index
      %get3A_223 = tpu.vector_load %arg8[%get3A_220, %get3A_221, %get3A_222] {strides = array<i32>} : memref<2x2x112xi32, #tpu.memory_space<vmem>>, vector<1x1x16xi32>,
      %get3A_224 = vector.shape_cast %get3A_223 : vector<1x1x16xi32> to vector<16xi32>
      %swap3A_225 = arith.constant 0 : i32
      %swap3A_226 = arith.index_cast %swap3A_225 : i32 to index
      %swap3A_227 = arith.constant 16 : index
      %swap3A_228 = tpu.vector_load %arg9[%swap3A_226, %swap3A_227] {strides = array<i32>} : memref<2x112xi32, #tpu.memory_space<vmem>>, vector<1x16xi32>,
      %swap3A_229 = vector.shape_cast %swap3A_228 : vector<1x16xi32> to vector<16xi32>
      %swap3A_230 = vector.shape_cast %get3A_224 : vector<16xi32> to vector<1x16xi32>
      tpu.vector_store %arg9[%swap3A_226, %swap3A_227], %swap3A_230 {strides = array<i32>} : memref<2x112xi32, #tpu.memory_space<vmem>>, vector<1x16xi32>,
      %get3A_231 = arith.constant 0 : i32
      %get3A_232 = arith.constant 0 : i32
      %get3A_233 = arith.index_cast %get3A_231 : i32 to index
      %get3A_234 = arith.index_cast %get3A_232 : i32 to index
      %get3A_235 = arith.constant 32 : index
      %get3A_236 = tpu.vector_load %arg8[%get3A_233, %get3A_234, %get3A_235] {strides = array<i32>} : memref<2x2x112xi32, #tpu.memory_space<vmem>>, vector<1x1x16xi32>,
      %get3A_237 = vector.shape_cast %get3A_236 : vector<1x1x16xi32> to vector<16xi32>
      %swap3A_238 = arith.constant 0 : i32
      %swap3A_239 = arith.index_cast %swap3A_238 : i32 to index
      %swap3A_240 = arith.constant 32 : index
      %swap3A_241 = tpu.vector_load %arg9[%swap3A_239, %swap3A_240] {strides = array<i32>} : memref<2x112xi32, #tpu.memory_space<vmem>>, vector<1x16xi32>,
      %swap3A_242 = vector.shape_cast %swap3A_241 : vector<1x16xi32> to vector<16xi32>
      %swap3A_243 = vector.shape_cast %get3A_237 : vector<16xi32> to vector<1x16xi32>
      tpu.vector_store %arg9[%swap3A_239, %swap3A_240], %swap3A_243 {strides = array<i32>} : memref<2x112xi32, #tpu.memory_space<vmem>>, vector<1x16xi32>,
      %get3A_244 = arith.constant 0 : i32
      %get3A_245 = arith.constant 0 : i32
      %get3A_246 = arith.index_cast %get3A_244 : i32 to index
      %get3A_247 = arith.index_cast %get3A_245 : i32 to index
      %get3A_248 = arith.constant 48 : index
      %get3A_249 = tpu.vector_load %arg8[%get3A_246, %get3A_247, %get3A_248] {strides = array<i32>} : memref<2x2x112xi32, #tpu.memory_space<vmem>>, vector<1x1x16xi32>,
      %get3A_250 = vector.shape_cast %get3A_249 : vector<1x1x16xi32> to vector<16xi32>
      %swap3A_251 = arith.constant 0 : i32
      %swap3A_252 = arith.index_cast %swap3A_251 : i32 to index
      %swap3A_253 = arith.constant 48 : index
      %swap3A_254 = tpu.vector_load %arg9[%swap3A_252, %swap3A_253] {strides = array<i32>} : memref<2x112xi32, #tpu.memory_space<vmem>>, vector<1x16xi32>,
      %swap3A_255 = vector.shape_cast %swap3A_254 : vector<1x16xi32> to vector<16xi32>
      %swap3A_256 = vector.shape_cast %get3A_250 : vector<16xi32> to vector<1x16xi32>
      tpu.vector_store %arg9[%swap3A_252, %swap3A_253], %swap3A_256 {strides = array<i32>} : memref<2x112xi32, #tpu.memory_space<vmem>>, vector<1x16xi32>,
      %get3A_257 = arith.constant 0 : i32
      %get3A_258 = arith.constant 0 : i32
      %get3A_259 = arith.index_cast %get3A_257 : i32 to index
      %get3A_260 = arith.index_cast %get3A_258 : i32 to index
      %get3A_261 = arith.constant 64 : index
      %get3A_262 = tpu.vector_load %arg8[%get3A_259, %get3A_260, %get3A_261] {strides = array<i32>} : memref<2x2x112xi32, #tpu.memory_space<vmem>>, vector<1x1x16xi32>,
      %get3A_263 = vector.shape_cast %get3A_262 : vector<1x1x16xi32> to vector<16xi32>
      %swap3A_264 = arith.constant 0 : i32
      %swap3A_265 = arith.index_cast %swap3A_264 : i32 to index
      %swap3A_266 = arith.constant 64 : index
      %swap3A_267 = tpu.vector_load %arg9[%swap3A_265, %swap3A_266] {strides = array<i32>} : memref<2x112xi32, #tpu.memory_space<vmem>>, vector<1x16xi32>,
      %swap3A_268 = vector.shape_cast %swap3A_267 : vector<1x16xi32> to vector<16xi32>
      %swap3A_269 = vector.shape_cast %get3A_263 : vector<16xi32> to vector<1x16xi32>
      tpu.vector_store %arg9[%swap3A_265, %swap3A_266], %swap3A_269 {strides = array<i32>} : memref<2x112xi32, #tpu.memory_space<vmem>>, vector<1x16xi32>,
      %get3A_270 = arith.constant 0 : i32
      %get3A_271 = arith.constant 0 : i32
      %get3A_272 = arith.index_cast %get3A_270 : i32 to index
      %get3A_273 = arith.index_cast %get3A_271 : i32 to index
      %get3A_274 = arith.constant 80 : index
      %get3A_275 = tpu.vector_load %arg8[%get3A_272, %get3A_273, %get3A_274] {strides = array<i32>} : memref<2x2x112xi32, #tpu.memory_space<vmem>>, vector<1x1x16xi32>,
      %get3A_276 = vector.shape_cast %get3A_275 : vector<1x1x16xi32> to vector<16xi32>
      %swap3A_277 = arith.constant 0 : i32
      %swap3A_278 = arith.index_cast %swap3A_277 : i32 to index
      %swap3A_279 = arith.constant 80 : index
      %swap3A_280 = tpu.vector_load %arg9[%swap3A_278, %swap3A_279] {strides = array<i32>} : memref<2x112xi32, #tpu.memory_space<vmem>>, vector<1x16xi32>,
      %swap3A_281 = vector.shape_cast %swap3A_280 : vector<1x16xi32> to vector<16xi32>
      %swap3A_282 = vector.shape_cast %get3A_276 : vector<16xi32> to vector<1x16xi32>
      tpu.vector_store %arg9[%swap3A_278, %swap3A_279], %swap3A_282 {strides = array<i32>} : memref<2x112xi32, #tpu.memory_space<vmem>>, vector<1x16xi32>,
      %get3A_283 = arith.constant 0 : i32
      %get3A_284 = arith.constant 0 : i32
      %get3A_285 = arith.index_cast %get3A_283 : i32 to index
      %get3A_286 = arith.index_cast %get3A_284 : i32 to index
      %get3A_287 = arith.constant 96 : index
      %get3A_288 = tpu.vector_load %arg8[%get3A_285, %get3A_286, %get3A_287] {strides = array<i32>} : memref<2x2x112xi32, #tpu.memory_space<vmem>>, vector<1x1x16xi32>,
      %get3A_289 = vector.shape_cast %get3A_288 : vector<1x1x16xi32> to vector<16xi32>
      %swap3A_290 = arith.constant 0 : i32
      %swap3A_291 = arith.index_cast %swap3A_290 : i32 to index
      %swap3A_292 = arith.constant 96 : index
      %swap3A_293 = tpu.vector_load %arg9[%swap3A_291, %swap3A_292] {strides = array<i32>} : memref<2x112xi32, #tpu.memory_space<vmem>>, vector<1x16xi32>,
      %swap3A_294 = vector.shape_cast %swap3A_293 : vector<1x16xi32> to vector<16xi32>
      %swap3A_295 = vector.shape_cast %get3A_289 : vector<16xi32> to vector<1x16xi32>
      tpu.vector_store %arg9[%swap3A_291, %swap3A_292], %swap3A_295 {strides = array<i32>} : memref<2x112xi32, #tpu.memory_space<vmem>>, vector<1x16xi32>,
      %add3A_296 = arith.constant 2 : i32
      %add3A_297 = arith.addi %add3A_173, %add3A_296 : i32
      %lt3A = arith.constant 94 : i32
      %lt3A_298 = arith.cmpi slt, %add3A_297, %lt3A : i32
      %convert_element_type3A_299 = arith.extui %lt3A_298 : i1 to i32
      %cond3A_300 = arith.constant 0 : i32
      %cond3A_301 = arith.cmpi ne, %convert_element_type3A_299, %cond3A_300 : i32
      scf.if %cond3A_301 {
        %add3A_487 = arith.constant 2 : i32
        %add3A_488 = arith.addi %add3A_173, %add3A_487 : i32
        %dma_start3A_489 = arith.constant 0 : i32
        %dma_start3A_490 = arith.constant 0 : i32
        %dma_start3A_491 = arith.constant 0 : i32
        %dma_start3A_492 = tpu.memref_slice %arg8[%dma_start3A_489, %dma_start3A_490, %dma_start3A_491] : memref<2x2x112xi32, #tpu.memory_space<vmem>> -> memref<1x1x112xi32, #tpu.memory_space<vmem>>
        %dma_start3A_493 = tpu.memref_squeeze %dma_start3A_492 : memref<1x1x112xi32, #tpu.memory_space<vmem>> -> memref<112xi32, #tpu.memory_space<vmem>>
        %dma_start3A_494 = arith.constant 0 : i32
        %dma_start3A_495 = tpu.memref_slice %arg2[%add3A, %add3A_488, %dma_start3A_494] : memref<32x94x112xi32, #tpu.memory_space<hbm>> -> memref<1x1x112xi32, #tpu.memory_space<hbm>>
        %dma_start3A_496 = tpu.memref_squeeze %dma_start3A_495 : memref<1x1x112xi32, #tpu.memory_space<hbm>> -> memref<112xi32, #tpu.memory_space<hbm>>
        %dma_start3A_497 = arith.constant 0 : i32
        %dma_start3A_498 = tpu.memref_slice %arg8[%dma_start3A_489, %dma_start3A_490, %dma_start3A_497] : memref<2x2x112xi32, #tpu.memory_space<vmem>> -> memref<1x1x112xi32, #tpu.memory_space<vmem>>
        %dma_start3A_499 = tpu.memref_squeeze %dma_start3A_498 : memref<1x1x112xi32, #tpu.memory_space<vmem>> -> memref<112xi32, #tpu.memory_space<vmem>>
        %dma_start3A_500 = arith.constant 0 : i32
        %dma_start3A_501 = tpu.memref_slice %arg2[%add3A, %add3A_488, %dma_start3A_500] : memref<32x94x112xi32, #tpu.memory_space<hbm>> -> memref<1x1x112xi32, #tpu.memory_space<hbm>>
        %dma_start3A_502 = tpu.memref_squeeze %dma_start3A_501 : memref<1x1x112xi32, #tpu.memory_space<hbm>> -> memref<112xi32, #tpu.memory_space<hbm>>
        tpu.enqueue_dma source(%dma_start3A_502 : memref<112xi32, #tpu.memory_space<hbm>>) target(%dma_start3A_499 : memref<112xi32, #tpu.memory_space<vmem>>) target_semaphore(%arg14 : memref<!tpu.dma_semaphore, #tpu.memory_space<semaphore_mem>>)
        %dma_start3A_503 = arith.constant 0 : i32
        %dma_start3A_504 = arith.constant 1 : i32
        %dma_start3A_505 = arith.constant 0 : i32
        %dma_start3A_506 = tpu.memref_slice %arg8[%dma_start3A_503, %dma_start3A_504, %dma_start3A_505] : memref<2x2x112xi32, #tpu.memory_space<vmem>> -> memref<1x1x112xi32, #tpu.memory_space<vmem>>
        %dma_start3A_507 = tpu.memref_squeeze %dma_start3A_506 : memref<1x1x112xi32, #tpu.memory_space<vmem>> -> memref<112xi32, #tpu.memory_space<vmem>>
        %dma_start3A_508 = arith.constant 0 : i32
        %dma_start3A_509 = tpu.memref_slice %arg3[%add3A, %add3A_488, %dma_start3A_508] : memref<32x94x112xi32, #tpu.memory_space<hbm>> -> memref<1x1x112xi32, #tpu.memory_space<hbm>>
        %dma_start3A_510 = tpu.memref_squeeze %dma_start3A_509 : memref<1x1x112xi32, #tpu.memory_space<hbm>> -> memref<112xi32, #tpu.memory_space<hbm>>
        %dma_start3A_511 = arith.constant 0 : i32
        %dma_start3A_512 = tpu.memref_slice %arg8[%dma_start3A_503, %dma_start3A_504, %dma_start3A_511] : memref<2x2x112xi32, #tpu.memory_space<vmem>> -> memref<1x1x112xi32, #tpu.memory_space<vmem>>
        %dma_start3A_513 = tpu.memref_squeeze %dma_start3A_512 : memref<1x1x112xi32, #tpu.memory_space<vmem>> -> memref<112xi32, #tpu.memory_space<vmem>>
        %dma_start3A_514 = arith.constant 0 : i32
        %dma_start3A_515 = tpu.memref_slice %arg3[%add3A, %add3A_488, %dma_start3A_514] : memref<32x94x112xi32, #tpu.memory_space<hbm>> -> memref<1x1x112xi32, #tpu.memory_space<hbm>>
        %dma_start3A_516 = tpu.memref_squeeze %dma_start3A_515 : memref<1x1x112xi32, #tpu.memory_space<hbm>> -> memref<112xi32, #tpu.memory_space<hbm>>
        tpu.enqueue_dma source(%dma_start3A_516 : memref<112xi32, #tpu.memory_space<hbm>>) target(%dma_start3A_513 : memref<112xi32, #tpu.memory_space<vmem>>) target_semaphore(%arg14 : memref<!tpu.dma_semaphore, #tpu.memory_space<semaphore_mem>>)
      } else {
      }
      %add3A_302 = arith.constant 1 : i32
      %add3A_303 = arith.addi %add3A_173, %add3A_302 : i32
      %lt3A_304 = arith.constant 94 : i32
      %lt3A_305 = arith.cmpi slt, %add3A_303, %lt3A_304 : i32
      %convert_element_type3A_306 = arith.extui %lt3A_305 : i1 to i32
      %cond3A_307 = arith.constant 0 : i32
      %cond3A_308 = arith.cmpi ne, %convert_element_type3A_306, %cond3A_307 : i32
      scf.if %cond3A_308 {
        %dma_wait3A_487 = arith.constant 0 : i32
        %dma_wait3A_488 = arith.constant 0 : i32
        %dma_wait3A_489 = arith.constant 1 : i32
        %dma_wait3A_490 = arith.constant 0 : i32
        %dma_wait3A_491 = arith.constant 0 : i32
        %dma_wait3A_492 = tpu.memref_slice %arg8[%dma_wait3A_489, %dma_wait3A_490, %dma_wait3A_491] : memref<2x2x112xi32, #tpu.memory_space<vmem>> -> memref<1x1x112xi32, #tpu.memory_space<vmem>>
        %dma_wait3A_493 = tpu.memref_squeeze %dma_wait3A_492 : memref<1x1x112xi32, #tpu.memory_space<vmem>> -> memref<112xi32, #tpu.memory_space<vmem>>
        %dma_wait3A_494 = arith.constant 0 : i32
        %dma_wait3A_495 = tpu.memref_slice %arg2[%dma_wait3A_487, %dma_wait3A_488, %dma_wait3A_494] : memref<32x94x112xi32, #tpu.memory_space<hbm>> -> memref<1x1x112xi32, #tpu.memory_space<hbm>>
        %dma_wait3A_496 = tpu.memref_squeeze %dma_wait3A_495 : memref<1x1x112xi32, #tpu.memory_space<hbm>> -> memref<112xi32, #tpu.memory_space<hbm>>
        %dma_wait3A_497 = arith.constant 0 : i32
        %dma_wait3A_498 = tpu.memref_slice %arg8[%dma_wait3A_489, %dma_wait3A_490, %dma_wait3A_497] : memref<2x2x112xi32, #tpu.memory_space<vmem>> -> memref<1x1x112xi32, #tpu.memory_space<vmem>>
        %dma_wait3A_499 = tpu.memref_squeeze %dma_wait3A_498 : memref<1x1x112xi32, #tpu.memory_space<vmem>> -> memref<112xi32, #tpu.memory_space<vmem>>
        %dma_wait3A_500 = arith.constant 0 : i32
        %dma_wait3A_501 = tpu.memref_slice %arg2[%dma_wait3A_487, %dma_wait3A_488, %dma_wait3A_500] : memref<32x94x112xi32, #tpu.memory_space<hbm>> -> memref<1x1x112xi32, #tpu.memory_space<hbm>>
        %dma_wait3A_502 = tpu.memref_squeeze %dma_wait3A_501 : memref<1x1x112xi32, #tpu.memory_space<hbm>> -> memref<112xi32, #tpu.memory_space<hbm>>
        tpu.wait_dma2 semaphore(%arg15 : memref<!tpu.dma_semaphore, #tpu.memory_space<semaphore_mem>>) src(%dma_wait3A_502 : memref<112xi32, #tpu.memory_space<hbm>>) dst(%dma_wait3A_499 : memref<112xi32, #tpu.memory_space<vmem>>)
        %dma_wait3A_503 = arith.constant 0 : i32
        %dma_wait3A_504 = arith.constant 0 : i32
        %dma_wait3A_505 = arith.constant 1 : i32
        %dma_wait3A_506 = arith.constant 1 : i32
        %dma_wait3A_507 = arith.constant 0 : i32
        %dma_wait3A_508 = tpu.memref_slice %arg8[%dma_wait3A_505, %dma_wait3A_506, %dma_wait3A_507] : memref<2x2x112xi32, #tpu.memory_space<vmem>> -> memref<1x1x112xi32, #tpu.memory_space<vmem>>
        %dma_wait3A_509 = tpu.memref_squeeze %dma_wait3A_508 : memref<1x1x112xi32, #tpu.memory_space<vmem>> -> memref<112xi32, #tpu.memory_space<vmem>>
        %dma_wait3A_510 = arith.constant 0 : i32
        %dma_wait3A_511 = tpu.memref_slice %arg3[%dma_wait3A_503, %dma_wait3A_504, %dma_wait3A_510] : memref<32x94x112xi32, #tpu.memory_space<hbm>> -> memref<1x1x112xi32, #tpu.memory_space<hbm>>
        %dma_wait3A_512 = tpu.memref_squeeze %dma_wait3A_511 : memref<1x1x112xi32, #tpu.memory_space<hbm>> -> memref<112xi32, #tpu.memory_space<hbm>>
        %dma_wait3A_513 = arith.constant 0 : i32
        %dma_wait3A_514 = tpu.memref_slice %arg8[%dma_wait3A_505, %dma_wait3A_506, %dma_wait3A_513] : memref<2x2x112xi32, #tpu.memory_space<vmem>> -> memref<1x1x112xi32, #tpu.memory_space<vmem>>
        %dma_wait3A_515 = tpu.memref_squeeze %dma_wait3A_514 : memref<1x1x112xi32, #tpu.memory_space<vmem>> -> memref<112xi32, #tpu.memory_space<vmem>>
        %dma_wait3A_516 = arith.constant 0 : i32
        %dma_wait3A_517 = tpu.memref_slice %arg3[%dma_wait3A_503, %dma_wait3A_504, %dma_wait3A_516] : memref<32x94x112xi32, #tpu.memory_space<hbm>> -> memref<1x1x112xi32, #tpu.memory_space<hbm>>
        %dma_wait3A_518 = tpu.memref_squeeze %dma_wait3A_517 : memref<1x1x112xi32, #tpu.memory_space<hbm>> -> memref<112xi32, #tpu.memory_space<hbm>>
        tpu.wait_dma2 semaphore(%arg15 : memref<!tpu.dma_semaphore, #tpu.memory_space<semaphore_mem>>) src(%dma_wait3A_518 : memref<112xi32, #tpu.memory_space<hbm>>) dst(%dma_wait3A_515 : memref<112xi32, #tpu.memory_space<vmem>>)
        %dma_start3A_519 = arith.constant 1 : i32
        %dma_start3A_520 = arith.constant 0 : i32
        %dma_start3A_521 = arith.constant 1 : i32
        %dma_start3A_522 = arith.constant 0 : i32
        %dma_start3A_523 = arith.constant 0 : i32
        %dma_start3A_524 = tpu.memref_slice %arg10[%dma_start3A_521, %dma_start3A_522, %dma_start3A_523] : memref<2x112x16xf32, #tpu.memory_space<vmem>> -> memref<1x112x16xf32, #tpu.memory_space<vmem>>
        %dma_start3A_525 = tpu.memref_squeeze %dma_start3A_524 : memref<1x112x16xf32, #tpu.memory_space<vmem>> -> memref<112x16xf32, #tpu.memory_space<vmem>>
        %dma_start3A_526 = arith.constant 0 : i32
        %dma_start3A_527 = tpu.memref_slice %arg8[%dma_start3A_519, %dma_start3A_520, %dma_start3A_526] : memref<2x2x112xi32, #tpu.memory_space<vmem>> -> memref<1x1x112xi32, #tpu.memory_space<vmem>>
        %dma_start3A_528 = tpu.memref_squeeze %dma_start3A_527 : memref<1x1x112xi32, #tpu.memory_space<vmem>> -> memref<112xi32, #tpu.memory_space<vmem>>
        %dma_start3A_529 = arith.constant 0 : i32
        %dma_start3A_530 = arith.constant 0 : i32
        %dma_start3A_531 = tpu.memref_slice %arg4[%dma_start3A_529, %dma_start3A_530] : memref<10016x16xf32, #tpu.memory_space<hbm>> -> memref<10016x16xf32, #tpu.memory_space<hbm>>
        tpu.enqueue_indirect_dma source(%dma_start3A_531 : memref<10016x16xf32, #tpu.memory_space<hbm>>) target(%dma_start3A_525 : memref<112x16xf32, #tpu.memory_space<vmem>>) offsets(%dma_start3A_528 : memref<112xi32, #tpu.memory_space<vmem>>) semaphore(%arg17 : memref<!tpu.dma_semaphore, #tpu.memory_space<semaphore_mem>>)
        %dma_start3A_532 = arith.constant 1 : i32
        %dma_start3A_533 = arith.constant 1 : i32
        %dma_start3A_534 = arith.constant 1 : i32
        %dma_start3A_535 = arith.constant 0 : i32
        %dma_start3A_536 = arith.constant 0 : i32
        %dma_start3A_537 = tpu.memref_slice %arg11[%dma_start3A_534, %dma_start3A_535, %dma_start3A_536] : memref<2x112x144xf32, #tpu.memory_space<vmem>> -> memref<1x112x144xf32, #tpu.memory_space<vmem>>
        %dma_start3A_538 = tpu.memref_squeeze %dma_start3A_537 : memref<1x112x144xf32, #tpu.memory_space<vmem>> -> memref<112x144xf32, #tpu.memory_space<vmem>>
        %dma_start3A_539 = arith.constant 0 : i32
        %dma_start3A_540 = tpu.memref_slice %arg8[%dma_start3A_532, %dma_start3A_533, %dma_start3A_539] : memref<2x2x112xi32, #tpu.memory_space<vmem>> -> memref<1x1x112xi32, #tpu.memory_space<vmem>>
        %dma_start3A_541 = tpu.memref_squeeze %dma_start3A_540 : memref<1x1x112xi32, #tpu.memory_space<vmem>> -> memref<112xi32, #tpu.memory_space<vmem>>
        %dma_start3A_542 = arith.constant 0 : i32
        %dma_start3A_543 = arith.constant 0 : i32
        %dma_start3A_544 = tpu.memref_slice %arg5[%dma_start3A_542, %dma_start3A_543] : memref<10016x144xf32, #tpu.memory_space<hbm>> -> memref<10016x144xf32, #tpu.memory_space<hbm>>
        tpu.enqueue_indirect_dma source(%dma_start3A_544 : memref<10016x144xf32, #tpu.memory_space<hbm>>) target(%dma_start3A_538 : memref<112x144xf32, #tpu.memory_space<vmem>>) offsets(%dma_start3A_541 : memref<112xi32, #tpu.memory_space<vmem>>) semaphore(%arg17 : memref<!tpu.dma_semaphore, #tpu.memory_space<semaphore_mem>>)
      } else {
      }
      %scan3A_309 = arith.constant 0 : i32
      %scan3A_310 = arith.constant 112 : i32
      %scan3A_311 = arith.addi %scan3A_309, %scan3A_310 : i32
      %scan3A_312 = arith.constant 4 : i32
      scf.for %scan3A_487 = %scan3A_309 to %scan3A_311 step %scan3A_312  : i32 {
        %mul3A_488 = arith.constant 1 : i32
        %mul3A_489 = arith.muli %scan3A_487, %mul3A_488 : i32
        %add3A_490 = arith.constant 0 : i32
        %add3A_491 = arith.addi %add3A_490, %mul3A_489 : i32
        %get3A_492 = arith.constant 0 : i32
        %get3A_493 = arith.index_cast %get3A_492 : i32 to index
        %get3A_494 = arith.index_cast %add3A_491 : i32 to index
        %get3A_495 = arith.constant 0 : index
        %get3A_496 = tpu.vector_load %arg10[%get3A_493, %get3A_494, %get3A_495] {strides = array<i32>} : memref<2x112x16xf32, #tpu.memory_space<vmem>>, vector<1x1x16xf32>,
        %get3A_497 = vector.shape_cast %get3A_496 : vector<1x1x16xf32> to vector<16xf32>
        %get3A_498 = arith.constant 0 : i32
        %get3A_499 = arith.index_cast %get3A_498 : i32 to index
        %get3A_500 = arith.index_cast %add3A_491 : i32 to index
        %get3A_501 = arith.constant 128 : index
        %get3A_502 = tpu.vector_load %arg11[%get3A_499, %get3A_500, %get3A_501] {strides = array<i32>} : memref<2x112x144xf32, #tpu.memory_space<vmem>>, vector<1x1x16xf32>,
        %get3A_503 = vector.shape_cast %get3A_502 : vector<1x1x16xf32> to vector<16xf32>
        %add3A_504 = arith.addf %get3A_497, %get3A_503 : vector<16xf32>
        %mul3A_505 = arith.constant 0.00999999977 : f32
        %mul3A_506 = vector.broadcast %mul3A_505 : f32 to vector<16xf32>
        %mul3A_507 = arith.mulf %mul3A_506, %add3A_504 : vector<16xf32>
        %max3A = arith.maximumf %add3A_504, %mul3A_507 : vector<16xf32>
        %sub3A = arith.subf %max3A, %get3A_27 : vector<16xf32>
        %exp3A = math.exp %sub3A : vector<16xf32>
        %swap3A_508 = arith.constant 0 : i32
        %swap3A_509 = arith.index_cast %swap3A_508 : i32 to index
        %swap3A_510 = arith.index_cast %add3A_491 : i32 to index
        %swap3A_511 = arith.constant 128 : index
        %swap3A_512 = tpu.vector_load %arg11[%swap3A_509, %swap3A_510, %swap3A_511] {strides = array<i32>} : memref<2x112x144xf32, #tpu.memory_space<vmem>>, vector<1x1x16xf32>,
        %swap3A_513 = vector.shape_cast %swap3A_512 : vector<1x1x16xf32> to vector<16xf32>
        %swap3A_514 = vector.shape_cast %exp3A : vector<16xf32> to vector<1x1x16xf32>
        tpu.vector_store %arg11[%swap3A_509, %swap3A_510, %swap3A_511], %swap3A_514 {strides = array<i32>} : memref<2x112x144xf32, #tpu.memory_space<vmem>>, vector<1x1x16xf32>,
        %get3A_515 = arith.constant 0 : i32
        %get3A_516 = arith.index_cast %get3A_515 : i32 to index
        %get3A_517 = arith.index_cast %add3A_491 : i32 to index
        %get3A_518 = arith.constant 0 : index
        %get3A_519 = tpu.vector_load %arg11[%get3A_516, %get3A_517, %get3A_518] {strides = array<i32>} : memref<2x112x144xf32, #tpu.memory_space<vmem>>, vector<1x1x16xf32>,
        %get3A_520 = vector.shape_cast %get3A_519 : vector<1x1x16xf32> to vector<16xf32>
        %mul3A_521 = arith.mulf %exp3A, %get3A_520 : vector<16xf32>
        %swap3A_522 = arith.constant 0 : i32
        %swap3A_523 = arith.index_cast %swap3A_522 : i32 to index
        %swap3A_524 = arith.index_cast %add3A_491 : i32 to index
        %swap3A_525 = arith.constant 0 : index
        %swap3A_526 = tpu.vector_load %arg11[%swap3A_523, %swap3A_524, %swap3A_525] {strides = array<i32>} : memref<2x112x144xf32, #tpu.memory_space<vmem>>, vector<1x1x16xf32>,
        %swap3A_527 = vector.shape_cast %swap3A_526 : vector<1x1x16xf32> to vector<16xf32>
        %swap3A_528 = vector.shape_cast %mul3A_521 : vector<16xf32> to vector<1x1x16xf32>
        tpu.vector_store %arg11[%swap3A_523, %swap3A_524, %swap3A_525], %swap3A_528 {strides = array<i32>} : memref<2x112x144xf32, #tpu.memory_space<vmem>>, vector<1x1x16xf32>,
        %get3A_529 = arith.constant 0 : i32
        %get3A_530 = arith.index_cast %get3A_529 : i32 to index
        %get3A_531 = arith.index_cast %add3A_491 : i32 to index
        %get3A_532 = arith.constant 16 : index
        %get3A_533 = tpu.vector_load %arg11[%get3A_530, %get3A_531, %get3A_532] {strides = array<i32>} : memref<2x112x144xf32, #tpu.memory_space<vmem>>, vector<1x1x16xf32>,
        %get3A_534 = vector.shape_cast %get3A_533 : vector<1x1x16xf32> to vector<16xf32>
        %mul3A_535 = arith.mulf %exp3A, %get3A_534 : vector<16xf32>
        %swap3A_536 = arith.constant 0 : i32
        %swap3A_537 = arith.index_cast %swap3A_536 : i32 to index
        %swap3A_538 = arith.index_cast %add3A_491 : i32 to index
        %swap3A_539 = arith.constant 16 : index
        %swap3A_540 = tpu.vector_load %arg11[%swap3A_537, %swap3A_538, %swap3A_539] {strides = array<i32>} : memref<2x112x144xf32, #tpu.memory_space<vmem>>, vector<1x1x16xf32>,
        %swap3A_541 = vector.shape_cast %swap3A_540 : vector<1x1x16xf32> to vector<16xf32>
        %swap3A_542 = vector.shape_cast %mul3A_535 : vector<16xf32> to vector<1x1x16xf32>
        tpu.vector_store %arg11[%swap3A_537, %swap3A_538, %swap3A_539], %swap3A_542 {strides = array<i32>} : memref<2x112x144xf32, #tpu.memory_space<vmem>>, vector<1x1x16xf32>,
        %get3A_543 = arith.constant 0 : i32
        %get3A_544 = arith.index_cast %get3A_543 : i32 to index
        %get3A_545 = arith.index_cast %add3A_491 : i32 to index
        %get3A_546 = arith.constant 32 : index
        %get3A_547 = tpu.vector_load %arg11[%get3A_544, %get3A_545, %get3A_546] {strides = array<i32>} : memref<2x112x144xf32, #tpu.memory_space<vmem>>, vector<1x1x16xf32>,
        %get3A_548 = vector.shape_cast %get3A_547 : vector<1x1x16xf32> to vector<16xf32>
        %mul3A_549 = arith.mulf %exp3A, %get3A_548 : vector<16xf32>
        %swap3A_550 = arith.constant 0 : i32
        %swap3A_551 = arith.index_cast %swap3A_550 : i32 to index
        %swap3A_552 = arith.index_cast %add3A_491 : i32 to index
        %swap3A_553 = arith.constant 32 : index
        %swap3A_554 = tpu.vector_load %arg11[%swap3A_551, %swap3A_552, %swap3A_553] {strides = array<i32>} : memref<2x112x144xf32, #tpu.memory_space<vmem>>, vector<1x1x16xf32>,
        %swap3A_555 = vector.shape_cast %swap3A_554 : vector<1x1x16xf32> to vector<16xf32>
        %swap3A_556 = vector.shape_cast %mul3A_549 : vector<16xf32> to vector<1x1x16xf32>
        tpu.vector_store %arg11[%swap3A_551, %swap3A_552, %swap3A_553], %swap3A_556 {strides = array<i32>} : memref<2x112x144xf32, #tpu.memory_space<vmem>>, vector<1x1x16xf32>,
        %get3A_557 = arith.constant 0 : i32
        %get3A_558 = arith.index_cast %get3A_557 : i32 to index
        %get3A_559 = arith.index_cast %add3A_491 : i32 to index
        %get3A_560 = arith.constant 48 : index
        %get3A_561 = tpu.vector_load %arg11[%get3A_558, %get3A_559, %get3A_560] {strides = array<i32>} : memref<2x112x144xf32, #tpu.memory_space<vmem>>, vector<1x1x16xf32>,
        %get3A_562 = vector.shape_cast %get3A_561 : vector<1x1x16xf32> to vector<16xf32>
        %mul3A_563 = arith.mulf %exp3A, %get3A_562 : vector<16xf32>
        %swap3A_564 = arith.constant 0 : i32
        %swap3A_565 = arith.index_cast %swap3A_564 : i32 to index
        %swap3A_566 = arith.index_cast %add3A_491 : i32 to index
        %swap3A_567 = arith.constant 48 : index
        %swap3A_568 = tpu.vector_load %arg11[%swap3A_565, %swap3A_566, %swap3A_567] {strides = array<i32>} : memref<2x112x144xf32, #tpu.memory_space<vmem>>, vector<1x1x16xf32>,
        %swap3A_569 = vector.shape_cast %swap3A_568 : vector<1x1x16xf32> to vector<16xf32>
        %swap3A_570 = vector.shape_cast %mul3A_563 : vector<16xf32> to vector<1x1x16xf32>
        tpu.vector_store %arg11[%swap3A_565, %swap3A_566, %swap3A_567], %swap3A_570 {strides = array<i32>} : memref<2x112x144xf32, #tpu.memory_space<vmem>>, vector<1x1x16xf32>,
        %get3A_571 = arith.constant 0 : i32
        %get3A_572 = arith.index_cast %get3A_571 : i32 to index
        %get3A_573 = arith.index_cast %add3A_491 : i32 to index
        %get3A_574 = arith.constant 64 : index
        %get3A_575 = tpu.vector_load %arg11[%get3A_572, %get3A_573, %get3A_574] {strides = array<i32>} : memref<2x112x144xf32, #tpu.memory_space<vmem>>, vector<1x1x16xf32>,
        %get3A_576 = vector.shape_cast %get3A_575 : vector<1x1x16xf32> to vector<16xf32>
        %mul3A_577 = arith.mulf %exp3A, %get3A_576 : vector<16xf32>
        %swap3A_578 = arith.constant 0 : i32
        %swap3A_579 = arith.index_cast %swap3A_578 : i32 to index
        %swap3A_580 = arith.index_cast %add3A_491 : i32 to index
        %swap3A_581 = arith.constant 64 : index
        %swap3A_582 = tpu.vector_load %arg11[%swap3A_579, %swap3A_580, %swap3A_581] {strides = array<i32>} : memref<2x112x144xf32, #tpu.memory_space<vmem>>, vector<1x1x16xf32>,
        %swap3A_583 = vector.shape_cast %swap3A_582 : vector<1x1x16xf32> to vector<16xf32>
        %swap3A_584 = vector.shape_cast %mul3A_577 : vector<16xf32> to vector<1x1x16xf32>
        tpu.vector_store %arg11[%swap3A_579, %swap3A_580, %swap3A_581], %swap3A_584 {strides = array<i32>} : memref<2x112x144xf32, #tpu.memory_space<vmem>>, vector<1x1x16xf32>,
        %get3A_585 = arith.constant 0 : i32
        %get3A_586 = arith.index_cast %get3A_585 : i32 to index
        %get3A_587 = arith.index_cast %add3A_491 : i32 to index
        %get3A_588 = arith.constant 80 : index
        %get3A_589 = tpu.vector_load %arg11[%get3A_586, %get3A_587, %get3A_588] {strides = array<i32>} : memref<2x112x144xf32, #tpu.memory_space<vmem>>, vector<1x1x16xf32>,
        %get3A_590 = vector.shape_cast %get3A_589 : vector<1x1x16xf32> to vector<16xf32>
        %mul3A_591 = arith.mulf %exp3A, %get3A_590 : vector<16xf32>
        %swap3A_592 = arith.constant 0 : i32
        %swap3A_593 = arith.index_cast %swap3A_592 : i32 to index
        %swap3A_594 = arith.index_cast %add3A_491 : i32 to index
        %swap3A_595 = arith.constant 80 : index
        %swap3A_596 = tpu.vector_load %arg11[%swap3A_593, %swap3A_594, %swap3A_595] {strides = array<i32>} : memref<2x112x144xf32, #tpu.memory_space<vmem>>, vector<1x1x16xf32>,
        %swap3A_597 = vector.shape_cast %swap3A_596 : vector<1x1x16xf32> to vector<16xf32>
        %swap3A_598 = vector.shape_cast %mul3A_591 : vector<16xf32> to vector<1x1x16xf32>
        tpu.vector_store %arg11[%swap3A_593, %swap3A_594, %swap3A_595], %swap3A_598 {strides = array<i32>} : memref<2x112x144xf32, #tpu.memory_space<vmem>>, vector<1x1x16xf32>,
        %get3A_599 = arith.constant 0 : i32
        %get3A_600 = arith.index_cast %get3A_599 : i32 to index
        %get3A_601 = arith.index_cast %add3A_491 : i32 to index
        %get3A_602 = arith.constant 96 : index
        %get3A_603 = tpu.vector_load %arg11[%get3A_600, %get3A_601, %get3A_602] {strides = array<i32>} : memref<2x112x144xf32, #tpu.memory_space<vmem>>, vector<1x1x16xf32>,
        %get3A_604 = vector.shape_cast %get3A_603 : vector<1x1x16xf32> to vector<16xf32>
        %mul3A_605 = arith.mulf %exp3A, %get3A_604 : vector<16xf32>
        %swap3A_606 = arith.constant 0 : i32
        %swap3A_607 = arith.index_cast %swap3A_606 : i32 to index
        %swap3A_608 = arith.index_cast %add3A_491 : i32 to index
        %swap3A_609 = arith.constant 96 : index
        %swap3A_610 = tpu.vector_load %arg11[%swap3A_607, %swap3A_608, %swap3A_609] {strides = array<i32>} : memref<2x112x144xf32, #tpu.memory_space<vmem>>, vector<1x1x16xf32>,
        %swap3A_611 = vector.shape_cast %swap3A_610 : vector<1x1x16xf32> to vector<16xf32>
        %swap3A_612 = vector.shape_cast %mul3A_605 : vector<16xf32> to vector<1x1x16xf32>
        tpu.vector_store %arg11[%swap3A_607, %swap3A_608, %swap3A_609], %swap3A_612 {strides = array<i32>} : memref<2x112x144xf32, #tpu.memory_space<vmem>>, vector<1x1x16xf32>,
        %get3A_613 = arith.constant 0 : i32
        %get3A_614 = arith.index_cast %get3A_613 : i32 to index
        %get3A_615 = arith.index_cast %add3A_491 : i32 to index
        %get3A_616 = arith.constant 112 : index
        %get3A_617 = tpu.vector_load %arg11[%get3A_614, %get3A_615, %get3A_616] {strides = array<i32>} : memref<2x112x144xf32, #tpu.memory_space<vmem>>, vector<1x1x16xf32>,
        %get3A_618 = vector.shape_cast %get3A_617 : vector<1x1x16xf32> to vector<16xf32>
        %mul3A_619 = arith.mulf %exp3A, %get3A_618 : vector<16xf32>
        %swap3A_620 = arith.constant 0 : i32
        %swap3A_621 = arith.index_cast %swap3A_620 : i32 to index
        %swap3A_622 = arith.index_cast %add3A_491 : i32 to index
        %swap3A_623 = arith.constant 112 : index
        %swap3A_624 = tpu.vector_load %arg11[%swap3A_621, %swap3A_622, %swap3A_623] {strides = array<i32>} : memref<2x112x144xf32, #tpu.memory_space<vmem>>, vector<1x1x16xf32>,
        %swap3A_625 = vector.shape_cast %swap3A_624 : vector<1x1x16xf32> to vector<16xf32>
        %swap3A_626 = vector.shape_cast %mul3A_619 : vector<16xf32> to vector<1x1x16xf32>
        tpu.vector_store %arg11[%swap3A_621, %swap3A_622, %swap3A_623], %swap3A_626 {strides = array<i32>} : memref<2x112x144xf32, #tpu.memory_space<vmem>>, vector<1x1x16xf32>,
        %scan3A_627 = arith.constant 1 : i32
        %scan3A_628 = arith.addi %scan3A_487, %scan3A_627 : i32
        %mul3A_629 = arith.constant 1 : i32
        %mul3A_630 = arith.muli %scan3A_628, %mul3A_629 : i32
        %add3A_631 = arith.constant 0 : i32
        %add3A_632 = arith.addi %add3A_631, %mul3A_630 : i32
        %get3A_633 = arith.constant 0 : i32
        %get3A_634 = arith.index_cast %get3A_633 : i32 to index
        %get3A_635 = arith.index_cast %add3A_632 : i32 to index
        %get3A_636 = arith.constant 0 : index
        %get3A_637 = tpu.vector_load %arg10[%get3A_634, %get3A_635, %get3A_636] {strides = array<i32>} : memref<2x112x16xf32, #tpu.memory_space<vmem>>, vector<1x1x16xf32>,
        %get3A_638 = vector.shape_cast %get3A_637 : vector<1x1x16xf32> to vector<16xf32>
        %get3A_639 = arith.constant 0 : i32
        %get3A_640 = arith.index_cast %get3A_639 : i32 to index
        %get3A_641 = arith.index_cast %add3A_632 : i32 to index
        %get3A_642 = arith.constant 128 : index
        %get3A_643 = tpu.vector_load %arg11[%get3A_640, %get3A_641, %get3A_642] {strides = array<i32>} : memref<2x112x144xf32, #tpu.memory_space<vmem>>, vector<1x1x16xf32>,
        %get3A_644 = vector.shape_cast %get3A_643 : vector<1x1x16xf32> to vector<16xf32>
        %add3A_645 = arith.addf %get3A_638, %get3A_644 : vector<16xf32>
        %mul3A_646 = arith.constant 0.00999999977 : f32
        %mul3A_647 = vector.broadcast %mul3A_646 : f32 to vector<16xf32>
        %mul3A_648 = arith.mulf %mul3A_647, %add3A_645 : vector<16xf32>
        %max3A_649 = arith.maximumf %add3A_645, %mul3A_648 : vector<16xf32>
        %sub3A_650 = arith.subf %max3A_649, %get3A_27 : vector<16xf32>
        %exp3A_651 = math.exp %sub3A_650 : vector<16xf32>
        %swap3A_652 = arith.constant 0 : i32
        %swap3A_653 = arith.index_cast %swap3A_652 : i32 to index
        %swap3A_654 = arith.index_cast %add3A_632 : i32 to index
        %swap3A_655 = arith.constant 128 : index
        %swap3A_656 = tpu.vector_load %arg11[%swap3A_653, %swap3A_654, %swap3A_655] {strides = array<i32>} : memref<2x112x144xf32, #tpu.memory_space<vmem>>, vector<1x1x16xf32>,
        %swap3A_657 = vector.shape_cast %swap3A_656 : vector<1x1x16xf32> to vector<16xf32>
        %swap3A_658 = vector.shape_cast %exp3A_651 : vector<16xf32> to vector<1x1x16xf32>
        tpu.vector_store %arg11[%swap3A_653, %swap3A_654, %swap3A_655], %swap3A_658 {strides = array<i32>} : memref<2x112x144xf32, #tpu.memory_space<vmem>>, vector<1x1x16xf32>,
        %get3A_659 = arith.constant 0 : i32
        %get3A_660 = arith.index_cast %get3A_659 : i32 to index
        %get3A_661 = arith.index_cast %add3A_632 : i32 to index
        %get3A_662 = arith.constant 0 : index
        %get3A_663 = tpu.vector_load %arg11[%get3A_660, %get3A_661, %get3A_662] {strides = array<i32>} : memref<2x112x144xf32, #tpu.memory_space<vmem>>, vector<1x1x16xf32>,
        %get3A_664 = vector.shape_cast %get3A_663 : vector<1x1x16xf32> to vector<16xf32>
        %mul3A_665 = arith.mulf %exp3A_651, %get3A_664 : vector<16xf32>
        %swap3A_666 = arith.constant 0 : i32
        %swap3A_667 = arith.index_cast %swap3A_666 : i32 to index
        %swap3A_668 = arith.index_cast %add3A_632 : i32 to index
        %swap3A_669 = arith.constant 0 : index
        %swap3A_670 = tpu.vector_load %arg11[%swap3A_667, %swap3A_668, %swap3A_669] {strides = array<i32>} : memref<2x112x144xf32, #tpu.memory_space<vmem>>, vector<1x1x16xf32>,
        %swap3A_671 = vector.shape_cast %swap3A_670 : vector<1x1x16xf32> to vector<16xf32>
        %swap3A_672 = vector.shape_cast %mul3A_665 : vector<16xf32> to vector<1x1x16xf32>
        tpu.vector_store %arg11[%swap3A_667, %swap3A_668, %swap3A_669], %swap3A_672 {strides = array<i32>} : memref<2x112x144xf32, #tpu.memory_space<vmem>>, vector<1x1x16xf32>,
        %get3A_673 = arith.constant 0 : i32
        %get3A_674 = arith.index_cast %get3A_673 : i32 to index
        %get3A_675 = arith.index_cast %add3A_632 : i32 to index
        %get3A_676 = arith.constant 16 : index
        %get3A_677 = tpu.vector_load %arg11[%get3A_674, %get3A_675, %get3A_676] {strides = array<i32>} : memref<2x112x144xf32, #tpu.memory_space<vmem>>, vector<1x1x16xf32>,
        %get3A_678 = vector.shape_cast %get3A_677 : vector<1x1x16xf32> to vector<16xf32>
        %mul3A_679 = arith.mulf %exp3A_651, %get3A_678 : vector<16xf32>
        %swap3A_680 = arith.constant 0 : i32
        %swap3A_681 = arith.index_cast %swap3A_680 : i32 to index
        %swap3A_682 = arith.index_cast %add3A_632 : i32 to index
        %swap3A_683 = arith.constant 16 : index
        %swap3A_684 = tpu.vector_load %arg11[%swap3A_681, %swap3A_682, %swap3A_683] {strides = array<i32>} : memref<2x112x144xf32, #tpu.memory_space<vmem>>, vector<1x1x16xf32>,
        %swap3A_685 = vector.shape_cast %swap3A_684 : vector<1x1x16xf32> to vector<16xf32>
        %swap3A_686 = vector.shape_cast %mul3A_679 : vector<16xf32> to vector<1x1x16xf32>
        tpu.vector_store %arg11[%swap3A_681, %swap3A_682, %swap3A_683], %swap3A_686 {strides = array<i32>} : memref<2x112x144xf32, #tpu.memory_space<vmem>>, vector<1x1x16xf32>,
        %get3A_687 = arith.constant 0 : i32
        %get3A_688 = arith.index_cast %get3A_687 : i32 to index
        %get3A_689 = arith.index_cast %add3A_632 : i32 to index
        %get3A_690 = arith.constant 32 : index
        %get3A_691 = tpu.vector_load %arg11[%get3A_688, %get3A_689, %get3A_690] {strides = array<i32>} : memref<2x112x144xf32, #tpu.memory_space<vmem>>, vector<1x1x16xf32>,
        %get3A_692 = vector.shape_cast %get3A_691 : vector<1x1x16xf32> to vector<16xf32>
        %mul3A_693 = arith.mulf %exp3A_651, %get3A_692 : vector<16xf32>
        %swap3A_694 = arith.constant 0 : i32
        %swap3A_695 = arith.index_cast %swap3A_694 : i32 to index
        %swap3A_696 = arith.index_cast %add3A_632 : i32 to index
        %swap3A_697 = arith.constant 32 : index
        %swap3A_698 = tpu.vector_load %arg11[%swap3A_695, %swap3A_696, %swap3A_697] {strides = array<i32>} : memref<2x112x144xf32, #tpu.memory_space<vmem>>, vector<1x1x16xf32>,
        %swap3A_699 = vector.shape_cast %swap3A_698 : vector<1x1x16xf32> to vector<16xf32>
        %swap3A_700 = vector.shape_cast %mul3A_693 : vector<16xf32> to vector<1x1x16xf32>
        tpu.vector_store %arg11[%swap3A_695, %swap3A_696, %swap3A_697], %swap3A_700 {strides = array<i32>} : memref<2x112x144xf32, #tpu.memory_space<vmem>>, vector<1x1x16xf32>,
        %get3A_701 = arith.constant 0 : i32
        %get3A_702 = arith.index_cast %get3A_701 : i32 to index
        %get3A_703 = arith.index_cast %add3A_632 : i32 to index
        %get3A_704 = arith.constant 48 : index
        %get3A_705 = tpu.vector_load %arg11[%get3A_702, %get3A_703, %get3A_704] {strides = array<i32>} : memref<2x112x144xf32, #tpu.memory_space<vmem>>, vector<1x1x16xf32>,
        %get3A_706 = vector.shape_cast %get3A_705 : vector<1x1x16xf32> to vector<16xf32>
        %mul3A_707 = arith.mulf %exp3A_651, %get3A_706 : vector<16xf32>
        %swap3A_708 = arith.constant 0 : i32
        %swap3A_709 = arith.index_cast %swap3A_708 : i32 to index
        %swap3A_710 = arith.index_cast %add3A_632 : i32 to index
        %swap3A_711 = arith.constant 48 : index
        %swap3A_712 = tpu.vector_load %arg11[%swap3A_709, %swap3A_710, %swap3A_711] {strides = array<i32>} : memref<2x112x144xf32, #tpu.memory_space<vmem>>, vector<1x1x16xf32>,
        %swap3A_713 = vector.shape_cast %swap3A_712 : vector<1x1x16xf32> to vector<16xf32>
        %swap3A_714 = vector.shape_cast %mul3A_707 : vector<16xf32> to vector<1x1x16xf32>
        tpu.vector_store %arg11[%swap3A_709, %swap3A_710, %swap3A_711], %swap3A_714 {strides = array<i32>} : memref<2x112x144xf32, #tpu.memory_space<vmem>>, vector<1x1x16xf32>,
        %get3A_715 = arith.constant 0 : i32
        %get3A_716 = arith.index_cast %get3A_715 : i32 to index
        %get3A_717 = arith.index_cast %add3A_632 : i32 to index
        %get3A_718 = arith.constant 64 : index
        %get3A_719 = tpu.vector_load %arg11[%get3A_716, %get3A_717, %get3A_718] {strides = array<i32>} : memref<2x112x144xf32, #tpu.memory_space<vmem>>, vector<1x1x16xf32>,
        %get3A_720 = vector.shape_cast %get3A_719 : vector<1x1x16xf32> to vector<16xf32>
        %mul3A_721 = arith.mulf %exp3A_651, %get3A_720 : vector<16xf32>
        %swap3A_722 = arith.constant 0 : i32
        %swap3A_723 = arith.index_cast %swap3A_722 : i32 to index
        %swap3A_724 = arith.index_cast %add3A_632 : i32 to index
        %swap3A_725 = arith.constant 64 : index
        %swap3A_726 = tpu.vector_load %arg11[%swap3A_723, %swap3A_724, %swap3A_725] {strides = array<i32>} : memref<2x112x144xf32, #tpu.memory_space<vmem>>, vector<1x1x16xf32>,
        %swap3A_727 = vector.shape_cast %swap3A_726 : vector<1x1x16xf32> to vector<16xf32>
        %swap3A_728 = vector.shape_cast %mul3A_721 : vector<16xf32> to vector<1x1x16xf32>
        tpu.vector_store %arg11[%swap3A_723, %swap3A_724, %swap3A_725], %swap3A_728 {strides = array<i32>} : memref<2x112x144xf32, #tpu.memory_space<vmem>>, vector<1x1x16xf32>,
        %get3A_729 = arith.constant 0 : i32
        %get3A_730 = arith.index_cast %get3A_729 : i32 to index
        %get3A_731 = arith.index_cast %add3A_632 : i32 to index
        %get3A_732 = arith.constant 80 : index
        %get3A_733 = tpu.vector_load %arg11[%get3A_730, %get3A_731, %get3A_732] {strides = array<i32>} : memref<2x112x144xf32, #tpu.memory_space<vmem>>, vector<1x1x16xf32>,
        %get3A_734 = vector.shape_cast %get3A_733 : vector<1x1x16xf32> to vector<16xf32>
        %mul3A_735 = arith.mulf %exp3A_651, %get3A_734 : vector<16xf32>
        %swap3A_736 = arith.constant 0 : i32
        %swap3A_737 = arith.index_cast %swap3A_736 : i32 to index
        %swap3A_738 = arith.index_cast %add3A_632 : i32 to index
        %swap3A_739 = arith.constant 80 : index
        %swap3A_740 = tpu.vector_load %arg11[%swap3A_737, %swap3A_738, %swap3A_739] {strides = array<i32>} : memref<2x112x144xf32, #tpu.memory_space<vmem>>, vector<1x1x16xf32>,
        %swap3A_741 = vector.shape_cast %swap3A_740 : vector<1x1x16xf32> to vector<16xf32>
        %swap3A_742 = vector.shape_cast %mul3A_735 : vector<16xf32> to vector<1x1x16xf32>
        tpu.vector_store %arg11[%swap3A_737, %swap3A_738, %swap3A_739], %swap3A_742 {strides = array<i32>} : memref<2x112x144xf32, #tpu.memory_space<vmem>>, vector<1x1x16xf32>,
        %get3A_743 = arith.constant 0 : i32
        %get3A_744 = arith.index_cast %get3A_743 : i32 to index
        %get3A_745 = arith.index_cast %add3A_632 : i32 to index
        %get3A_746 = arith.constant 96 : index
        %get3A_747 = tpu.vector_load %arg11[%get3A_744, %get3A_745, %get3A_746] {strides = array<i32>} : memref<2x112x144xf32, #tpu.memory_space<vmem>>, vector<1x1x16xf32>,
        %get3A_748 = vector.shape_cast %get3A_747 : vector<1x1x16xf32> to vector<16xf32>
        %mul3A_749 = arith.mulf %exp3A_651, %get3A_748 : vector<16xf32>
        %swap3A_750 = arith.constant 0 : i32
        %swap3A_751 = arith.index_cast %swap3A_750 : i32 to index
        %swap3A_752 = arith.index_cast %add3A_632 : i32 to index
        %swap3A_753 = arith.constant 96 : index
        %swap3A_754 = tpu.vector_load %arg11[%swap3A_751, %swap3A_752, %swap3A_753] {strides = array<i32>} : memref<2x112x144xf32, #tpu.memory_space<vmem>>, vector<1x1x16xf32>,
        %swap3A_755 = vector.shape_cast %swap3A_754 : vector<1x1x16xf32> to vector<16xf32>
        %swap3A_756 = vector.shape_cast %mul3A_749 : vector<16xf32> to vector<1x1x16xf32>
        tpu.vector_store %arg11[%swap3A_751, %swap3A_752, %swap3A_753], %swap3A_756 {strides = array<i32>} : memref<2x112x144xf32, #tpu.memory_space<vmem>>, vector<1x1x16xf32>,
        %get3A_757 = arith.constant 0 : i32
        %get3A_758 = arith.index_cast %get3A_757 : i32 to index
        %get3A_759 = arith.index_cast %add3A_632 : i32 to index
        %get3A_760 = arith.constant 112 : index
        %get3A_761 = tpu.vector_load %arg11[%get3A_758, %get3A_759, %get3A_760] {strides = array<i32>} : memref<2x112x144xf32, #tpu.memory_space<vmem>>, vector<1x1x16xf32>,
        %get3A_762 = vector.shape_cast %get3A_761 : vector<1x1x16xf32> to vector<16xf32>
        %mul3A_763 = arith.mulf %exp3A_651, %get3A_762 : vector<16xf32>
        %swap3A_764 = arith.constant 0 : i32
        %swap3A_765 = arith.index_cast %swap3A_764 : i32 to index
        %swap3A_766 = arith.index_cast %add3A_632 : i32 to index
        %swap3A_767 = arith.constant 112 : index
        %swap3A_768 = tpu.vector_load %arg11[%swap3A_765, %swap3A_766, %swap3A_767] {strides = array<i32>} : memref<2x112x144xf32, #tpu.memory_space<vmem>>, vector<1x1x16xf32>,
        %swap3A_769 = vector.shape_cast %swap3A_768 : vector<1x1x16xf32> to vector<16xf32>
        %swap3A_770 = vector.shape_cast %mul3A_763 : vector<16xf32> to vector<1x1x16xf32>
        tpu.vector_store %arg11[%swap3A_765, %swap3A_766, %swap3A_767], %swap3A_770 {strides = array<i32>} : memref<2x112x144xf32, #tpu.memory_space<vmem>>, vector<1x1x16xf32>,
        %scan3A_771 = arith.constant 2 : i32
        %scan3A_772 = arith.addi %scan3A_487, %scan3A_771 : i32
        %mul3A_773 = arith.constant 1 : i32
        %mul3A_774 = arith.muli %scan3A_772, %mul3A_773 : i32
        %add3A_775 = arith.constant 0 : i32
        %add3A_776 = arith.addi %add3A_775, %mul3A_774 : i32
        %get3A_777 = arith.constant 0 : i32
        %get3A_778 = arith.index_cast %get3A_777 : i32 to index
        %get3A_779 = arith.index_cast %add3A_776 : i32 to index
        %get3A_780 = arith.constant 0 : index
        %get3A_781 = tpu.vector_load %arg10[%get3A_778, %get3A_779, %get3A_780] {strides = array<i32>} : memref<2x112x16xf32, #tpu.memory_space<vmem>>, vector<1x1x16xf32>,
        %get3A_782 = vector.shape_cast %get3A_781 : vector<1x1x16xf32> to vector<16xf32>
        %get3A_783 = arith.constant 0 : i32
        %get3A_784 = arith.index_cast %get3A_783 : i32 to index
        %get3A_785 = arith.index_cast %add3A_776 : i32 to index
        %get3A_786 = arith.constant 128 : index
        %get3A_787 = tpu.vector_load %arg11[%get3A_784, %get3A_785, %get3A_786] {strides = array<i32>} : memref<2x112x144xf32, #tpu.memory_space<vmem>>, vector<1x1x16xf32>,
        %get3A_788 = vector.shape_cast %get3A_787 : vector<1x1x16xf32> to vector<16xf32>
        %add3A_789 = arith.addf %get3A_782, %get3A_788 : vector<16xf32>
        %mul3A_790 = arith.constant 0.00999999977 : f32
        %mul3A_791 = vector.broadcast %mul3A_790 : f32 to vector<16xf32>
        %mul3A_792 = arith.mulf %mul3A_791, %add3A_789 : vector<16xf32>
        %max3A_793 = arith.maximumf %add3A_789, %mul3A_792 : vector<16xf32>
        %sub3A_794 = arith.subf %max3A_793, %get3A_27 : vector<16xf32>
        %exp3A_795 = math.exp %sub3A_794 : vector<16xf32>
        %swap3A_796 = arith.constant 0 : i32
        %swap3A_797 = arith.index_cast %swap3A_796 : i32 to index
        %swap3A_798 = arith.index_cast %add3A_776 : i32 to index
        %swap3A_799 = arith.constant 128 : index
        %swap3A_800 = tpu.vector_load %arg11[%swap3A_797, %swap3A_798, %swap3A_799] {strides = array<i32>} : memref<2x112x144xf32, #tpu.memory_space<vmem>>, vector<1x1x16xf32>,
        %swap3A_801 = vector.shape_cast %swap3A_800 : vector<1x1x16xf32> to vector<16xf32>
        %swap3A_802 = vector.shape_cast %exp3A_795 : vector<16xf32> to vector<1x1x16xf32>
        tpu.vector_store %arg11[%swap3A_797, %swap3A_798, %swap3A_799], %swap3A_802 {strides = array<i32>} : memref<2x112x144xf32, #tpu.memory_space<vmem>>, vector<1x1x16xf32>,
        %get3A_803 = arith.constant 0 : i32
        %get3A_804 = arith.index_cast %get3A_803 : i32 to index
        %get3A_805 = arith.index_cast %add3A_776 : i32 to index
        %get3A_806 = arith.constant 0 : index
        %get3A_807 = tpu.vector_load %arg11[%get3A_804, %get3A_805, %get3A_806] {strides = array<i32>} : memref<2x112x144xf32, #tpu.memory_space<vmem>>, vector<1x1x16xf32>,
        %get3A_808 = vector.shape_cast %get3A_807 : vector<1x1x16xf32> to vector<16xf32>
        %mul3A_809 = arith.mulf %exp3A_795, %get3A_808 : vector<16xf32>
        %swap3A_810 = arith.constant 0 : i32
        %swap3A_811 = arith.index_cast %swap3A_810 : i32 to index
        %swap3A_812 = arith.index_cast %add3A_776 : i32 to index
        %swap3A_813 = arith.constant 0 : index
        %swap3A_814 = tpu.vector_load %arg11[%swap3A_811, %swap3A_812, %swap3A_813] {strides = array<i32>} : memref<2x112x144xf32, #tpu.memory_space<vmem>>, vector<1x1x16xf32>,
        %swap3A_815 = vector.shape_cast %swap3A_814 : vector<1x1x16xf32> to vector<16xf32>
        %swap3A_816 = vector.shape_cast %mul3A_809 : vector<16xf32> to vector<1x1x16xf32>
        tpu.vector_store %arg11[%swap3A_811, %swap3A_812, %swap3A_813], %swap3A_816 {strides = array<i32>} : memref<2x112x144xf32, #tpu.memory_space<vmem>>, vector<1x1x16xf32>,
        %get3A_817 = arith.constant 0 : i32
        %get3A_818 = arith.index_cast %get3A_817 : i32 to index
        %get3A_819 = arith.index_cast %add3A_776 : i32 to index
        %get3A_820 = arith.constant 16 : index
        %get3A_821 = tpu.vector_load %arg11[%get3A_818, %get3A_819, %get3A_820] {strides = array<i32>} : memref<2x112x144xf32, #tpu.memory_space<vmem>>, vector<1x1x16xf32>,
        %get3A_822 = vector.shape_cast %get3A_821 : vector<1x1x16xf32> to vector<16xf32>
        %mul3A_823 = arith.mulf %exp3A_795, %get3A_822 : vector<16xf32>
        %swap3A_824 = arith.constant 0 : i32
        %swap3A_825 = arith.index_cast %swap3A_824 : i32 to index
        %swap3A_826 = arith.index_cast %add3A_776 : i32 to index
        %swap3A_827 = arith.constant 16 : index
        %swap3A_828 = tpu.vector_load %arg11[%swap3A_825, %swap3A_826, %swap3A_827] {strides = array<i32>} : memref<2x112x144xf32, #tpu.memory_space<vmem>>, vector<1x1x16xf32>,
        %swap3A_829 = vector.shape_cast %swap3A_828 : vector<1x1x16xf32> to vector<16xf32>
        %swap3A_830 = vector.shape_cast %mul3A_823 : vector<16xf32> to vector<1x1x16xf32>
        tpu.vector_store %arg11[%swap3A_825, %swap3A_826, %swap3A_827], %swap3A_830 {strides = array<i32>} : memref<2x112x144xf32, #tpu.memory_space<vmem>>, vector<1x1x16xf32>,
        %get3A_831 = arith.constant 0 : i32
        %get3A_832 = arith.index_cast %get3A_831 : i32 to index
        %get3A_833 = arith.index_cast %add3A_776 : i32 to index
        %get3A_834 = arith.constant 32 : index
        %get3A_835 = tpu.vector_load %arg11[%get3A_832, %get3A_833, %get3A_834] {strides = array<i32>} : memref<2x112x144xf32, #tpu.memory_space<vmem>>, vector<1x1x16xf32>,
        %get3A_836 = vector.shape_cast %get3A_835 : vector<1x1x16xf32> to vector<16xf32>
        %mul3A_837 = arith.mulf %exp3A_795, %get3A_836 : vector<16xf32>
        %swap3A_838 = arith.constant 0 : i32
        %swap3A_839 = arith.index_cast %swap3A_838 : i32 to index
        %swap3A_840 = arith.index_cast %add3A_776 : i32 to index
        %swap3A_841 = arith.constant 32 : index
        %swap3A_842 = tpu.vector_load %arg11[%swap3A_839, %swap3A_840, %swap3A_841] {strides = array<i32>} : memref<2x112x144xf32, #tpu.memory_space<vmem>>, vector<1x1x16xf32>,
        %swap3A_843 = vector.shape_cast %swap3A_842 : vector<1x1x16xf32> to vector<16xf32>
        %swap3A_844 = vector.shape_cast %mul3A_837 : vector<16xf32> to vector<1x1x16xf32>
        tpu.vector_store %arg11[%swap3A_839, %swap3A_840, %swap3A_841], %swap3A_844 {strides = array<i32>} : memref<2x112x144xf32, #tpu.memory_space<vmem>>, vector<1x1x16xf32>,
        %get3A_845 = arith.constant 0 : i32
        %get3A_846 = arith.index_cast %get3A_845 : i32 to index
        %get3A_847 = arith.index_cast %add3A_776 : i32 to index
        %get3A_848 = arith.constant 48 : index
        %get3A_849 = tpu.vector_load %arg11[%get3A_846, %get3A_847, %get3A_848] {strides = array<i32>} : memref<2x112x144xf32, #tpu.memory_space<vmem>>, vector<1x1x16xf32>,
        %get3A_850 = vector.shape_cast %get3A_849 : vector<1x1x16xf32> to vector<16xf32>
        %mul3A_851 = arith.mulf %exp3A_795, %get3A_850 : vector<16xf32>
        %swap3A_852 = arith.constant 0 : i32
        %swap3A_853 = arith.index_cast %swap3A_852 : i32 to index
        %swap3A_854 = arith.index_cast %add3A_776 : i32 to index
        %swap3A_855 = arith.constant 48 : index
        %swap3A_856 = tpu.vector_load %arg11[%swap3A_853, %swap3A_854, %swap3A_855] {strides = array<i32>} : memref<2x112x144xf32, #tpu.memory_space<vmem>>, vector<1x1x16xf32>,
        %swap3A_857 = vector.shape_cast %swap3A_856 : vector<1x1x16xf32> to vector<16xf32>
        %swap3A_858 = vector.shape_cast %mul3A_851 : vector<16xf32> to vector<1x1x16xf32>
        tpu.vector_store %arg11[%swap3A_853, %swap3A_854, %swap3A_855], %swap3A_858 {strides = array<i32>} : memref<2x112x144xf32, #tpu.memory_space<vmem>>, vector<1x1x16xf32>,
        %get3A_859 = arith.constant 0 : i32
        %get3A_860 = arith.index_cast %get3A_859 : i32 to index
        %get3A_861 = arith.index_cast %add3A_776 : i32 to index
        %get3A_862 = arith.constant 64 : index
        %get3A_863 = tpu.vector_load %arg11[%get3A_860, %get3A_861, %get3A_862] {strides = array<i32>} : memref<2x112x144xf32, #tpu.memory_space<vmem>>, vector<1x1x16xf32>,
        %get3A_864 = vector.shape_cast %get3A_863 : vector<1x1x16xf32> to vector<16xf32>
        %mul3A_865 = arith.mulf %exp3A_795, %get3A_864 : vector<16xf32>
        %swap3A_866 = arith.constant 0 : i32
        %swap3A_867 = arith.index_cast %swap3A_866 : i32 to index
        %swap3A_868 = arith.index_cast %add3A_776 : i32 to index
        %swap3A_869 = arith.constant 64 : index
        %swap3A_870 = tpu.vector_load %arg11[%swap3A_867, %swap3A_868, %swap3A_869] {strides = array<i32>} : memref<2x112x144xf32, #tpu.memory_space<vmem>>, vector<1x1x16xf32>,
        %swap3A_871 = vector.shape_cast %swap3A_870 : vector<1x1x16xf32> to vector<16xf32>
        %swap3A_872 = vector.shape_cast %mul3A_865 : vector<16xf32> to vector<1x1x16xf32>
        tpu.vector_store %arg11[%swap3A_867, %swap3A_868, %swap3A_869], %swap3A_872 {strides = array<i32>} : memref<2x112x144xf32, #tpu.memory_space<vmem>>, vector<1x1x16xf32>,
        %get3A_873 = arith.constant 0 : i32
        %get3A_874 = arith.index_cast %get3A_873 : i32 to index
        %get3A_875 = arith.index_cast %add3A_776 : i32 to index
        %get3A_876 = arith.constant 80 : index
        %get3A_877 = tpu.vector_load %arg11[%get3A_874, %get3A_875, %get3A_876] {strides = array<i32>} : memref<2x112x144xf32, #tpu.memory_space<vmem>>, vector<1x1x16xf32>,
        %get3A_878 = vector.shape_cast %get3A_877 : vector<1x1x16xf32> to vector<16xf32>
        %mul3A_879 = arith.mulf %exp3A_795, %get3A_878 : vector<16xf32>
        %swap3A_880 = arith.constant 0 : i32
        %swap3A_881 = arith.index_cast %swap3A_880 : i32 to index
        %swap3A_882 = arith.index_cast %add3A_776 : i32 to index
        %swap3A_883 = arith.constant 80 : index
        %swap3A_884 = tpu.vector_load %arg11[%swap3A_881, %swap3A_882, %swap3A_883] {strides = array<i32>} : memref<2x112x144xf32, #tpu.memory_space<vmem>>, vector<1x1x16xf32>,
        %swap3A_885 = vector.shape_cast %swap3A_884 : vector<1x1x16xf32> to vector<16xf32>
        %swap3A_886 = vector.shape_cast %mul3A_879 : vector<16xf32> to vector<1x1x16xf32>
        tpu.vector_store %arg11[%swap3A_881, %swap3A_882, %swap3A_883], %swap3A_886 {strides = array<i32>} : memref<2x112x144xf32, #tpu.memory_space<vmem>>, vector<1x1x16xf32>,
        %get3A_887 = arith.constant 0 : i32
        %get3A_888 = arith.index_cast %get3A_887 : i32 to index
        %get3A_889 = arith.index_cast %add3A_776 : i32 to index
        %get3A_890 = arith.constant 96 : index
        %get3A_891 = tpu.vector_load %arg11[%get3A_888, %get3A_889, %get3A_890] {strides = array<i32>} : memref<2x112x144xf32, #tpu.memory_space<vmem>>, vector<1x1x16xf32>,
        %get3A_892 = vector.shape_cast %get3A_891 : vector<1x1x16xf32> to vector<16xf32>
        %mul3A_893 = arith.mulf %exp3A_795, %get3A_892 : vector<16xf32>
        %swap3A_894 = arith.constant 0 : i32
        %swap3A_895 = arith.index_cast %swap3A_894 : i32 to index
        %swap3A_896 = arith.index_cast %add3A_776 : i32 to index
        %swap3A_897 = arith.constant 96 : index
        %swap3A_898 = tpu.vector_load %arg11[%swap3A_895, %swap3A_896, %swap3A_897] {strides = array<i32>} : memref<2x112x144xf32, #tpu.memory_space<vmem>>, vector<1x1x16xf32>,
        %swap3A_899 = vector.shape_cast %swap3A_898 : vector<1x1x16xf32> to vector<16xf32>
        %swap3A_900 = vector.shape_cast %mul3A_893 : vector<16xf32> to vector<1x1x16xf32>
        tpu.vector_store %arg11[%swap3A_895, %swap3A_896, %swap3A_897], %swap3A_900 {strides = array<i32>} : memref<2x112x144xf32, #tpu.memory_space<vmem>>, vector<1x1x16xf32>,
        %get3A_901 = arith.constant 0 : i32
        %get3A_902 = arith.index_cast %get3A_901 : i32 to index
        %get3A_903 = arith.index_cast %add3A_776 : i32 to index
        %get3A_904 = arith.constant 112 : index
        %get3A_905 = tpu.vector_load %arg11[%get3A_902, %get3A_903, %get3A_904] {strides = array<i32>} : memref<2x112x144xf32, #tpu.memory_space<vmem>>, vector<1x1x16xf32>,
        %get3A_906 = vector.shape_cast %get3A_905 : vector<1x1x16xf32> to vector<16xf32>
        %mul3A_907 = arith.mulf %exp3A_795, %get3A_906 : vector<16xf32>
        %swap3A_908 = arith.constant 0 : i32
        %swap3A_909 = arith.index_cast %swap3A_908 : i32 to index
        %swap3A_910 = arith.index_cast %add3A_776 : i32 to index
        %swap3A_911 = arith.constant 112 : index
        %swap3A_912 = tpu.vector_load %arg11[%swap3A_909, %swap3A_910, %swap3A_911] {strides = array<i32>} : memref<2x112x144xf32, #tpu.memory_space<vmem>>, vector<1x1x16xf32>,
        %swap3A_913 = vector.shape_cast %swap3A_912 : vector<1x1x16xf32> to vector<16xf32>
        %swap3A_914 = vector.shape_cast %mul3A_907 : vector<16xf32> to vector<1x1x16xf32>
        tpu.vector_store %arg11[%swap3A_909, %swap3A_910, %swap3A_911], %swap3A_914 {strides = array<i32>} : memref<2x112x144xf32, #tpu.memory_space<vmem>>, vector<1x1x16xf32>,
        %scan3A_915 = arith.constant 3 : i32
        %scan3A_916 = arith.addi %scan3A_487, %scan3A_915 : i32
        %mul3A_917 = arith.constant 1 : i32
        %mul3A_918 = arith.muli %scan3A_916, %mul3A_917 : i32
        %add3A_919 = arith.constant 0 : i32
        %add3A_920 = arith.addi %add3A_919, %mul3A_918 : i32
        %get3A_921 = arith.constant 0 : i32
        %get3A_922 = arith.index_cast %get3A_921 : i32 to index
        %get3A_923 = arith.index_cast %add3A_920 : i32 to index
        %get3A_924 = arith.constant 0 : index
        %get3A_925 = tpu.vector_load %arg10[%get3A_922, %get3A_923, %get3A_924] {strides = array<i32>} : memref<2x112x16xf32, #tpu.memory_space<vmem>>, vector<1x1x16xf32>,
        %get3A_926 = vector.shape_cast %get3A_925 : vector<1x1x16xf32> to vector<16xf32>
        %get3A_927 = arith.constant 0 : i32
        %get3A_928 = arith.index_cast %get3A_927 : i32 to index
        %get3A_929 = arith.index_cast %add3A_920 : i32 to index
        %get3A_930 = arith.constant 128 : index
        %get3A_931 = tpu.vector_load %arg11[%get3A_928, %get3A_929, %get3A_930] {strides = array<i32>} : memref<2x112x144xf32, #tpu.memory_space<vmem>>, vector<1x1x16xf32>,
        %get3A_932 = vector.shape_cast %get3A_931 : vector<1x1x16xf32> to vector<16xf32>
        %add3A_933 = arith.addf %get3A_926, %get3A_932 : vector<16xf32>
        %mul3A_934 = arith.constant 0.00999999977 : f32
        %mul3A_935 = vector.broadcast %mul3A_934 : f32 to vector<16xf32>
        %mul3A_936 = arith.mulf %mul3A_935, %add3A_933 : vector<16xf32>
        %max3A_937 = arith.maximumf %add3A_933, %mul3A_936 : vector<16xf32>
        %sub3A_938 = arith.subf %max3A_937, %get3A_27 : vector<16xf32>
        %exp3A_939 = math.exp %sub3A_938 : vector<16xf32>
        %swap3A_940 = arith.constant 0 : i32
        %swap3A_941 = arith.index_cast %swap3A_940 : i32 to index
        %swap3A_942 = arith.index_cast %add3A_920 : i32 to index
        %swap3A_943 = arith.constant 128 : index
        %swap3A_944 = tpu.vector_load %arg11[%swap3A_941, %swap3A_942, %swap3A_943] {strides = array<i32>} : memref<2x112x144xf32, #tpu.memory_space<vmem>>, vector<1x1x16xf32>,
        %swap3A_945 = vector.shape_cast %swap3A_944 : vector<1x1x16xf32> to vector<16xf32>
        %swap3A_946 = vector.shape_cast %exp3A_939 : vector<16xf32> to vector<1x1x16xf32>
        tpu.vector_store %arg11[%swap3A_941, %swap3A_942, %swap3A_943], %swap3A_946 {strides = array<i32>} : memref<2x112x144xf32, #tpu.memory_space<vmem>>, vector<1x1x16xf32>,
        %get3A_947 = arith.constant 0 : i32
        %get3A_948 = arith.index_cast %get3A_947 : i32 to index
        %get3A_949 = arith.index_cast %add3A_920 : i32 to index
        %get3A_950 = arith.constant 0 : index
        %get3A_951 = tpu.vector_load %arg11[%get3A_948, %get3A_949, %get3A_950] {strides = array<i32>} : memref<2x112x144xf32, #tpu.memory_space<vmem>>, vector<1x1x16xf32>,
        %get3A_952 = vector.shape_cast %get3A_951 : vector<1x1x16xf32> to vector<16xf32>
        %mul3A_953 = arith.mulf %exp3A_939, %get3A_952 : vector<16xf32>
        %swap3A_954 = arith.constant 0 : i32
        %swap3A_955 = arith.index_cast %swap3A_954 : i32 to index
        %swap3A_956 = arith.index_cast %add3A_920 : i32 to index
        %swap3A_957 = arith.constant 0 : index
        %swap3A_958 = tpu.vector_load %arg11[%swap3A_955, %swap3A_956, %swap3A_957] {strides = array<i32>} : memref<2x112x144xf32, #tpu.memory_space<vmem>>, vector<1x1x16xf32>,
        %swap3A_959 = vector.shape_cast %swap3A_958 : vector<1x1x16xf32> to vector<16xf32>
        %swap3A_960 = vector.shape_cast %mul3A_953 : vector<16xf32> to vector<1x1x16xf32>
        tpu.vector_store %arg11[%swap3A_955, %swap3A_956, %swap3A_957], %swap3A_960 {strides = array<i32>} : memref<2x112x144xf32, #tpu.memory_space<vmem>>, vector<1x1x16xf32>,
        %get3A_961 = arith.constant 0 : i32
        %get3A_962 = arith.index_cast %get3A_961 : i32 to index
        %get3A_963 = arith.index_cast %add3A_920 : i32 to index
        %get3A_964 = arith.constant 16 : index
        %get3A_965 = tpu.vector_load %arg11[%get3A_962, %get3A_963, %get3A_964] {strides = array<i32>} : memref<2x112x144xf32, #tpu.memory_space<vmem>>, vector<1x1x16xf32>,
        %get3A_966 = vector.shape_cast %get3A_965 : vector<1x1x16xf32> to vector<16xf32>
        %mul3A_967 = arith.mulf %exp3A_939, %get3A_966 : vector<16xf32>
        %swap3A_968 = arith.constant 0 : i32
        %swap3A_969 = arith.index_cast %swap3A_968 : i32 to index
        %swap3A_970 = arith.index_cast %add3A_920 : i32 to index
        %swap3A_971 = arith.constant 16 : index
        %swap3A_972 = tpu.vector_load %arg11[%swap3A_969, %swap3A_970, %swap3A_971] {strides = array<i32>} : memref<2x112x144xf32, #tpu.memory_space<vmem>>, vector<1x1x16xf32>,
        %swap3A_973 = vector.shape_cast %swap3A_972 : vector<1x1x16xf32> to vector<16xf32>
        %swap3A_974 = vector.shape_cast %mul3A_967 : vector<16xf32> to vector<1x1x16xf32>
        tpu.vector_store %arg11[%swap3A_969, %swap3A_970, %swap3A_971], %swap3A_974 {strides = array<i32>} : memref<2x112x144xf32, #tpu.memory_space<vmem>>, vector<1x1x16xf32>,
        %get3A_975 = arith.constant 0 : i32
        %get3A_976 = arith.index_cast %get3A_975 : i32 to index
        %get3A_977 = arith.index_cast %add3A_920 : i32 to index
        %get3A_978 = arith.constant 32 : index
        %get3A_979 = tpu.vector_load %arg11[%get3A_976, %get3A_977, %get3A_978] {strides = array<i32>} : memref<2x112x144xf32, #tpu.memory_space<vmem>>, vector<1x1x16xf32>,
        %get3A_980 = vector.shape_cast %get3A_979 : vector<1x1x16xf32> to vector<16xf32>
        %mul3A_981 = arith.mulf %exp3A_939, %get3A_980 : vector<16xf32>
        %swap3A_982 = arith.constant 0 : i32
        %swap3A_983 = arith.index_cast %swap3A_982 : i32 to index
        %swap3A_984 = arith.index_cast %add3A_920 : i32 to index
        %swap3A_985 = arith.constant 32 : index
        %swap3A_986 = tpu.vector_load %arg11[%swap3A_983, %swap3A_984, %swap3A_985] {strides = array<i32>} : memref<2x112x144xf32, #tpu.memory_space<vmem>>, vector<1x1x16xf32>,
        %swap3A_987 = vector.shape_cast %swap3A_986 : vector<1x1x16xf32> to vector<16xf32>
        %swap3A_988 = vector.shape_cast %mul3A_981 : vector<16xf32> to vector<1x1x16xf32>
        tpu.vector_store %arg11[%swap3A_983, %swap3A_984, %swap3A_985], %swap3A_988 {strides = array<i32>} : memref<2x112x144xf32, #tpu.memory_space<vmem>>, vector<1x1x16xf32>,
        %get3A_989 = arith.constant 0 : i32
        %get3A_990 = arith.index_cast %get3A_989 : i32 to index
        %get3A_991 = arith.index_cast %add3A_920 : i32 to index
        %get3A_992 = arith.constant 48 : index
        %get3A_993 = tpu.vector_load %arg11[%get3A_990, %get3A_991, %get3A_992] {strides = array<i32>} : memref<2x112x144xf32, #tpu.memory_space<vmem>>, vector<1x1x16xf32>,
        %get3A_994 = vector.shape_cast %get3A_993 : vector<1x1x16xf32> to vector<16xf32>
        %mul3A_995 = arith.mulf %exp3A_939, %get3A_994 : vector<16xf32>
        %swap3A_996 = arith.constant 0 : i32
        %swap3A_997 = arith.index_cast %swap3A_996 : i32 to index
        %swap3A_998 = arith.index_cast %add3A_920 : i32 to index
        %swap3A_999 = arith.constant 48 : index
        %swap3A_1000 = tpu.vector_load %arg11[%swap3A_997, %swap3A_998, %swap3A_999] {strides = array<i32>} : memref<2x112x144xf32, #tpu.memory_space<vmem>>, vector<1x1x16xf32>,
        %swap3A_1001 = vector.shape_cast %swap3A_1000 : vector<1x1x16xf32> to vector<16xf32>
        %swap3A_1002 = vector.shape_cast %mul3A_995 : vector<16xf32> to vector<1x1x16xf32>
        tpu.vector_store %arg11[%swap3A_997, %swap3A_998, %swap3A_999], %swap3A_1002 {strides = array<i32>} : memref<2x112x144xf32, #tpu.memory_space<vmem>>, vector<1x1x16xf32>,
        %get3A_1003 = arith.constant 0 : i32
        %get3A_1004 = arith.index_cast %get3A_1003 : i32 to index
        %get3A_1005 = arith.index_cast %add3A_920 : i32 to index
        %get3A_1006 = arith.constant 64 : index
        %get3A_1007 = tpu.vector_load %arg11[%get3A_1004, %get3A_1005, %get3A_1006] {strides = array<i32>} : memref<2x112x144xf32, #tpu.memory_space<vmem>>, vector<1x1x16xf32>,
        %get3A_1008 = vector.shape_cast %get3A_1007 : vector<1x1x16xf32> to vector<16xf32>
        %mul3A_1009 = arith.mulf %exp3A_939, %get3A_1008 : vector<16xf32>
        %swap3A_1010 = arith.constant 0 : i32
        %swap3A_1011 = arith.index_cast %swap3A_1010 : i32 to index
        %swap3A_1012 = arith.index_cast %add3A_920 : i32 to index
        %swap3A_1013 = arith.constant 64 : index
        %swap3A_1014 = tpu.vector_load %arg11[%swap3A_1011, %swap3A_1012, %swap3A_1013] {strides = array<i32>} : memref<2x112x144xf32, #tpu.memory_space<vmem>>, vector<1x1x16xf32>,
        %swap3A_1015 = vector.shape_cast %swap3A_1014 : vector<1x1x16xf32> to vector<16xf32>
        %swap3A_1016 = vector.shape_cast %mul3A_1009 : vector<16xf32> to vector<1x1x16xf32>
        tpu.vector_store %arg11[%swap3A_1011, %swap3A_1012, %swap3A_1013], %swap3A_1016 {strides = array<i32>} : memref<2x112x144xf32, #tpu.memory_space<vmem>>, vector<1x1x16xf32>,
        %get3A_1017 = arith.constant 0 : i32
        %get3A_1018 = arith.index_cast %get3A_1017 : i32 to index
        %get3A_1019 = arith.index_cast %add3A_920 : i32 to index
        %get3A_1020 = arith.constant 80 : index
        %get3A_1021 = tpu.vector_load %arg11[%get3A_1018, %get3A_1019, %get3A_1020] {strides = array<i32>} : memref<2x112x144xf32, #tpu.memory_space<vmem>>, vector<1x1x16xf32>,
        %get3A_1022 = vector.shape_cast %get3A_1021 : vector<1x1x16xf32> to vector<16xf32>
        %mul3A_1023 = arith.mulf %exp3A_939, %get3A_1022 : vector<16xf32>
        %swap3A_1024 = arith.constant 0 : i32
        %swap3A_1025 = arith.index_cast %swap3A_1024 : i32 to index
        %swap3A_1026 = arith.index_cast %add3A_920 : i32 to index
        %swap3A_1027 = arith.constant 80 : index
        %swap3A_1028 = tpu.vector_load %arg11[%swap3A_1025, %swap3A_1026, %swap3A_1027] {strides = array<i32>} : memref<2x112x144xf32, #tpu.memory_space<vmem>>, vector<1x1x16xf32>,
        %swap3A_1029 = vector.shape_cast %swap3A_1028 : vector<1x1x16xf32> to vector<16xf32>
        %swap3A_1030 = vector.shape_cast %mul3A_1023 : vector<16xf32> to vector<1x1x16xf32>
        tpu.vector_store %arg11[%swap3A_1025, %swap3A_1026, %swap3A_1027], %swap3A_1030 {strides = array<i32>} : memref<2x112x144xf32, #tpu.memory_space<vmem>>, vector<1x1x16xf32>,
        %get3A_1031 = arith.constant 0 : i32
        %get3A_1032 = arith.index_cast %get3A_1031 : i32 to index
        %get3A_1033 = arith.index_cast %add3A_920 : i32 to index
        %get3A_1034 = arith.constant 96 : index
        %get3A_1035 = tpu.vector_load %arg11[%get3A_1032, %get3A_1033, %get3A_1034] {strides = array<i32>} : memref<2x112x144xf32, #tpu.memory_space<vmem>>, vector<1x1x16xf32>,
        %get3A_1036 = vector.shape_cast %get3A_1035 : vector<1x1x16xf32> to vector<16xf32>
        %mul3A_1037 = arith.mulf %exp3A_939, %get3A_1036 : vector<16xf32>
        %swap3A_1038 = arith.constant 0 : i32
        %swap3A_1039 = arith.index_cast %swap3A_1038 : i32 to index
        %swap3A_1040 = arith.index_cast %add3A_920 : i32 to index
        %swap3A_1041 = arith.constant 96 : index
        %swap3A_1042 = tpu.vector_load %arg11[%swap3A_1039, %swap3A_1040, %swap3A_1041] {strides = array<i32>} : memref<2x112x144xf32, #tpu.memory_space<vmem>>, vector<1x1x16xf32>,
        %swap3A_1043 = vector.shape_cast %swap3A_1042 : vector<1x1x16xf32> to vector<16xf32>
        %swap3A_1044 = vector.shape_cast %mul3A_1037 : vector<16xf32> to vector<1x1x16xf32>
        tpu.vector_store %arg11[%swap3A_1039, %swap3A_1040, %swap3A_1041], %swap3A_1044 {strides = array<i32>} : memref<2x112x144xf32, #tpu.memory_space<vmem>>, vector<1x1x16xf32>,
        %get3A_1045 = arith.constant 0 : i32
        %get3A_1046 = arith.index_cast %get3A_1045 : i32 to index
        %get3A_1047 = arith.index_cast %add3A_920 : i32 to index
        %get3A_1048 = arith.constant 112 : index
        %get3A_1049 = tpu.vector_load %arg11[%get3A_1046, %get3A_1047, %get3A_1048] {strides = array<i32>} : memref<2x112x144xf32, #tpu.memory_space<vmem>>, vector<1x1x16xf32>,
        %get3A_1050 = vector.shape_cast %get3A_1049 : vector<1x1x16xf32> to vector<16xf32>
        %mul3A_1051 = arith.mulf %exp3A_939, %get3A_1050 : vector<16xf32>
        %swap3A_1052 = arith.constant 0 : i32
        %swap3A_1053 = arith.index_cast %swap3A_1052 : i32 to index
        %swap3A_1054 = arith.index_cast %add3A_920 : i32 to index
        %swap3A_1055 = arith.constant 112 : index
        %swap3A_1056 = tpu.vector_load %arg11[%swap3A_1053, %swap3A_1054, %swap3A_1055] {strides = array<i32>} : memref<2x112x144xf32, #tpu.memory_space<vmem>>, vector<1x1x16xf32>,
        %swap3A_1057 = vector.shape_cast %swap3A_1056 : vector<1x1x16xf32> to vector<16xf32>
        %swap3A_1058 = vector.shape_cast %mul3A_1051 : vector<16xf32> to vector<1x1x16xf32>
        tpu.vector_store %arg11[%swap3A_1053, %swap3A_1054, %swap3A_1055], %swap3A_1058 {strides = array<i32>} : memref<2x112x144xf32, #tpu.memory_space<vmem>>, vector<1x1x16xf32>,
      }
      %scan3A_313 = arith.constant 112 : i32
      %dma_start3A_314 = arith.constant 0 : i32
      %dma_start3A_315 = arith.constant 0 : i32
      %dma_start3A_316 = arith.constant 0 : i32
      %dma_start3A_317 = arith.constant 0 : i32
      %dma_start3A_318 = tpu.memref_slice %arg11[%dma_start3A_314, %dma_start3A_316, %dma_start3A_317] : memref<2x112x144xf32, #tpu.memory_space<vmem>> -> memref<1x112x144xf32, #tpu.memory_space<vmem>>
      %dma_start3A_319 = tpu.memref_squeeze %dma_start3A_318 : memref<1x112x144xf32, #tpu.memory_space<vmem>> -> memref<112x144xf32, #tpu.memory_space<vmem>>
      %dma_start3A_320 = arith.constant 0 : i32
      %dma_start3A_321 = tpu.memref_slice %arg9[%dma_start3A_315, %dma_start3A_320] : memref<2x112xi32, #tpu.memory_space<vmem>> -> memref<1x112xi32, #tpu.memory_space<vmem>>
      %dma_start3A_322 = tpu.memref_squeeze %dma_start3A_321 : memref<1x112xi32, #tpu.memory_space<vmem>> -> memref<112xi32, #tpu.memory_space<vmem>>
      %dma_start3A_323 = arith.constant 0 : i32
      %dma_start3A_324 = arith.constant 0 : i32
      %dma_start3A_325 = tpu.memref_slice %arg13[%dma_start3A_323, %dma_start3A_324] : memref<10112x144xf32, #tpu.memory_space<vmem_shared>> -> memref<10112x144xf32, #tpu.memory_space<vmem_shared>>
      tpu.enqueue_indirect_dma source(%dma_start3A_319 : memref<112x144xf32, #tpu.memory_space<vmem>>) target(%dma_start3A_325 : memref<10112x144xf32, #tpu.memory_space<vmem_shared>>) offsets(%dma_start3A_322 : memref<112xi32, #tpu.memory_space<vmem>>) semaphore(%arg18 : memref<!tpu.dma_semaphore, #tpu.memory_space<semaphore_mem>>) {add = true}
      %mul3A_326 = arith.constant 2 : i32
      %mul3A_327 = arith.muli %add3A_169, %mul3A_326 : i32
      %add3A_328 = arith.constant 1 : i32
      %add3A_329 = arith.addi %mul3A_327, %add3A_328 : i32
      %dma_wait3A_330 = arith.constant 1 : i32
      %dma_wait3A_331 = arith.constant 0 : i32
      %dma_wait3A_332 = arith.constant 0 : i32
      %dma_wait3A_333 = tpu.memref_slice %arg10[%dma_wait3A_330, %dma_wait3A_331, %dma_wait3A_332] : memref<2x112x16xf32, #tpu.memory_space<vmem>> -> memref<1x112x16xf32, #tpu.memory_space<vmem>>
      %dma_wait3A_334 = tpu.memref_squeeze %dma_wait3A_333 : memref<1x112x16xf32, #tpu.memory_space<vmem>> -> memref<112x16xf32, #tpu.memory_space<vmem>>
      %dma_wait3A_335 = arith.constant 0 : i32
      %dma_wait3A_336 = arith.constant 0 : i32
      %dma_wait3A_337 = tpu.memref_slice %arg4[%dma_wait3A_335, %dma_wait3A_336] : memref<10016x16xf32, #tpu.memory_space<hbm>> -> memref<112x16xf32, #tpu.memory_space<hbm>>
      %dma_wait3A_338 = arith.constant 0 : i32
      %dma_wait3A_339 = arith.constant 0 : i32
      %dma_wait3A_340 = tpu.memref_slice %arg10[%dma_wait3A_330, %dma_wait3A_338, %dma_wait3A_339] : memref<2x112x16xf32, #tpu.memory_space<vmem>> -> memref<1x112x16xf32, #tpu.memory_space<vmem>>
      %dma_wait3A_341 = tpu.memref_squeeze %dma_wait3A_340 : memref<1x112x16xf32, #tpu.memory_space<vmem>> -> memref<112x16xf32, #tpu.memory_space<vmem>>
      %dma_wait3A_342 = arith.constant 0 : i32
      %dma_wait3A_343 = arith.constant 0 : i32
      %dma_wait3A_344 = tpu.memref_slice %arg4[%dma_wait3A_342, %dma_wait3A_343] : memref<10016x16xf32, #tpu.memory_space<hbm>> -> memref<112x16xf32, #tpu.memory_space<hbm>>
      tpu.wait_dma2 semaphore(%arg17 : memref<!tpu.dma_semaphore, #tpu.memory_space<semaphore_mem>>) src(%dma_wait3A_344 : memref<112x16xf32, #tpu.memory_space<hbm>>) dst(%dma_wait3A_341 : memref<112x16xf32, #tpu.memory_space<vmem>>)
      %dma_wait3A_345 = arith.constant 1 : i32
      %dma_wait3A_346 = arith.constant 0 : i32
      %dma_wait3A_347 = arith.constant 0 : i32
      %dma_wait3A_348 = tpu.memref_slice %arg11[%dma_wait3A_345, %dma_wait3A_346, %dma_wait3A_347] : memref<2x112x144xf32, #tpu.memory_space<vmem>> -> memref<1x112x144xf32, #tpu.memory_space<vmem>>
      %dma_wait3A_349 = tpu.memref_squeeze %dma_wait3A_348 : memref<1x112x144xf32, #tpu.memory_space<vmem>> -> memref<112x144xf32, #tpu.memory_space<vmem>>
      %dma_wait3A_350 = arith.constant 0 : i32
      %dma_wait3A_351 = arith.constant 0 : i32
      %dma_wait3A_352 = tpu.memref_slice %arg5[%dma_wait3A_350, %dma_wait3A_351] : memref<10016x144xf32, #tpu.memory_space<hbm>> -> memref<112x144xf32, #tpu.memory_space<hbm>>
      %dma_wait3A_353 = arith.constant 0 : i32
      %dma_wait3A_354 = arith.constant 0 : i32
      %dma_wait3A_355 = tpu.memref_slice %arg11[%dma_wait3A_345, %dma_wait3A_353, %dma_wait3A_354] : memref<2x112x144xf32, #tpu.memory_space<vmem>> -> memref<1x112x144xf32, #tpu.memory_space<vmem>>
      %dma_wait3A_356 = tpu.memref_squeeze %dma_wait3A_355 : memref<1x112x144xf32, #tpu.memory_space<vmem>> -> memref<112x144xf32, #tpu.memory_space<vmem>>
      %dma_wait3A_357 = arith.constant 0 : i32
      %dma_wait3A_358 = arith.constant 0 : i32
      %dma_wait3A_359 = tpu.memref_slice %arg5[%dma_wait3A_357, %dma_wait3A_358] : memref<10016x144xf32, #tpu.memory_space<hbm>> -> memref<112x144xf32, #tpu.memory_space<hbm>>
      tpu.wait_dma2 semaphore(%arg17 : memref<!tpu.dma_semaphore, #tpu.memory_space<semaphore_mem>>) src(%dma_wait3A_359 : memref<112x144xf32, #tpu.memory_space<hbm>>) dst(%dma_wait3A_356 : memref<112x144xf32, #tpu.memory_space<vmem>>)
      %ge3A_360 = arith.constant 1 : i32
      %ge3A_361 = arith.cmpi sge, %add3A_329, %ge3A_360 : i32
      %convert_element_type3A_362 = arith.extui %ge3A_361 : i1 to i32
      %cond3A_363 = arith.constant 0 : i32
      %cond3A_364 = arith.cmpi ne, %convert_element_type3A_362, %cond3A_363 : i32
      scf.if %cond3A_364 {
        %dma_wait3A_487 = arith.constant 0 : i32
        %dma_wait3A_488 = arith.constant 0 : i32
        %dma_wait3A_489 = arith.constant 0 : i32
        %dma_wait3A_490 = tpu.memref_slice %arg11[%dma_wait3A_487, %dma_wait3A_488, %dma_wait3A_489] : memref<2x112x144xf32, #tpu.memory_space<vmem>> -> memref<1x112x144xf32, #tpu.memory_space<vmem>>
        %dma_wait3A_491 = tpu.memref_squeeze %dma_wait3A_490 : memref<1x112x144xf32, #tpu.memory_space<vmem>> -> memref<112x144xf32, #tpu.memory_space<vmem>>
        %dma_wait3A_492 = arith.constant 0 : i32
        %dma_wait3A_493 = arith.constant 0 : i32
        %dma_wait3A_494 = tpu.memref_slice %arg13[%dma_wait3A_492, %dma_wait3A_493] : memref<10112x144xf32, #tpu.memory_space<vmem_shared>> -> memref<112x144xf32, #tpu.memory_space<vmem_shared>>
        %dma_wait3A_495 = arith.constant 0 : i32
        %dma_wait3A_496 = arith.constant 0 : i32
        %dma_wait3A_497 = tpu.memref_slice %arg13[%dma_wait3A_495, %dma_wait3A_496] : memref<10112x144xf32, #tpu.memory_space<vmem_shared>> -> memref<112x144xf32, #tpu.memory_space<vmem_shared>>
        %dma_wait3A_498 = arith.constant 0 : i32
        %dma_wait3A_499 = arith.constant 0 : i32
        %dma_wait3A_500 = tpu.memref_slice %arg11[%dma_wait3A_487, %dma_wait3A_498, %dma_wait3A_499] : memref<2x112x144xf32, #tpu.memory_space<vmem>> -> memref<1x112x144xf32, #tpu.memory_space<vmem>>
        %dma_wait3A_501 = tpu.memref_squeeze %dma_wait3A_500 : memref<1x112x144xf32, #tpu.memory_space<vmem>> -> memref<112x144xf32, #tpu.memory_space<vmem>>
        tpu.wait_dma2 semaphore(%arg18 : memref<!tpu.dma_semaphore, #tpu.memory_space<semaphore_mem>>) src(%dma_wait3A_501 : memref<112x144xf32, #tpu.memory_space<vmem>>) dst(%dma_wait3A_497 : memref<112x144xf32, #tpu.memory_space<vmem_shared>>)
      } else {
      }
      %get3A_365 = arith.constant 1 : i32
      %get3A_366 = arith.constant 0 : i32
      %get3A_367 = arith.index_cast %get3A_365 : i32 to index
      %get3A_368 = arith.index_cast %get3A_366 : i32 to index
      %get3A_369 = arith.constant 0 : index
      %get3A_370 = tpu.vector_load %arg8[%get3A_367, %get3A_368, %get3A_369] {strides = array<i32>} : memref<2x2x112xi32, #tpu.memory_space<vmem>>, vector<1x1x16xi32>,
      %get3A_371 = vector.shape_cast %get3A_370 : vector<1x1x16xi32> to vector<16xi32>
      %swap3A_372 = arith.constant 1 : i32
      %swap3A_373 = arith.index_cast %swap3A_372 : i32 to index
      %swap3A_374 = arith.constant 0 : index
      %swap3A_375 = tpu.vector_load %arg9[%swap3A_373, %swap3A_374] {strides = array<i32>} : memref<2x112xi32, #tpu.memory_space<vmem>>, vector<1x16xi32>,
      %swap3A_376 = vector.shape_cast %swap3A_375 : vector<1x16xi32> to vector<16xi32>
      %swap3A_377 = vector.shape_cast %get3A_371 : vector<16xi32> to vector<1x16xi32>
      tpu.vector_store %arg9[%swap3A_373, %swap3A_374], %swap3A_377 {strides = array<i32>} : memref<2x112xi32, #tpu.memory_space<vmem>>, vector<1x16xi32>,
      %get3A_378 = arith.constant 1 : i32
      %get3A_379 = arith.constant 0 : i32
      %get3A_380 = arith.index_cast %get3A_378 : i32 to index
      %get3A_381 = arith.index_cast %get3A_379 : i32 to index
      %get3A_382 = arith.constant 16 : index
      %get3A_383 = tpu.vector_load %arg8[%get3A_380, %get3A_381, %get3A_382] {strides = array<i32>} : memref<2x2x112xi32, #tpu.memory_space<vmem>>, vector<1x1x16xi32>,
      %get3A_384 = vector.shape_cast %get3A_383 : vector<1x1x16xi32> to vector<16xi32>
      %swap3A_385 = arith.constant 1 : i32
      %swap3A_386 = arith.index_cast %swap3A_385 : i32 to index
      %swap3A_387 = arith.constant 16 : index
      %swap3A_388 = tpu.vector_load %arg9[%swap3A_386, %swap3A_387] {strides = array<i32>} : memref<2x112xi32, #tpu.memory_space<vmem>>, vector<1x16xi32>,
      %swap3A_389 = vector.shape_cast %swap3A_388 : vector<1x16xi32> to vector<16xi32>
      %swap3A_390 = vector.shape_cast %get3A_384 : vector<16xi32> to vector<1x16xi32>
      tpu.vector_store %arg9[%swap3A_386, %swap3A_387], %swap3A_390 {strides = array<i32>} : memref<2x112xi32, #tpu.memory_space<vmem>>, vector<1x16xi32>,
      %get3A_391 = arith.constant 1 : i32
      %get3A_392 = arith.constant 0 : i32
      %get3A_393 = arith.index_cast %get3A_391 : i32 to index
      %get3A_394 = arith.index_cast %get3A_392 : i32 to index
      %get3A_395 = arith.constant 32 : index
      %get3A_396 = tpu.vector_load %arg8[%get3A_393, %get3A_394, %get3A_395] {strides = array<i32>} : memref<2x2x112xi32, #tpu.memory_space<vmem>>, vector<1x1x16xi32>,
      %get3A_397 = vector.shape_cast %get3A_396 : vector<1x1x16xi32> to vector<16xi32>
      %swap3A_398 = arith.constant 1 : i32
      %swap3A_399 = arith.index_cast %swap3A_398 : i32 to index
      %swap3A_400 = arith.constant 32 : index
      %swap3A_401 = tpu.vector_load %arg9[%swap3A_399, %swap3A_400] {strides = array<i32>} : memref<2x112xi32, #tpu.memory_space<vmem>>, vector<1x16xi32>,
      %swap3A_402 = vector.shape_cast %swap3A_401 : vector<1x16xi32> to vector<16xi32>
      %swap3A_403 = vector.shape_cast %get3A_397 : vector<16xi32> to vector<1x16xi32>
      tpu.vector_store %arg9[%swap3A_399, %swap3A_400], %swap3A_403 {strides = array<i32>} : memref<2x112xi32, #tpu.memory_space<vmem>>, vector<1x16xi32>,
      %get3A_404 = arith.constant 1 : i32
      %get3A_405 = arith.constant 0 : i32
      %get3A_406 = arith.index_cast %get3A_404 : i32 to index
      %get3A_407 = arith.index_cast %get3A_405 : i32 to index
      %get3A_408 = arith.constant 48 : index
      %get3A_409 = tpu.vector_load %arg8[%get3A_406, %get3A_407, %get3A_408] {strides = array<i32>} : memref<2x2x112xi32, #tpu.memory_space<vmem>>, vector<1x1x16xi32>,
      %get3A_410 = vector.shape_cast %get3A_409 : vector<1x1x16xi32> to vector<16xi32>
      %swap3A_411 = arith.constant 1 : i32
      %swap3A_412 = arith.index_cast %swap3A_411 : i32 to index
      %swap3A_413 = arith.constant 48 : index
      %swap3A_414 = tpu.vector_load %arg9[%swap3A_412, %swap3A_413] {strides = array<i32>} : memref<2x112xi32, #tpu.memory_space<vmem>>, vector<1x16xi32>,
      %swap3A_415 = vector.shape_cast %swap3A_414 : vector<1x16xi32> to vector<16xi32>
      %swap3A_416 = vector.shape_cast %get3A_410 : vector<16xi32> to vector<1x16xi32>
      tpu.vector_store %arg9[%swap3A_412, %swap3A_413], %swap3A_416 {strides = array<i32>} : memref<2x112xi32, #tpu.memory_space<vmem>>, vector<1x16xi32>,
      %get3A_417 = arith.constant 1 : i32
      %get3A_418 = arith.constant 0 : i32
      %get3A_419 = arith.index_cast %get3A_417 : i32 to index
      %get3A_420 = arith.index_cast %get3A_418 : i32 to index
      %get3A_421 = arith.constant 64 : index
      %get3A_422 = tpu.vector_load %arg8[%get3A_419, %get3A_420, %get3A_421] {strides = array<i32>} : memref<2x2x112xi32, #tpu.memory_space<vmem>>, vector<1x1x16xi32>,
      %get3A_423 = vector.shape_cast %get3A_422 : vector<1x1x16xi32> to vector<16xi32>
      %swap3A_424 = arith.constant 1 : i32
      %swap3A_425 = arith.index_cast %swap3A_424 : i32 to index
      %swap3A_426 = arith.constant 64 : index
      %swap3A_427 = tpu.vector_load %arg9[%swap3A_425, %swap3A_426] {strides = array<i32>} : memref<2x112xi32, #tpu.memory_space<vmem>>, vector<1x16xi32>,
      %swap3A_428 = vector.shape_cast %swap3A_427 : vector<1x16xi32> to vector<16xi32>
      %swap3A_429 = vector.shape_cast %get3A_423 : vector<16xi32> to vector<1x16xi32>
      tpu.vector_store %arg9[%swap3A_425, %swap3A_426], %swap3A_429 {strides = array<i32>} : memref<2x112xi32, #tpu.memory_space<vmem>>, vector<1x16xi32>,
      %get3A_430 = arith.constant 1 : i32
      %get3A_431 = arith.constant 0 : i32
      %get3A_432 = arith.index_cast %get3A_430 : i32 to index
      %get3A_433 = arith.index_cast %get3A_431 : i32 to index
      %get3A_434 = arith.constant 80 : index
      %get3A_435 = tpu.vector_load %arg8[%get3A_432, %get3A_433, %get3A_434] {strides = array<i32>} : memref<2x2x112xi32, #tpu.memory_space<vmem>>, vector<1x1x16xi32>,
      %get3A_436 = vector.shape_cast %get3A_435 : vector<1x1x16xi32> to vector<16xi32>
      %swap3A_437 = arith.constant 1 : i32
      %swap3A_438 = arith.index_cast %swap3A_437 : i32 to index
      %swap3A_439 = arith.constant 80 : index
      %swap3A_440 = tpu.vector_load %arg9[%swap3A_438, %swap3A_439] {strides = array<i32>} : memref<2x112xi32, #tpu.memory_space<vmem>>, vector<1x16xi32>,
      %swap3A_441 = vector.shape_cast %swap3A_440 : vector<1x16xi32> to vector<16xi32>
      %swap3A_442 = vector.shape_cast %get3A_436 : vector<16xi32> to vector<1x16xi32>
      tpu.vector_store %arg9[%swap3A_438, %swap3A_439], %swap3A_442 {strides = array<i32>} : memref<2x112xi32, #tpu.memory_space<vmem>>, vector<1x16xi32>,
      %get3A_443 = arith.constant 1 : i32
      %get3A_444 = arith.constant 0 : i32
      %get3A_445 = arith.index_cast %get3A_443 : i32 to index
      %get3A_446 = arith.index_cast %get3A_444 : i32 to index
      %get3A_447 = arith.constant 96 : index
      %get3A_448 = tpu.vector_load %arg8[%get3A_445, %get3A_446, %get3A_447] {strides = array<i32>} : memref<2x2x112xi32, #tpu.memory_space<vmem>>, vector<1x1x16xi32>,
      %get3A_449 = vector.shape_cast %get3A_448 : vector<1x1x16xi32> to vector<16xi32>
      %swap3A_450 = arith.constant 1 : i32
      %swap3A_451 = arith.index_cast %swap3A_450 : i32 to index
      %swap3A_452 = arith.constant 96 : index
      %swap3A_453 = tpu.vector_load %arg9[%swap3A_451, %swap3A_452] {strides = array<i32>} : memref<2x112xi32, #tpu.memory_space<vmem>>, vector<1x16xi32>,
      %swap3A_454 = vector.shape_cast %swap3A_453 : vector<1x16xi32> to vector<16xi32>
      %swap3A_455 = vector.shape_cast %get3A_449 : vector<16xi32> to vector<1x16xi32>
      tpu.vector_store %arg9[%swap3A_451, %swap3A_452], %swap3A_455 {strides = array<i32>} : memref<2x112xi32, #tpu.memory_space<vmem>>, vector<1x16xi32>,
      %add3A_456 = arith.constant 2 : i32
      %add3A_457 = arith.addi %add3A_329, %add3A_456 : i32
      %lt3A_458 = arith.constant 94 : i32
      %lt3A_459 = arith.cmpi slt, %add3A_457, %lt3A_458 : i32
      %convert_element_type3A_460 = arith.extui %lt3A_459 : i1 to i32
      %cond3A_461 = arith.constant 0 : i32
      %cond3A_462 = arith.cmpi ne, %convert_element_type3A_460, %cond3A_461 : i32
      scf.if %cond3A_462 {
        %add3A_487 = arith.constant 2 : i32
        %add3A_488 = arith.addi %add3A_329, %add3A_487 : i32
        %dma_start3A_489 = arith.constant 1 : i32
        %dma_start3A_490 = arith.constant 0 : i32
        %dma_start3A_491 = arith.constant 0 : i32
        %dma_start3A_492 = tpu.memref_slice %arg8[%dma_start3A_489, %dma_start3A_490, %dma_start3A_491] : memref<2x2x112xi32, #tpu.memory_space<vmem>> -> memref<1x1x112xi32, #tpu.memory_space<vmem>>
        %dma_start3A_493 = tpu.memref_squeeze %dma_start3A_492 : memref<1x1x112xi32, #tpu.memory_space<vmem>> -> memref<112xi32, #tpu.memory_space<vmem>>
        %dma_start3A_494 = arith.constant 0 : i32
        %dma_start3A_495 = tpu.memref_slice %arg2[%add3A, %add3A_488, %dma_start3A_494] : memref<32x94x112xi32, #tpu.memory_space<hbm>> -> memref<1x1x112xi32, #tpu.memory_space<hbm>>
        %dma_start3A_496 = tpu.memref_squeeze %dma_start3A_495 : memref<1x1x112xi32, #tpu.memory_space<hbm>> -> memref<112xi32, #tpu.memory_space<hbm>>
        %dma_start3A_497 = arith.constant 0 : i32
        %dma_start3A_498 = tpu.memref_slice %arg8[%dma_start3A_489, %dma_start3A_490, %dma_start3A_497] : memref<2x2x112xi32, #tpu.memory_space<vmem>> -> memref<1x1x112xi32, #tpu.memory_space<vmem>>
        %dma_start3A_499 = tpu.memref_squeeze %dma_start3A_498 : memref<1x1x112xi32, #tpu.memory_space<vmem>> -> memref<112xi32, #tpu.memory_space<vmem>>
        %dma_start3A_500 = arith.constant 0 : i32
        %dma_start3A_501 = tpu.memref_slice %arg2[%add3A, %add3A_488, %dma_start3A_500] : memref<32x94x112xi32, #tpu.memory_space<hbm>> -> memref<1x1x112xi32, #tpu.memory_space<hbm>>
        %dma_start3A_502 = tpu.memref_squeeze %dma_start3A_501 : memref<1x1x112xi32, #tpu.memory_space<hbm>> -> memref<112xi32, #tpu.memory_space<hbm>>
        tpu.enqueue_dma source(%dma_start3A_502 : memref<112xi32, #tpu.memory_space<hbm>>) target(%dma_start3A_499 : memref<112xi32, #tpu.memory_space<vmem>>) target_semaphore(%arg15 : memref<!tpu.dma_semaphore, #tpu.memory_space<semaphore_mem>>)
        %dma_start3A_503 = arith.constant 1 : i32
        %dma_start3A_504 = arith.constant 1 : i32
        %dma_start3A_505 = arith.constant 0 : i32
        %dma_start3A_506 = tpu.memref_slice %arg8[%dma_start3A_503, %dma_start3A_504, %dma_start3A_505] : memref<2x2x112xi32, #tpu.memory_space<vmem>> -> memref<1x1x112xi32, #tpu.memory_space<vmem>>
        %dma_start3A_507 = tpu.memref_squeeze %dma_start3A_506 : memref<1x1x112xi32, #tpu.memory_space<vmem>> -> memref<112xi32, #tpu.memory_space<vmem>>
        %dma_start3A_508 = arith.constant 0 : i32
        %dma_start3A_509 = tpu.memref_slice %arg3[%add3A, %add3A_488, %dma_start3A_508] : memref<32x94x112xi32, #tpu.memory_space<hbm>> -> memref<1x1x112xi32, #tpu.memory_space<hbm>>
        %dma_start3A_510 = tpu.memref_squeeze %dma_start3A_509 : memref<1x1x112xi32, #tpu.memory_space<hbm>> -> memref<112xi32, #tpu.memory_space<hbm>>
        %dma_start3A_511 = arith.constant 0 : i32
        %dma_start3A_512 = tpu.memref_slice %arg8[%dma_start3A_503, %dma_start3A_504, %dma_start3A_511] : memref<2x2x112xi32, #tpu.memory_space<vmem>> -> memref<1x1x112xi32, #tpu.memory_space<vmem>>
        %dma_start3A_513 = tpu.memref_squeeze %dma_start3A_512 : memref<1x1x112xi32, #tpu.memory_space<vmem>> -> memref<112xi32, #tpu.memory_space<vmem>>
        %dma_start3A_514 = arith.constant 0 : i32
        %dma_start3A_515 = tpu.memref_slice %arg3[%add3A, %add3A_488, %dma_start3A_514] : memref<32x94x112xi32, #tpu.memory_space<hbm>> -> memref<1x1x112xi32, #tpu.memory_space<hbm>>
        %dma_start3A_516 = tpu.memref_squeeze %dma_start3A_515 : memref<1x1x112xi32, #tpu.memory_space<hbm>> -> memref<112xi32, #tpu.memory_space<hbm>>
        tpu.enqueue_dma source(%dma_start3A_516 : memref<112xi32, #tpu.memory_space<hbm>>) target(%dma_start3A_513 : memref<112xi32, #tpu.memory_space<vmem>>) target_semaphore(%arg15 : memref<!tpu.dma_semaphore, #tpu.memory_space<semaphore_mem>>)
      } else {
      }
      %add3A_463 = arith.constant 1 : i32
      %add3A_464 = arith.addi %add3A_329, %add3A_463 : i32
      %lt3A_465 = arith.constant 94 : i32
      %lt3A_466 = arith.cmpi slt, %add3A_464, %lt3A_465 : i32
      %convert_element_type3A_467 = arith.extui %lt3A_466 : i1 to i32
      %cond3A_468 = arith.constant 0 : i32
      %cond3A_469 = arith.cmpi ne, %convert_element_type3A_467, %cond3A_468 : i32
      scf.if %cond3A_469 {
        %dma_wait3A_487 = arith.constant 0 : i32
        %dma_wait3A_488 = arith.constant 0 : i32
        %dma_wait3A_489 = arith.constant 0 : i32
        %dma_wait3A_490 = arith.constant 0 : i32
        %dma_wait3A_491 = arith.constant 0 : i32
        %dma_wait3A_492 = tpu.memref_slice %arg8[%dma_wait3A_489, %dma_wait3A_490, %dma_wait3A_491] : memref<2x2x112xi32, #tpu.memory_space<vmem>> -> memref<1x1x112xi32, #tpu.memory_space<vmem>>
        %dma_wait3A_493 = tpu.memref_squeeze %dma_wait3A_492 : memref<1x1x112xi32, #tpu.memory_space<vmem>> -> memref<112xi32, #tpu.memory_space<vmem>>
        %dma_wait3A_494 = arith.constant 0 : i32
        %dma_wait3A_495 = tpu.memref_slice %arg2[%dma_wait3A_487, %dma_wait3A_488, %dma_wait3A_494] : memref<32x94x112xi32, #tpu.memory_space<hbm>> -> memref<1x1x112xi32, #tpu.memory_space<hbm>>
        %dma_wait3A_496 = tpu.memref_squeeze %dma_wait3A_495 : memref<1x1x112xi32, #tpu.memory_space<hbm>> -> memref<112xi32, #tpu.memory_space<hbm>>
        %dma_wait3A_497 = arith.constant 0 : i32
        %dma_wait3A_498 = tpu.memref_slice %arg8[%dma_wait3A_489, %dma_wait3A_490, %dma_wait3A_497] : memref<2x2x112xi32, #tpu.memory_space<vmem>> -> memref<1x1x112xi32, #tpu.memory_space<vmem>>
        %dma_wait3A_499 = tpu.memref_squeeze %dma_wait3A_498 : memref<1x1x112xi32, #tpu.memory_space<vmem>> -> memref<112xi32, #tpu.memory_space<vmem>>
        %dma_wait3A_500 = arith.constant 0 : i32
        %dma_wait3A_501 = tpu.memref_slice %arg2[%dma_wait3A_487, %dma_wait3A_488, %dma_wait3A_500] : memref<32x94x112xi32, #tpu.memory_space<hbm>> -> memref<1x1x112xi32, #tpu.memory_space<hbm>>
        %dma_wait3A_502 = tpu.memref_squeeze %dma_wait3A_501 : memref<1x1x112xi32, #tpu.memory_space<hbm>> -> memref<112xi32, #tpu.memory_space<hbm>>
        tpu.wait_dma2 semaphore(%arg14 : memref<!tpu.dma_semaphore, #tpu.memory_space<semaphore_mem>>) src(%dma_wait3A_502 : memref<112xi32, #tpu.memory_space<hbm>>) dst(%dma_wait3A_499 : memref<112xi32, #tpu.memory_space<vmem>>)
        %dma_wait3A_503 = arith.constant 0 : i32
        %dma_wait3A_504 = arith.constant 0 : i32
        %dma_wait3A_505 = arith.constant 0 : i32
        %dma_wait3A_506 = arith.constant 1 : i32
        %dma_wait3A_507 = arith.constant 0 : i32
        %dma_wait3A_508 = tpu.memref_slice %arg8[%dma_wait3A_505, %dma_wait3A_506, %dma_wait3A_507] : memref<2x2x112xi32, #tpu.memory_space<vmem>> -> memref<1x1x112xi32, #tpu.memory_space<vmem>>
        %dma_wait3A_509 = tpu.memref_squeeze %dma_wait3A_508 : memref<1x1x112xi32, #tpu.memory_space<vmem>> -> memref<112xi32, #tpu.memory_space<vmem>>
        %dma_wait3A_510 = arith.constant 0 : i32
        %dma_wait3A_511 = tpu.memref_slice %arg3[%dma_wait3A_503, %dma_wait3A_504, %dma_wait3A_510] : memref<32x94x112xi32, #tpu.memory_space<hbm>> -> memref<1x1x112xi32, #tpu.memory_space<hbm>>
        %dma_wait3A_512 = tpu.memref_squeeze %dma_wait3A_511 : memref<1x1x112xi32, #tpu.memory_space<hbm>> -> memref<112xi32, #tpu.memory_space<hbm>>
        %dma_wait3A_513 = arith.constant 0 : i32
        %dma_wait3A_514 = tpu.memref_slice %arg8[%dma_wait3A_505, %dma_wait3A_506, %dma_wait3A_513] : memref<2x2x112xi32, #tpu.memory_space<vmem>> -> memref<1x1x112xi32, #tpu.memory_space<vmem>>
        %dma_wait3A_515 = tpu.memref_squeeze %dma_wait3A_514 : memref<1x1x112xi32, #tpu.memory_space<vmem>> -> memref<112xi32, #tpu.memory_space<vmem>>
        %dma_wait3A_516 = arith.constant 0 : i32
        %dma_wait3A_517 = tpu.memref_slice %arg3[%dma_wait3A_503, %dma_wait3A_504, %dma_wait3A_516] : memref<32x94x112xi32, #tpu.memory_space<hbm>> -> memref<1x1x112xi32, #tpu.memory_space<hbm>>
        %dma_wait3A_518 = tpu.memref_squeeze %dma_wait3A_517 : memref<1x1x112xi32, #tpu.memory_space<hbm>> -> memref<112xi32, #tpu.memory_space<hbm>>
        tpu.wait_dma2 semaphore(%arg14 : memref<!tpu.dma_semaphore, #tpu.memory_space<semaphore_mem>>) src(%dma_wait3A_518 : memref<112xi32, #tpu.memory_space<hbm>>) dst(%dma_wait3A_515 : memref<112xi32, #tpu.memory_space<vmem>>)
        %dma_start3A_519 = arith.constant 0 : i32
        %dma_start3A_520 = arith.constant 0 : i32
        %dma_start3A_521 = arith.constant 0 : i32
        %dma_start3A_522 = arith.constant 0 : i32
        %dma_start3A_523 = arith.constant 0 : i32
        %dma_start3A_524 = tpu.memref_slice %arg10[%dma_start3A_521, %dma_start3A_522, %dma_start3A_523] : memref<2x112x16xf32, #tpu.memory_space<vmem>> -> memref<1x112x16xf32, #tpu.memory_space<vmem>>
        %dma_start3A_525 = tpu.memref_squeeze %dma_start3A_524 : memref<1x112x16xf32, #tpu.memory_space<vmem>> -> memref<112x16xf32, #tpu.memory_space<vmem>>
        %dma_start3A_526 = arith.constant 0 : i32
        %dma_start3A_527 = tpu.memref_slice %arg8[%dma_start3A_519, %dma_start3A_520, %dma_start3A_526] : memref<2x2x112xi32, #tpu.memory_space<vmem>> -> memref<1x1x112xi32, #tpu.memory_space<vmem>>
        %dma_start3A_528 = tpu.memref_squeeze %dma_start3A_527 : memref<1x1x112xi32, #tpu.memory_space<vmem>> -> memref<112xi32, #tpu.memory_space<vmem>>
        %dma_start3A_529 = arith.constant 0 : i32
        %dma_start3A_530 = arith.constant 0 : i32
        %dma_start3A_531 = tpu.memref_slice %arg4[%dma_start3A_529, %dma_start3A_530] : memref<10016x16xf32, #tpu.memory_space<hbm>> -> memref<10016x16xf32, #tpu.memory_space<hbm>>
        tpu.enqueue_indirect_dma source(%dma_start3A_531 : memref<10016x16xf32, #tpu.memory_space<hbm>>) target(%dma_start3A_525 : memref<112x16xf32, #tpu.memory_space<vmem>>) offsets(%dma_start3A_528 : memref<112xi32, #tpu.memory_space<vmem>>) semaphore(%arg16 : memref<!tpu.dma_semaphore, #tpu.memory_space<semaphore_mem>>)
        %dma_start3A_532 = arith.constant 0 : i32
        %dma_start3A_533 = arith.constant 1 : i32
        %dma_start3A_534 = arith.constant 0 : i32
        %dma_start3A_535 = arith.constant 0 : i32
        %dma_start3A_536 = arith.constant 0 : i32
        %dma_start3A_537 = tpu.memref_slice %arg11[%dma_start3A_534, %dma_start3A_535, %dma_start3A_536] : memref<2x112x144xf32, #tpu.memory_space<vmem>> -> memref<1x112x144xf32, #tpu.memory_space<vmem>>
        %dma_start3A_538 = tpu.memref_squeeze %dma_start3A_537 : memref<1x112x144xf32, #tpu.memory_space<vmem>> -> memref<112x144xf32, #tpu.memory_space<vmem>>
        %dma_start3A_539 = arith.constant 0 : i32
        %dma_start3A_540 = tpu.memref_slice %arg8[%dma_start3A_532, %dma_start3A_533, %dma_start3A_539] : memref<2x2x112xi32, #tpu.memory_space<vmem>> -> memref<1x1x112xi32, #tpu.memory_space<vmem>>
        %dma_start3A_541 = tpu.memref_squeeze %dma_start3A_540 : memref<1x1x112xi32, #tpu.memory_space<vmem>> -> memref<112xi32, #tpu.memory_space<vmem>>
        %dma_start3A_542 = arith.constant 0 : i32
        %dma_start3A_543 = arith.constant 0 : i32
        %dma_start3A_544 = tpu.memref_slice %arg5[%dma_start3A_542, %dma_start3A_543] : memref<10016x144xf32, #tpu.memory_space<hbm>> -> memref<10016x144xf32, #tpu.memory_space<hbm>>
        tpu.enqueue_indirect_dma source(%dma_start3A_544 : memref<10016x144xf32, #tpu.memory_space<hbm>>) target(%dma_start3A_538 : memref<112x144xf32, #tpu.memory_space<vmem>>) offsets(%dma_start3A_541 : memref<112xi32, #tpu.memory_space<vmem>>) semaphore(%arg16 : memref<!tpu.dma_semaphore, #tpu.memory_space<semaphore_mem>>)
      } else {
      }
      %scan3A_470 = arith.constant 0 : i32
      %scan3A_471 = arith.constant 112 : i32
      %scan3A_472 = arith.addi %scan3A_470, %scan3A_471 : i32
      %scan3A_473 = arith.constant 4 : i32
      scf.for %scan3A_487 = %scan3A_470 to %scan3A_472 step %scan3A_473  : i32 {
        %mul3A_488 = arith.constant 1 : i32
        %mul3A_489 = arith.muli %scan3A_487, %mul3A_488 : i32
        %add3A_490 = arith.constant 0 : i32
        %add3A_491 = arith.addi %add3A_490, %mul3A_489 : i32
        %get3A_492 = arith.constant 1 : i32
        %get3A_493 = arith.index_cast %get3A_492 : i32 to index
        %get3A_494 = arith.index_cast %add3A_491 : i32 to index
        %get3A_495 = arith.constant 0 : index
        %get3A_496 = tpu.vector_load %arg10[%get3A_493, %get3A_494, %get3A_495] {strides = array<i32>} : memref<2x112x16xf32, #tpu.memory_space<vmem>>, vector<1x1x16xf32>,
        %get3A_497 = vector.shape_cast %get3A_496 : vector<1x1x16xf32> to vector<16xf32>
        %get3A_498 = arith.constant 1 : i32
        %get3A_499 = arith.index_cast %get3A_498 : i32 to index
        %get3A_500 = arith.index_cast %add3A_491 : i32 to index
        %get3A_501 = arith.constant 128 : index
        %get3A_502 = tpu.vector_load %arg11[%get3A_499, %get3A_500, %get3A_501] {strides = array<i32>} : memref<2x112x144xf32, #tpu.memory_space<vmem>>, vector<1x1x16xf32>,
        %get3A_503 = vector.shape_cast %get3A_502 : vector<1x1x16xf32> to vector<16xf32>
        %add3A_504 = arith.addf %get3A_497, %get3A_503 : vector<16xf32>
        %mul3A_505 = arith.constant 0.00999999977 : f32
        %mul3A_506 = vector.broadcast %mul3A_505 : f32 to vector<16xf32>
        %mul3A_507 = arith.mulf %mul3A_506, %add3A_504 : vector<16xf32>
        %max3A = arith.maximumf %add3A_504, %mul3A_507 : vector<16xf32>
        %sub3A = arith.subf %max3A, %get3A_27 : vector<16xf32>
        %exp3A = math.exp %sub3A : vector<16xf32>
        %swap3A_508 = arith.constant 1 : i32
        %swap3A_509 = arith.index_cast %swap3A_508 : i32 to index
        %swap3A_510 = arith.index_cast %add3A_491 : i32 to index
        %swap3A_511 = arith.constant 128 : index
        %swap3A_512 = tpu.vector_load %arg11[%swap3A_509, %swap3A_510, %swap3A_511] {strides = array<i32>} : memref<2x112x144xf32, #tpu.memory_space<vmem>>, vector<1x1x16xf32>,
        %swap3A_513 = vector.shape_cast %swap3A_512 : vector<1x1x16xf32> to vector<16xf32>
        %swap3A_514 = vector.shape_cast %exp3A : vector<16xf32> to vector<1x1x16xf32>
        tpu.vector_store %arg11[%swap3A_509, %swap3A_510, %swap3A_511], %swap3A_514 {strides = array<i32>} : memref<2x112x144xf32, #tpu.memory_space<vmem>>, vector<1x1x16xf32>,
        %get3A_515 = arith.constant 1 : i32
        %get3A_516 = arith.index_cast %get3A_515 : i32 to index
        %get3A_517 = arith.index_cast %add3A_491 : i32 to index
        %get3A_518 = arith.constant 0 : index
        %get3A_519 = tpu.vector_load %arg11[%get3A_516, %get3A_517, %get3A_518] {strides = array<i32>} : memref<2x112x144xf32, #tpu.memory_space<vmem>>, vector<1x1x16xf32>,
        %get3A_520 = vector.shape_cast %get3A_519 : vector<1x1x16xf32> to vector<16xf32>
        %mul3A_521 = arith.mulf %exp3A, %get3A_520 : vector<16xf32>
        %swap3A_522 = arith.constant 1 : i32
        %swap3A_523 = arith.index_cast %swap3A_522 : i32 to index
        %swap3A_524 = arith.index_cast %add3A_491 : i32 to index
        %swap3A_525 = arith.constant 0 : index
        %swap3A_526 = tpu.vector_load %arg11[%swap3A_523, %swap3A_524, %swap3A_525] {strides = array<i32>} : memref<2x112x144xf32, #tpu.memory_space<vmem>>, vector<1x1x16xf32>,
        %swap3A_527 = vector.shape_cast %swap3A_526 : vector<1x1x16xf32> to vector<16xf32>
        %swap3A_528 = vector.shape_cast %mul3A_521 : vector<16xf32> to vector<1x1x16xf32>
        tpu.vector_store %arg11[%swap3A_523, %swap3A_524, %swap3A_525], %swap3A_528 {strides = array<i32>} : memref<2x112x144xf32, #tpu.memory_space<vmem>>, vector<1x1x16xf32>,
        %get3A_529 = arith.constant 1 : i32
        %get3A_530 = arith.index_cast %get3A_529 : i32 to index
        %get3A_531 = arith.index_cast %add3A_491 : i32 to index
        %get3A_532 = arith.constant 16 : index
        %get3A_533 = tpu.vector_load %arg11[%get3A_530, %get3A_531, %get3A_532] {strides = array<i32>} : memref<2x112x144xf32, #tpu.memory_space<vmem>>, vector<1x1x16xf32>,
        %get3A_534 = vector.shape_cast %get3A_533 : vector<1x1x16xf32> to vector<16xf32>
        %mul3A_535 = arith.mulf %exp3A, %get3A_534 : vector<16xf32>
        %swap3A_536 = arith.constant 1 : i32
        %swap3A_537 = arith.index_cast %swap3A_536 : i32 to index
        %swap3A_538 = arith.index_cast %add3A_491 : i32 to index
        %swap3A_539 = arith.constant 16 : index
        %swap3A_540 = tpu.vector_load %arg11[%swap3A_537, %swap3A_538, %swap3A_539] {strides = array<i32>} : memref<2x112x144xf32, #tpu.memory_space<vmem>>, vector<1x1x16xf32>,
        %swap3A_541 = vector.shape_cast %swap3A_540 : vector<1x1x16xf32> to vector<16xf32>
        %swap3A_542 = vector.shape_cast %mul3A_535 : vector<16xf32> to vector<1x1x16xf32>
        tpu.vector_store %arg11[%swap3A_537, %swap3A_538, %swap3A_539], %swap3A_542 {strides = array<i32>} : memref<2x112x144xf32, #tpu.memory_space<vmem>>, vector<1x1x16xf32>,
        %get3A_543 = arith.constant 1 : i32
        %get3A_544 = arith.index_cast %get3A_543 : i32 to index
        %get3A_545 = arith.index_cast %add3A_491 : i32 to index
        %get3A_546 = arith.constant 32 : index
        %get3A_547 = tpu.vector_load %arg11[%get3A_544, %get3A_545, %get3A_546] {strides = array<i32>} : memref<2x112x144xf32, #tpu.memory_space<vmem>>, vector<1x1x16xf32>,
        %get3A_548 = vector.shape_cast %get3A_547 : vector<1x1x16xf32> to vector<16xf32>
        %mul3A_549 = arith.mulf %exp3A, %get3A_548 : vector<16xf32>
        %swap3A_550 = arith.constant 1 : i32
        %swap3A_551 = arith.index_cast %swap3A_550 : i32 to index
        %swap3A_552 = arith.index_cast %add3A_491 : i32 to index
        %swap3A_553 = arith.constant 32 : index
        %swap3A_554 = tpu.vector_load %arg11[%swap3A_551, %swap3A_552, %swap3A_553] {strides = array<i32>} : memref<2x112x144xf32, #tpu.memory_space<vmem>>, vector<1x1x16xf32>,
        %swap3A_555 = vector.shape_cast %swap3A_554 : vector<1x1x16xf32> to vector<16xf32>
        %swap3A_556 = vector.shape_cast %mul3A_549 : vector<16xf32> to vector<1x1x16xf32>
        tpu.vector_store %arg11[%swap3A_551, %swap3A_552, %swap3A_553], %swap3A_556 {strides = array<i32>} : memref<2x112x144xf32, #tpu.memory_space<vmem>>, vector<1x1x16xf32>,
        %get3A_557 = arith.constant 1 : i32
        %get3A_558 = arith.index_cast %get3A_557 : i32 to index
        %get3A_559 = arith.index_cast %add3A_491 : i32 to index
        %get3A_560 = arith.constant 48 : index
        %get3A_561 = tpu.vector_load %arg11[%get3A_558, %get3A_559, %get3A_560] {strides = array<i32>} : memref<2x112x144xf32, #tpu.memory_space<vmem>>, vector<1x1x16xf32>,
        %get3A_562 = vector.shape_cast %get3A_561 : vector<1x1x16xf32> to vector<16xf32>
        %mul3A_563 = arith.mulf %exp3A, %get3A_562 : vector<16xf32>
        %swap3A_564 = arith.constant 1 : i32
        %swap3A_565 = arith.index_cast %swap3A_564 : i32 to index
        %swap3A_566 = arith.index_cast %add3A_491 : i32 to index
        %swap3A_567 = arith.constant 48 : index
        %swap3A_568 = tpu.vector_load %arg11[%swap3A_565, %swap3A_566, %swap3A_567] {strides = array<i32>} : memref<2x112x144xf32, #tpu.memory_space<vmem>>, vector<1x1x16xf32>,
        %swap3A_569 = vector.shape_cast %swap3A_568 : vector<1x1x16xf32> to vector<16xf32>
        %swap3A_570 = vector.shape_cast %mul3A_563 : vector<16xf32> to vector<1x1x16xf32>
        tpu.vector_store %arg11[%swap3A_565, %swap3A_566, %swap3A_567], %swap3A_570 {strides = array<i32>} : memref<2x112x144xf32, #tpu.memory_space<vmem>>, vector<1x1x16xf32>,
        %get3A_571 = arith.constant 1 : i32
        %get3A_572 = arith.index_cast %get3A_571 : i32 to index
        %get3A_573 = arith.index_cast %add3A_491 : i32 to index
        %get3A_574 = arith.constant 64 : index
        %get3A_575 = tpu.vector_load %arg11[%get3A_572, %get3A_573, %get3A_574] {strides = array<i32>} : memref<2x112x144xf32, #tpu.memory_space<vmem>>, vector<1x1x16xf32>,
        %get3A_576 = vector.shape_cast %get3A_575 : vector<1x1x16xf32> to vector<16xf32>
        %mul3A_577 = arith.mulf %exp3A, %get3A_576 : vector<16xf32>
        %swap3A_578 = arith.constant 1 : i32
        %swap3A_579 = arith.index_cast %swap3A_578 : i32 to index
        %swap3A_580 = arith.index_cast %add3A_491 : i32 to index
        %swap3A_581 = arith.constant 64 : index
        %swap3A_582 = tpu.vector_load %arg11[%swap3A_579, %swap3A_580, %swap3A_581] {strides = array<i32>} : memref<2x112x144xf32, #tpu.memory_space<vmem>>, vector<1x1x16xf32>,
        %swap3A_583 = vector.shape_cast %swap3A_582 : vector<1x1x16xf32> to vector<16xf32>
        %swap3A_584 = vector.shape_cast %mul3A_577 : vector<16xf32> to vector<1x1x16xf32>
        tpu.vector_store %arg11[%swap3A_579, %swap3A_580, %swap3A_581], %swap3A_584 {strides = array<i32>} : memref<2x112x144xf32, #tpu.memory_space<vmem>>, vector<1x1x16xf32>,
        %get3A_585 = arith.constant 1 : i32
        %get3A_586 = arith.index_cast %get3A_585 : i32 to index
        %get3A_587 = arith.index_cast %add3A_491 : i32 to index
        %get3A_588 = arith.constant 80 : index
        %get3A_589 = tpu.vector_load %arg11[%get3A_586, %get3A_587, %get3A_588] {strides = array<i32>} : memref<2x112x144xf32, #tpu.memory_space<vmem>>, vector<1x1x16xf32>,
        %get3A_590 = vector.shape_cast %get3A_589 : vector<1x1x16xf32> to vector<16xf32>
        %mul3A_591 = arith.mulf %exp3A, %get3A_590 : vector<16xf32>
        %swap3A_592 = arith.constant 1 : i32
        %swap3A_593 = arith.index_cast %swap3A_592 : i32 to index
        %swap3A_594 = arith.index_cast %add3A_491 : i32 to index
        %swap3A_595 = arith.constant 80 : index
        %swap3A_596 = tpu.vector_load %arg11[%swap3A_593, %swap3A_594, %swap3A_595] {strides = array<i32>} : memref<2x112x144xf32, #tpu.memory_space<vmem>>, vector<1x1x16xf32>,
        %swap3A_597 = vector.shape_cast %swap3A_596 : vector<1x1x16xf32> to vector<16xf32>
        %swap3A_598 = vector.shape_cast %mul3A_591 : vector<16xf32> to vector<1x1x16xf32>
        tpu.vector_store %arg11[%swap3A_593, %swap3A_594, %swap3A_595], %swap3A_598 {strides = array<i32>} : memref<2x112x144xf32, #tpu.memory_space<vmem>>, vector<1x1x16xf32>,
        %get3A_599 = arith.constant 1 : i32
        %get3A_600 = arith.index_cast %get3A_599 : i32 to index
        %get3A_601 = arith.index_cast %add3A_491 : i32 to index
        %get3A_602 = arith.constant 96 : index
        %get3A_603 = tpu.vector_load %arg11[%get3A_600, %get3A_601, %get3A_602] {strides = array<i32>} : memref<2x112x144xf32, #tpu.memory_space<vmem>>, vector<1x1x16xf32>,
        %get3A_604 = vector.shape_cast %get3A_603 : vector<1x1x16xf32> to vector<16xf32>
        %mul3A_605 = arith.mulf %exp3A, %get3A_604 : vector<16xf32>
        %swap3A_606 = arith.constant 1 : i32
        %swap3A_607 = arith.index_cast %swap3A_606 : i32 to index
        %swap3A_608 = arith.index_cast %add3A_491 : i32 to index
        %swap3A_609 = arith.constant 96 : index
        %swap3A_610 = tpu.vector_load %arg11[%swap3A_607, %swap3A_608, %swap3A_609] {strides = array<i32>} : memref<2x112x144xf32, #tpu.memory_space<vmem>>, vector<1x1x16xf32>,
        %swap3A_611 = vector.shape_cast %swap3A_610 : vector<1x1x16xf32> to vector<16xf32>
        %swap3A_612 = vector.shape_cast %mul3A_605 : vector<16xf32> to vector<1x1x16xf32>
        tpu.vector_store %arg11[%swap3A_607, %swap3A_608, %swap3A_609], %swap3A_612 {strides = array<i32>} : memref<2x112x144xf32, #tpu.memory_space<vmem>>, vector<1x1x16xf32>,
        %get3A_613 = arith.constant 1 : i32
        %get3A_614 = arith.index_cast %get3A_613 : i32 to index
        %get3A_615 = arith.index_cast %add3A_491 : i32 to index
        %get3A_616 = arith.constant 112 : index
        %get3A_617 = tpu.vector_load %arg11[%get3A_614, %get3A_615, %get3A_616] {strides = array<i32>} : memref<2x112x144xf32, #tpu.memory_space<vmem>>, vector<1x1x16xf32>,
        %get3A_618 = vector.shape_cast %get3A_617 : vector<1x1x16xf32> to vector<16xf32>
        %mul3A_619 = arith.mulf %exp3A, %get3A_618 : vector<16xf32>
        %swap3A_620 = arith.constant 1 : i32
        %swap3A_621 = arith.index_cast %swap3A_620 : i32 to index
        %swap3A_622 = arith.index_cast %add3A_491 : i32 to index
        %swap3A_623 = arith.constant 112 : index
        %swap3A_624 = tpu.vector_load %arg11[%swap3A_621, %swap3A_622, %swap3A_623] {strides = array<i32>} : memref<2x112x144xf32, #tpu.memory_space<vmem>>, vector<1x1x16xf32>,
        %swap3A_625 = vector.shape_cast %swap3A_624 : vector<1x1x16xf32> to vector<16xf32>
        %swap3A_626 = vector.shape_cast %mul3A_619 : vector<16xf32> to vector<1x1x16xf32>
        tpu.vector_store %arg11[%swap3A_621, %swap3A_622, %swap3A_623], %swap3A_626 {strides = array<i32>} : memref<2x112x144xf32, #tpu.memory_space<vmem>>, vector<1x1x16xf32>,
        %scan3A_627 = arith.constant 1 : i32
        %scan3A_628 = arith.addi %scan3A_487, %scan3A_627 : i32
        %mul3A_629 = arith.constant 1 : i32
        %mul3A_630 = arith.muli %scan3A_628, %mul3A_629 : i32
        %add3A_631 = arith.constant 0 : i32
        %add3A_632 = arith.addi %add3A_631, %mul3A_630 : i32
        %get3A_633 = arith.constant 1 : i32
        %get3A_634 = arith.index_cast %get3A_633 : i32 to index
        %get3A_635 = arith.index_cast %add3A_632 : i32 to index
        %get3A_636 = arith.constant 0 : index
        %get3A_637 = tpu.vector_load %arg10[%get3A_634, %get3A_635, %get3A_636] {strides = array<i32>} : memref<2x112x16xf32, #tpu.memory_space<vmem>>, vector<1x1x16xf32>,
        %get3A_638 = vector.shape_cast %get3A_637 : vector<1x1x16xf32> to vector<16xf32>
        %get3A_639 = arith.constant 1 : i32
        %get3A_640 = arith.index_cast %get3A_639 : i32 to index
        %get3A_641 = arith.index_cast %add3A_632 : i32 to index
        %get3A_642 = arith.constant 128 : index
        %get3A_643 = tpu.vector_load %arg11[%get3A_640, %get3A_641, %get3A_642] {strides = array<i32>} : memref<2x112x144xf32, #tpu.memory_space<vmem>>, vector<1x1x16xf32>,
        %get3A_644 = vector.shape_cast %get3A_643 : vector<1x1x16xf32> to vector<16xf32>
        %add3A_645 = arith.addf %get3A_638, %get3A_644 : vector<16xf32>
        %mul3A_646 = arith.constant 0.00999999977 : f32
        %mul3A_647 = vector.broadcast %mul3A_646 : f32 to vector<16xf32>
        %mul3A_648 = arith.mulf %mul3A_647, %add3A_645 : vector<16xf32>
        %max3A_649 = arith.maximumf %add3A_645, %mul3A_648 : vector<16xf32>
        %sub3A_650 = arith.subf %max3A_649, %get3A_27 : vector<16xf32>
        %exp3A_651 = math.exp %sub3A_650 : vector<16xf32>
        %swap3A_652 = arith.constant 1 : i32
        %swap3A_653 = arith.index_cast %swap3A_652 : i32 to index
        %swap3A_654 = arith.index_cast %add3A_632 : i32 to index
        %swap3A_655 = arith.constant 128 : index
        %swap3A_656 = tpu.vector_load %arg11[%swap3A_653, %swap3A_654, %swap3A_655] {strides = array<i32>} : memref<2x112x144xf32, #tpu.memory_space<vmem>>, vector<1x1x16xf32>,
        %swap3A_657 = vector.shape_cast %swap3A_656 : vector<1x1x16xf32> to vector<16xf32>
        %swap3A_658 = vector.shape_cast %exp3A_651 : vector<16xf32> to vector<1x1x16xf32>
        tpu.vector_store %arg11[%swap3A_653, %swap3A_654, %swap3A_655], %swap3A_658 {strides = array<i32>} : memref<2x112x144xf32, #tpu.memory_space<vmem>>, vector<1x1x16xf32>,
        %get3A_659 = arith.constant 1 : i32
        %get3A_660 = arith.index_cast %get3A_659 : i32 to index
        %get3A_661 = arith.index_cast %add3A_632 : i32 to index
        %get3A_662 = arith.constant 0 : index
        %get3A_663 = tpu.vector_load %arg11[%get3A_660, %get3A_661, %get3A_662] {strides = array<i32>} : memref<2x112x144xf32, #tpu.memory_space<vmem>>, vector<1x1x16xf32>,
        %get3A_664 = vector.shape_cast %get3A_663 : vector<1x1x16xf32> to vector<16xf32>
        %mul3A_665 = arith.mulf %exp3A_651, %get3A_664 : vector<16xf32>
        %swap3A_666 = arith.constant 1 : i32
        %swap3A_667 = arith.index_cast %swap3A_666 : i32 to index
        %swap3A_668 = arith.index_cast %add3A_632 : i32 to index
        %swap3A_669 = arith.constant 0 : index
        %swap3A_670 = tpu.vector_load %arg11[%swap3A_667, %swap3A_668, %swap3A_669] {strides = array<i32>} : memref<2x112x144xf32, #tpu.memory_space<vmem>>, vector<1x1x16xf32>,
        %swap3A_671 = vector.shape_cast %swap3A_670 : vector<1x1x16xf32> to vector<16xf32>
        %swap3A_672 = vector.shape_cast %mul3A_665 : vector<16xf32> to vector<1x1x16xf32>
        tpu.vector_store %arg11[%swap3A_667, %swap3A_668, %swap3A_669], %swap3A_672 {strides = array<i32>} : memref<2x112x144xf32, #tpu.memory_space<vmem>>, vector<1x1x16xf32>,
        %get3A_673 = arith.constant 1 : i32
        %get3A_674 = arith.index_cast %get3A_673 : i32 to index
        %get3A_675 = arith.index_cast %add3A_632 : i32 to index
        %get3A_676 = arith.constant 16 : index
        %get3A_677 = tpu.vector_load %arg11[%get3A_674, %get3A_675, %get3A_676] {strides = array<i32>} : memref<2x112x144xf32, #tpu.memory_space<vmem>>, vector<1x1x16xf32>,
        %get3A_678 = vector.shape_cast %get3A_677 : vector<1x1x16xf32> to vector<16xf32>
        %mul3A_679 = arith.mulf %exp3A_651, %get3A_678 : vector<16xf32>
        %swap3A_680 = arith.constant 1 : i32
        %swap3A_681 = arith.index_cast %swap3A_680 : i32 to index
        %swap3A_682 = arith.index_cast %add3A_632 : i32 to index
        %swap3A_683 = arith.constant 16 : index
        %swap3A_684 = tpu.vector_load %arg11[%swap3A_681, %swap3A_682, %swap3A_683] {strides = array<i32>} : memref<2x112x144xf32, #tpu.memory_space<vmem>>, vector<1x1x16xf32>,
        %swap3A_685 = vector.shape_cast %swap3A_684 : vector<1x1x16xf32> to vector<16xf32>
        %swap3A_686 = vector.shape_cast %mul3A_679 : vector<16xf32> to vector<1x1x16xf32>
        tpu.vector_store %arg11[%swap3A_681, %swap3A_682, %swap3A_683], %swap3A_686 {strides = array<i32>} : memref<2x112x144xf32, #tpu.memory_space<vmem>>, vector<1x1x16xf32>,
        %get3A_687 = arith.constant 1 : i32
        %get3A_688 = arith.index_cast %get3A_687 : i32 to index
        %get3A_689 = arith.index_cast %add3A_632 : i32 to index
        %get3A_690 = arith.constant 32 : index
        %get3A_691 = tpu.vector_load %arg11[%get3A_688, %get3A_689, %get3A_690] {strides = array<i32>} : memref<2x112x144xf32, #tpu.memory_space<vmem>>, vector<1x1x16xf32>,
        %get3A_692 = vector.shape_cast %get3A_691 : vector<1x1x16xf32> to vector<16xf32>
        %mul3A_693 = arith.mulf %exp3A_651, %get3A_692 : vector<16xf32>
        %swap3A_694 = arith.constant 1 : i32
        %swap3A_695 = arith.index_cast %swap3A_694 : i32 to index
        %swap3A_696 = arith.index_cast %add3A_632 : i32 to index
        %swap3A_697 = arith.constant 32 : index
        %swap3A_698 = tpu.vector_load %arg11[%swap3A_695, %swap3A_696, %swap3A_697] {strides = array<i32>} : memref<2x112x144xf32, #tpu.memory_space<vmem>>, vector<1x1x16xf32>,
        %swap3A_699 = vector.shape_cast %swap3A_698 : vector<1x1x16xf32> to vector<16xf32>
        %swap3A_700 = vector.shape_cast %mul3A_693 : vector<16xf32> to vector<1x1x16xf32>
        tpu.vector_store %arg11[%swap3A_695, %swap3A_696, %swap3A_697], %swap3A_700 {strides = array<i32>} : memref<2x112x144xf32, #tpu.memory_space<vmem>>, vector<1x1x16xf32>,
        %get3A_701 = arith.constant 1 : i32
        %get3A_702 = arith.index_cast %get3A_701 : i32 to index
        %get3A_703 = arith.index_cast %add3A_632 : i32 to index
        %get3A_704 = arith.constant 48 : index
        %get3A_705 = tpu.vector_load %arg11[%get3A_702, %get3A_703, %get3A_704] {strides = array<i32>} : memref<2x112x144xf32, #tpu.memory_space<vmem>>, vector<1x1x16xf32>,
        %get3A_706 = vector.shape_cast %get3A_705 : vector<1x1x16xf32> to vector<16xf32>
        %mul3A_707 = arith.mulf %exp3A_651, %get3A_706 : vector<16xf32>
        %swap3A_708 = arith.constant 1 : i32
        %swap3A_709 = arith.index_cast %swap3A_708 : i32 to index
        %swap3A_710 = arith.index_cast %add3A_632 : i32 to index
        %swap3A_711 = arith.constant 48 : index
        %swap3A_712 = tpu.vector_load %arg11[%swap3A_709, %swap3A_710, %swap3A_711] {strides = array<i32>} : memref<2x112x144xf32, #tpu.memory_space<vmem>>, vector<1x1x16xf32>,
        %swap3A_713 = vector.shape_cast %swap3A_712 : vector<1x1x16xf32> to vector<16xf32>
        %swap3A_714 = vector.shape_cast %mul3A_707 : vector<16xf32> to vector<1x1x16xf32>
        tpu.vector_store %arg11[%swap3A_709, %swap3A_710, %swap3A_711], %swap3A_714 {strides = array<i32>} : memref<2x112x144xf32, #tpu.memory_space<vmem>>, vector<1x1x16xf32>,
        %get3A_715 = arith.constant 1 : i32
        %get3A_716 = arith.index_cast %get3A_715 : i32 to index
        %get3A_717 = arith.index_cast %add3A_632 : i32 to index
        %get3A_718 = arith.constant 64 : index
        %get3A_719 = tpu.vector_load %arg11[%get3A_716, %get3A_717, %get3A_718] {strides = array<i32>} : memref<2x112x144xf32, #tpu.memory_space<vmem>>, vector<1x1x16xf32>,
        %get3A_720 = vector.shape_cast %get3A_719 : vector<1x1x16xf32> to vector<16xf32>
        %mul3A_721 = arith.mulf %exp3A_651, %get3A_720 : vector<16xf32>
        %swap3A_722 = arith.constant 1 : i32
        %swap3A_723 = arith.index_cast %swap3A_722 : i32 to index
        %swap3A_724 = arith.index_cast %add3A_632 : i32 to index
        %swap3A_725 = arith.constant 64 : index
        %swap3A_726 = tpu.vector_load %arg11[%swap3A_723, %swap3A_724, %swap3A_725] {strides = array<i32>} : memref<2x112x144xf32, #tpu.memory_space<vmem>>, vector<1x1x16xf32>,
        %swap3A_727 = vector.shape_cast %swap3A_726 : vector<1x1x16xf32> to vector<16xf32>
        %swap3A_728 = vector.shape_cast %mul3A_721 : vector<16xf32> to vector<1x1x16xf32>
        tpu.vector_store %arg11[%swap3A_723, %swap3A_724, %swap3A_725], %swap3A_728 {strides = array<i32>} : memref<2x112x144xf32, #tpu.memory_space<vmem>>, vector<1x1x16xf32>,
        %get3A_729 = arith.constant 1 : i32
        %get3A_730 = arith.index_cast %get3A_729 : i32 to index
        %get3A_731 = arith.index_cast %add3A_632 : i32 to index
        %get3A_732 = arith.constant 80 : index
        %get3A_733 = tpu.vector_load %arg11[%get3A_730, %get3A_731, %get3A_732] {strides = array<i32>} : memref<2x112x144xf32, #tpu.memory_space<vmem>>, vector<1x1x16xf32>,
        %get3A_734 = vector.shape_cast %get3A_733 : vector<1x1x16xf32> to vector<16xf32>
        %mul3A_735 = arith.mulf %exp3A_651, %get3A_734 : vector<16xf32>
        %swap3A_736 = arith.constant 1 : i32
        %swap3A_737 = arith.index_cast %swap3A_736 : i32 to index
        %swap3A_738 = arith.index_cast %add3A_632 : i32 to index
        %swap3A_739 = arith.constant 80 : index
        %swap3A_740 = tpu.vector_load %arg11[%swap3A_737, %swap3A_738, %swap3A_739] {strides = array<i32>} : memref<2x112x144xf32, #tpu.memory_space<vmem>>, vector<1x1x16xf32>,
        %swap3A_741 = vector.shape_cast %swap3A_740 : vector<1x1x16xf32> to vector<16xf32>
        %swap3A_742 = vector.shape_cast %mul3A_735 : vector<16xf32> to vector<1x1x16xf32>
        tpu.vector_store %arg11[%swap3A_737, %swap3A_738, %swap3A_739], %swap3A_742 {strides = array<i32>} : memref<2x112x144xf32, #tpu.memory_space<vmem>>, vector<1x1x16xf32>,
        %get3A_743 = arith.constant 1 : i32
        %get3A_744 = arith.index_cast %get3A_743 : i32 to index
        %get3A_745 = arith.index_cast %add3A_632 : i32 to index
        %get3A_746 = arith.constant 96 : index
        %get3A_747 = tpu.vector_load %arg11[%get3A_744, %get3A_745, %get3A_746] {strides = array<i32>} : memref<2x112x144xf32, #tpu.memory_space<vmem>>, vector<1x1x16xf32>,
        %get3A_748 = vector.shape_cast %get3A_747 : vector<1x1x16xf32> to vector<16xf32>
        %mul3A_749 = arith.mulf %exp3A_651, %get3A_748 : vector<16xf32>
        %swap3A_750 = arith.constant 1 : i32
        %swap3A_751 = arith.index_cast %swap3A_750 : i32 to index
        %swap3A_752 = arith.index_cast %add3A_632 : i32 to index
        %swap3A_753 = arith.constant 96 : index
        %swap3A_754 = tpu.vector_load %arg11[%swap3A_751, %swap3A_752, %swap3A_753] {strides = array<i32>} : memref<2x112x144xf32, #tpu.memory_space<vmem>>, vector<1x1x16xf32>,
        %swap3A_755 = vector.shape_cast %swap3A_754 : vector<1x1x16xf32> to vector<16xf32>
        %swap3A_756 = vector.shape_cast %mul3A_749 : vector<16xf32> to vector<1x1x16xf32>
        tpu.vector_store %arg11[%swap3A_751, %swap3A_752, %swap3A_753], %swap3A_756 {strides = array<i32>} : memref<2x112x144xf32, #tpu.memory_space<vmem>>, vector<1x1x16xf32>,
        %get3A_757 = arith.constant 1 : i32
        %get3A_758 = arith.index_cast %get3A_757 : i32 to index
        %get3A_759 = arith.index_cast %add3A_632 : i32 to index
        %get3A_760 = arith.constant 112 : index
        %get3A_761 = tpu.vector_load %arg11[%get3A_758, %get3A_759, %get3A_760] {strides = array<i32>} : memref<2x112x144xf32, #tpu.memory_space<vmem>>, vector<1x1x16xf32>,
        %get3A_762 = vector.shape_cast %get3A_761 : vector<1x1x16xf32> to vector<16xf32>
        %mul3A_763 = arith.mulf %exp3A_651, %get3A_762 : vector<16xf32>
        %swap3A_764 = arith.constant 1 : i32
        %swap3A_765 = arith.index_cast %swap3A_764 : i32 to index
        %swap3A_766 = arith.index_cast %add3A_632 : i32 to index
        %swap3A_767 = arith.constant 112 : index
        %swap3A_768 = tpu.vector_load %arg11[%swap3A_765, %swap3A_766, %swap3A_767] {strides = array<i32>} : memref<2x112x144xf32, #tpu.memory_space<vmem>>, vector<1x1x16xf32>,
        %swap3A_769 = vector.shape_cast %swap3A_768 : vector<1x1x16xf32> to vector<16xf32>
        %swap3A_770 = vector.shape_cast %mul3A_763 : vector<16xf32> to vector<1x1x16xf32>
        tpu.vector_store %arg11[%swap3A_765, %swap3A_766, %swap3A_767], %swap3A_770 {strides = array<i32>} : memref<2x112x144xf32, #tpu.memory_space<vmem>>, vector<1x1x16xf32>,
        %scan3A_771 = arith.constant 2 : i32
        %scan3A_772 = arith.addi %scan3A_487, %scan3A_771 : i32
        %mul3A_773 = arith.constant 1 : i32
        %mul3A_774 = arith.muli %scan3A_772, %mul3A_773 : i32
        %add3A_775 = arith.constant 0 : i32
        %add3A_776 = arith.addi %add3A_775, %mul3A_774 : i32
        %get3A_777 = arith.constant 1 : i32
        %get3A_778 = arith.index_cast %get3A_777 : i32 to index
        %get3A_779 = arith.index_cast %add3A_776 : i32 to index
        %get3A_780 = arith.constant 0 : index
        %get3A_781 = tpu.vector_load %arg10[%get3A_778, %get3A_779, %get3A_780] {strides = array<i32>} : memref<2x112x16xf32, #tpu.memory_space<vmem>>, vector<1x1x16xf32>,
        %get3A_782 = vector.shape_cast %get3A_781 : vector<1x1x16xf32> to vector<16xf32>
        %get3A_783 = arith.constant 1 : i32
        %get3A_784 = arith.index_cast %get3A_783 : i32 to index
        %get3A_785 = arith.index_cast %add3A_776 : i32 to index
        %get3A_786 = arith.constant 128 : index
        %get3A_787 = tpu.vector_load %arg11[%get3A_784, %get3A_785, %get3A_786] {strides = array<i32>} : memref<2x112x144xf32, #tpu.memory_space<vmem>>, vector<1x1x16xf32>,
        %get3A_788 = vector.shape_cast %get3A_787 : vector<1x1x16xf32> to vector<16xf32>
        %add3A_789 = arith.addf %get3A_782, %get3A_788 : vector<16xf32>
        %mul3A_790 = arith.constant 0.00999999977 : f32
        %mul3A_791 = vector.broadcast %mul3A_790 : f32 to vector<16xf32>
        %mul3A_792 = arith.mulf %mul3A_791, %add3A_789 : vector<16xf32>
        %max3A_793 = arith.maximumf %add3A_789, %mul3A_792 : vector<16xf32>
        %sub3A_794 = arith.subf %max3A_793, %get3A_27 : vector<16xf32>
        %exp3A_795 = math.exp %sub3A_794 : vector<16xf32>
        %swap3A_796 = arith.constant 1 : i32
        %swap3A_797 = arith.index_cast %swap3A_796 : i32 to index
        %swap3A_798 = arith.index_cast %add3A_776 : i32 to index
        %swap3A_799 = arith.constant 128 : index
        %swap3A_800 = tpu.vector_load %arg11[%swap3A_797, %swap3A_798, %swap3A_799] {strides = array<i32>} : memref<2x112x144xf32, #tpu.memory_space<vmem>>, vector<1x1x16xf32>,
        %swap3A_801 = vector.shape_cast %swap3A_800 : vector<1x1x16xf32> to vector<16xf32>
        %swap3A_802 = vector.shape_cast %exp3A_795 : vector<16xf32> to vector<1x1x16xf32>
        tpu.vector_store %arg11[%swap3A_797, %swap3A_798, %swap3A_799], %swap3A_802 {strides = array<i32>} : memref<2x112x144xf32, #tpu.memory_space<vmem>>, vector<1x1x16xf32>,
        %get3A_803 = arith.constant 1 : i32
        %get3A_804 = arith.index_cast %get3A_803 : i32 to index
        %get3A_805 = arith.index_cast %add3A_776 : i32 to index
        %get3A_806 = arith.constant 0 : index
        %get3A_807 = tpu.vector_load %arg11[%get3A_804, %get3A_805, %get3A_806] {strides = array<i32>} : memref<2x112x144xf32, #tpu.memory_space<vmem>>, vector<1x1x16xf32>,
        %get3A_808 = vector.shape_cast %get3A_807 : vector<1x1x16xf32> to vector<16xf32>
        %mul3A_809 = arith.mulf %exp3A_795, %get3A_808 : vector<16xf32>
        %swap3A_810 = arith.constant 1 : i32
        %swap3A_811 = arith.index_cast %swap3A_810 : i32 to index
        %swap3A_812 = arith.index_cast %add3A_776 : i32 to index
        %swap3A_813 = arith.constant 0 : index
        %swap3A_814 = tpu.vector_load %arg11[%swap3A_811, %swap3A_812, %swap3A_813] {strides = array<i32>} : memref<2x112x144xf32, #tpu.memory_space<vmem>>, vector<1x1x16xf32>,
        %swap3A_815 = vector.shape_cast %swap3A_814 : vector<1x1x16xf32> to vector<16xf32>
        %swap3A_816 = vector.shape_cast %mul3A_809 : vector<16xf32> to vector<1x1x16xf32>
        tpu.vector_store %arg11[%swap3A_811, %swap3A_812, %swap3A_813], %swap3A_816 {strides = array<i32>} : memref<2x112x144xf32, #tpu.memory_space<vmem>>, vector<1x1x16xf32>,
        %get3A_817 = arith.constant 1 : i32
        %get3A_818 = arith.index_cast %get3A_817 : i32 to index
        %get3A_819 = arith.index_cast %add3A_776 : i32 to index
        %get3A_820 = arith.constant 16 : index
        %get3A_821 = tpu.vector_load %arg11[%get3A_818, %get3A_819, %get3A_820] {strides = array<i32>} : memref<2x112x144xf32, #tpu.memory_space<vmem>>, vector<1x1x16xf32>,
        %get3A_822 = vector.shape_cast %get3A_821 : vector<1x1x16xf32> to vector<16xf32>
        %mul3A_823 = arith.mulf %exp3A_795, %get3A_822 : vector<16xf32>
        %swap3A_824 = arith.constant 1 : i32
        %swap3A_825 = arith.index_cast %swap3A_824 : i32 to index
        %swap3A_826 = arith.index_cast %add3A_776 : i32 to index
        %swap3A_827 = arith.constant 16 : index
        %swap3A_828 = tpu.vector_load %arg11[%swap3A_825, %swap3A_826, %swap3A_827] {strides = array<i32>} : memref<2x112x144xf32, #tpu.memory_space<vmem>>, vector<1x1x16xf32>,
        %swap3A_829 = vector.shape_cast %swap3A_828 : vector<1x1x16xf32> to vector<16xf32>
        %swap3A_830 = vector.shape_cast %mul3A_823 : vector<16xf32> to vector<1x1x16xf32>
        tpu.vector_store %arg11[%swap3A_825, %swap3A_826, %swap3A_827], %swap3A_830 {strides = array<i32>} : memref<2x112x144xf32, #tpu.memory_space<vmem>>, vector<1x1x16xf32>,
        %get3A_831 = arith.constant 1 : i32
        %get3A_832 = arith.index_cast %get3A_831 : i32 to index
        %get3A_833 = arith.index_cast %add3A_776 : i32 to index
        %get3A_834 = arith.constant 32 : index
        %get3A_835 = tpu.vector_load %arg11[%get3A_832, %get3A_833, %get3A_834] {strides = array<i32>} : memref<2x112x144xf32, #tpu.memory_space<vmem>>, vector<1x1x16xf32>,
        %get3A_836 = vector.shape_cast %get3A_835 : vector<1x1x16xf32> to vector<16xf32>
        %mul3A_837 = arith.mulf %exp3A_795, %get3A_836 : vector<16xf32>
        %swap3A_838 = arith.constant 1 : i32
        %swap3A_839 = arith.index_cast %swap3A_838 : i32 to index
        %swap3A_840 = arith.index_cast %add3A_776 : i32 to index
        %swap3A_841 = arith.constant 32 : index
        %swap3A_842 = tpu.vector_load %arg11[%swap3A_839, %swap3A_840, %swap3A_841] {strides = array<i32>} : memref<2x112x144xf32, #tpu.memory_space<vmem>>, vector<1x1x16xf32>,
        %swap3A_843 = vector.shape_cast %swap3A_842 : vector<1x1x16xf32> to vector<16xf32>
        %swap3A_844 = vector.shape_cast %mul3A_837 : vector<16xf32> to vector<1x1x16xf32>
        tpu.vector_store %arg11[%swap3A_839, %swap3A_840, %swap3A_841], %swap3A_844 {strides = array<i32>} : memref<2x112x144xf32, #tpu.memory_space<vmem>>, vector<1x1x16xf32>,
        %get3A_845 = arith.constant 1 : i32
        %get3A_846 = arith.index_cast %get3A_845 : i32 to index
        %get3A_847 = arith.index_cast %add3A_776 : i32 to index
        %get3A_848 = arith.constant 48 : index
        %get3A_849 = tpu.vector_load %arg11[%get3A_846, %get3A_847, %get3A_848] {strides = array<i32>} : memref<2x112x144xf32, #tpu.memory_space<vmem>>, vector<1x1x16xf32>,
        %get3A_850 = vector.shape_cast %get3A_849 : vector<1x1x16xf32> to vector<16xf32>
        %mul3A_851 = arith.mulf %exp3A_795, %get3A_850 : vector<16xf32>
        %swap3A_852 = arith.constant 1 : i32
        %swap3A_853 = arith.index_cast %swap3A_852 : i32 to index
        %swap3A_854 = arith.index_cast %add3A_776 : i32 to index
        %swap3A_855 = arith.constant 48 : index
        %swap3A_856 = tpu.vector_load %arg11[%swap3A_853, %swap3A_854, %swap3A_855] {strides = array<i32>} : memref<2x112x144xf32, #tpu.memory_space<vmem>>, vector<1x1x16xf32>,
        %swap3A_857 = vector.shape_cast %swap3A_856 : vector<1x1x16xf32> to vector<16xf32>
        %swap3A_858 = vector.shape_cast %mul3A_851 : vector<16xf32> to vector<1x1x16xf32>
        tpu.vector_store %arg11[%swap3A_853, %swap3A_854, %swap3A_855], %swap3A_858 {strides = array<i32>} : memref<2x112x144xf32, #tpu.memory_space<vmem>>, vector<1x1x16xf32>,
        %get3A_859 = arith.constant 1 : i32
        %get3A_860 = arith.index_cast %get3A_859 : i32 to index
        %get3A_861 = arith.index_cast %add3A_776 : i32 to index
        %get3A_862 = arith.constant 64 : index
        %get3A_863 = tpu.vector_load %arg11[%get3A_860, %get3A_861, %get3A_862] {strides = array<i32>} : memref<2x112x144xf32, #tpu.memory_space<vmem>>, vector<1x1x16xf32>,
        %get3A_864 = vector.shape_cast %get3A_863 : vector<1x1x16xf32> to vector<16xf32>
        %mul3A_865 = arith.mulf %exp3A_795, %get3A_864 : vector<16xf32>
        %swap3A_866 = arith.constant 1 : i32
        %swap3A_867 = arith.index_cast %swap3A_866 : i32 to index
        %swap3A_868 = arith.index_cast %add3A_776 : i32 to index
        %swap3A_869 = arith.constant 64 : index
        %swap3A_870 = tpu.vector_load %arg11[%swap3A_867, %swap3A_868, %swap3A_869] {strides = array<i32>} : memref<2x112x144xf32, #tpu.memory_space<vmem>>, vector<1x1x16xf32>,
        %swap3A_871 = vector.shape_cast %swap3A_870 : vector<1x1x16xf32> to vector<16xf32>
        %swap3A_872 = vector.shape_cast %mul3A_865 : vector<16xf32> to vector<1x1x16xf32>
        tpu.vector_store %arg11[%swap3A_867, %swap3A_868, %swap3A_869], %swap3A_872 {strides = array<i32>} : memref<2x112x144xf32, #tpu.memory_space<vmem>>, vector<1x1x16xf32>,
        %get3A_873 = arith.constant 1 : i32
        %get3A_874 = arith.index_cast %get3A_873 : i32 to index
        %get3A_875 = arith.index_cast %add3A_776 : i32 to index
        %get3A_876 = arith.constant 80 : index
        %get3A_877 = tpu.vector_load %arg11[%get3A_874, %get3A_875, %get3A_876] {strides = array<i32>} : memref<2x112x144xf32, #tpu.memory_space<vmem>>, vector<1x1x16xf32>,
        %get3A_878 = vector.shape_cast %get3A_877 : vector<1x1x16xf32> to vector<16xf32>
        %mul3A_879 = arith.mulf %exp3A_795, %get3A_878 : vector<16xf32>
        %swap3A_880 = arith.constant 1 : i32
        %swap3A_881 = arith.index_cast %swap3A_880 : i32 to index
        %swap3A_882 = arith.index_cast %add3A_776 : i32 to index
        %swap3A_883 = arith.constant 80 : index
        %swap3A_884 = tpu.vector_load %arg11[%swap3A_881, %swap3A_882, %swap3A_883] {strides = array<i32>} : memref<2x112x144xf32, #tpu.memory_space<vmem>>, vector<1x1x16xf32>,
        %swap3A_885 = vector.shape_cast %swap3A_884 : vector<1x1x16xf32> to vector<16xf32>
        %swap3A_886 = vector.shape_cast %mul3A_879 : vector<16xf32> to vector<1x1x16xf32>
        tpu.vector_store %arg11[%swap3A_881, %swap3A_882, %swap3A_883], %swap3A_886 {strides = array<i32>} : memref<2x112x144xf32, #tpu.memory_space<vmem>>, vector<1x1x16xf32>,
        %get3A_887 = arith.constant 1 : i32
        %get3A_888 = arith.index_cast %get3A_887 : i32 to index
        %get3A_889 = arith.index_cast %add3A_776 : i32 to index
        %get3A_890 = arith.constant 96 : index
        %get3A_891 = tpu.vector_load %arg11[%get3A_888, %get3A_889, %get3A_890] {strides = array<i32>} : memref<2x112x144xf32, #tpu.memory_space<vmem>>, vector<1x1x16xf32>,
        %get3A_892 = vector.shape_cast %get3A_891 : vector<1x1x16xf32> to vector<16xf32>
        %mul3A_893 = arith.mulf %exp3A_795, %get3A_892 : vector<16xf32>
        %swap3A_894 = arith.constant 1 : i32
        %swap3A_895 = arith.index_cast %swap3A_894 : i32 to index
        %swap3A_896 = arith.index_cast %add3A_776 : i32 to index
        %swap3A_897 = arith.constant 96 : index
        %swap3A_898 = tpu.vector_load %arg11[%swap3A_895, %swap3A_896, %swap3A_897] {strides = array<i32>} : memref<2x112x144xf32, #tpu.memory_space<vmem>>, vector<1x1x16xf32>,
        %swap3A_899 = vector.shape_cast %swap3A_898 : vector<1x1x16xf32> to vector<16xf32>
        %swap3A_900 = vector.shape_cast %mul3A_893 : vector<16xf32> to vector<1x1x16xf32>
        tpu.vector_store %arg11[%swap3A_895, %swap3A_896, %swap3A_897], %swap3A_900 {strides = array<i32>} : memref<2x112x144xf32, #tpu.memory_space<vmem>>, vector<1x1x16xf32>,
        %get3A_901 = arith.constant 1 : i32
        %get3A_902 = arith.index_cast %get3A_901 : i32 to index
        %get3A_903 = arith.index_cast %add3A_776 : i32 to index
        %get3A_904 = arith.constant 112 : index
        %get3A_905 = tpu.vector_load %arg11[%get3A_902, %get3A_903, %get3A_904] {strides = array<i32>} : memref<2x112x144xf32, #tpu.memory_space<vmem>>, vector<1x1x16xf32>,
        %get3A_906 = vector.shape_cast %get3A_905 : vector<1x1x16xf32> to vector<16xf32>
        %mul3A_907 = arith.mulf %exp3A_795, %get3A_906 : vector<16xf32>
        %swap3A_908 = arith.constant 1 : i32
        %swap3A_909 = arith.index_cast %swap3A_908 : i32 to index
        %swap3A_910 = arith.index_cast %add3A_776 : i32 to index
        %swap3A_911 = arith.constant 112 : index
        %swap3A_912 = tpu.vector_load %arg11[%swap3A_909, %swap3A_910, %swap3A_911] {strides = array<i32>} : memref<2x112x144xf32, #tpu.memory_space<vmem>>, vector<1x1x16xf32>,
        %swap3A_913 = vector.shape_cast %swap3A_912 : vector<1x1x16xf32> to vector<16xf32>
        %swap3A_914 = vector.shape_cast %mul3A_907 : vector<16xf32> to vector<1x1x16xf32>
        tpu.vector_store %arg11[%swap3A_909, %swap3A_910, %swap3A_911], %swap3A_914 {strides = array<i32>} : memref<2x112x144xf32, #tpu.memory_space<vmem>>, vector<1x1x16xf32>,
        %scan3A_915 = arith.constant 3 : i32
        %scan3A_916 = arith.addi %scan3A_487, %scan3A_915 : i32
        %mul3A_917 = arith.constant 1 : i32
        %mul3A_918 = arith.muli %scan3A_916, %mul3A_917 : i32
        %add3A_919 = arith.constant 0 : i32
        %add3A_920 = arith.addi %add3A_919, %mul3A_918 : i32
        %get3A_921 = arith.constant 1 : i32
        %get3A_922 = arith.index_cast %get3A_921 : i32 to index
        %get3A_923 = arith.index_cast %add3A_920 : i32 to index
        %get3A_924 = arith.constant 0 : index
        %get3A_925 = tpu.vector_load %arg10[%get3A_922, %get3A_923, %get3A_924] {strides = array<i32>} : memref<2x112x16xf32, #tpu.memory_space<vmem>>, vector<1x1x16xf32>,
        %get3A_926 = vector.shape_cast %get3A_925 : vector<1x1x16xf32> to vector<16xf32>
        %get3A_927 = arith.constant 1 : i32
        %get3A_928 = arith.index_cast %get3A_927 : i32 to index
        %get3A_929 = arith.index_cast %add3A_920 : i32 to index
        %get3A_930 = arith.constant 128 : index
        %get3A_931 = tpu.vector_load %arg11[%get3A_928, %get3A_929, %get3A_930] {strides = array<i32>} : memref<2x112x144xf32, #tpu.memory_space<vmem>>, vector<1x1x16xf32>,
        %get3A_932 = vector.shape_cast %get3A_931 : vector<1x1x16xf32> to vector<16xf32>
        %add3A_933 = arith.addf %get3A_926, %get3A_932 : vector<16xf32>
        %mul3A_934 = arith.constant 0.00999999977 : f32
        %mul3A_935 = vector.broadcast %mul3A_934 : f32 to vector<16xf32>
        %mul3A_936 = arith.mulf %mul3A_935, %add3A_933 : vector<16xf32>
        %max3A_937 = arith.maximumf %add3A_933, %mul3A_936 : vector<16xf32>
        %sub3A_938 = arith.subf %max3A_937, %get3A_27 : vector<16xf32>
        %exp3A_939 = math.exp %sub3A_938 : vector<16xf32>
        %swap3A_940 = arith.constant 1 : i32
        %swap3A_941 = arith.index_cast %swap3A_940 : i32 to index
        %swap3A_942 = arith.index_cast %add3A_920 : i32 to index
        %swap3A_943 = arith.constant 128 : index
        %swap3A_944 = tpu.vector_load %arg11[%swap3A_941, %swap3A_942, %swap3A_943] {strides = array<i32>} : memref<2x112x144xf32, #tpu.memory_space<vmem>>, vector<1x1x16xf32>,
        %swap3A_945 = vector.shape_cast %swap3A_944 : vector<1x1x16xf32> to vector<16xf32>
        %swap3A_946 = vector.shape_cast %exp3A_939 : vector<16xf32> to vector<1x1x16xf32>
        tpu.vector_store %arg11[%swap3A_941, %swap3A_942, %swap3A_943], %swap3A_946 {strides = array<i32>} : memref<2x112x144xf32, #tpu.memory_space<vmem>>, vector<1x1x16xf32>,
        %get3A_947 = arith.constant 1 : i32
        %get3A_948 = arith.index_cast %get3A_947 : i32 to index
        %get3A_949 = arith.index_cast %add3A_920 : i32 to index
        %get3A_950 = arith.constant 0 : index
        %get3A_951 = tpu.vector_load %arg11[%get3A_948, %get3A_949, %get3A_950] {strides = array<i32>} : memref<2x112x144xf32, #tpu.memory_space<vmem>>, vector<1x1x16xf32>,
        %get3A_952 = vector.shape_cast %get3A_951 : vector<1x1x16xf32> to vector<16xf32>
        %mul3A_953 = arith.mulf %exp3A_939, %get3A_952 : vector<16xf32>
        %swap3A_954 = arith.constant 1 : i32
        %swap3A_955 = arith.index_cast %swap3A_954 : i32 to index
        %swap3A_956 = arith.index_cast %add3A_920 : i32 to index
        %swap3A_957 = arith.constant 0 : index
        %swap3A_958 = tpu.vector_load %arg11[%swap3A_955, %swap3A_956, %swap3A_957] {strides = array<i32>} : memref<2x112x144xf32, #tpu.memory_space<vmem>>, vector<1x1x16xf32>,
        %swap3A_959 = vector.shape_cast %swap3A_958 : vector<1x1x16xf32> to vector<16xf32>
        %swap3A_960 = vector.shape_cast %mul3A_953 : vector<16xf32> to vector<1x1x16xf32>
        tpu.vector_store %arg11[%swap3A_955, %swap3A_956, %swap3A_957], %swap3A_960 {strides = array<i32>} : memref<2x112x144xf32, #tpu.memory_space<vmem>>, vector<1x1x16xf32>,
        %get3A_961 = arith.constant 1 : i32
        %get3A_962 = arith.index_cast %get3A_961 : i32 to index
        %get3A_963 = arith.index_cast %add3A_920 : i32 to index
        %get3A_964 = arith.constant 16 : index
        %get3A_965 = tpu.vector_load %arg11[%get3A_962, %get3A_963, %get3A_964] {strides = array<i32>} : memref<2x112x144xf32, #tpu.memory_space<vmem>>, vector<1x1x16xf32>,
        %get3A_966 = vector.shape_cast %get3A_965 : vector<1x1x16xf32> to vector<16xf32>
        %mul3A_967 = arith.mulf %exp3A_939, %get3A_966 : vector<16xf32>
        %swap3A_968 = arith.constant 1 : i32
        %swap3A_969 = arith.index_cast %swap3A_968 : i32 to index
        %swap3A_970 = arith.index_cast %add3A_920 : i32 to index
        %swap3A_971 = arith.constant 16 : index
        %swap3A_972 = tpu.vector_load %arg11[%swap3A_969, %swap3A_970, %swap3A_971] {strides = array<i32>} : memref<2x112x144xf32, #tpu.memory_space<vmem>>, vector<1x1x16xf32>,
        %swap3A_973 = vector.shape_cast %swap3A_972 : vector<1x1x16xf32> to vector<16xf32>
        %swap3A_974 = vector.shape_cast %mul3A_967 : vector<16xf32> to vector<1x1x16xf32>
        tpu.vector_store %arg11[%swap3A_969, %swap3A_970, %swap3A_971], %swap3A_974 {strides = array<i32>} : memref<2x112x144xf32, #tpu.memory_space<vmem>>, vector<1x1x16xf32>,
        %get3A_975 = arith.constant 1 : i32
        %get3A_976 = arith.index_cast %get3A_975 : i32 to index
        %get3A_977 = arith.index_cast %add3A_920 : i32 to index
        %get3A_978 = arith.constant 32 : index
        %get3A_979 = tpu.vector_load %arg11[%get3A_976, %get3A_977, %get3A_978] {strides = array<i32>} : memref<2x112x144xf32, #tpu.memory_space<vmem>>, vector<1x1x16xf32>,
        %get3A_980 = vector.shape_cast %get3A_979 : vector<1x1x16xf32> to vector<16xf32>
        %mul3A_981 = arith.mulf %exp3A_939, %get3A_980 : vector<16xf32>
        %swap3A_982 = arith.constant 1 : i32
        %swap3A_983 = arith.index_cast %swap3A_982 : i32 to index
        %swap3A_984 = arith.index_cast %add3A_920 : i32 to index
        %swap3A_985 = arith.constant 32 : index
        %swap3A_986 = tpu.vector_load %arg11[%swap3A_983, %swap3A_984, %swap3A_985] {strides = array<i32>} : memref<2x112x144xf32, #tpu.memory_space<vmem>>, vector<1x1x16xf32>,
        %swap3A_987 = vector.shape_cast %swap3A_986 : vector<1x1x16xf32> to vector<16xf32>
        %swap3A_988 = vector.shape_cast %mul3A_981 : vector<16xf32> to vector<1x1x16xf32>
        tpu.vector_store %arg11[%swap3A_983, %swap3A_984, %swap3A_985], %swap3A_988 {strides = array<i32>} : memref<2x112x144xf32, #tpu.memory_space<vmem>>, vector<1x1x16xf32>,
        %get3A_989 = arith.constant 1 : i32
        %get3A_990 = arith.index_cast %get3A_989 : i32 to index
        %get3A_991 = arith.index_cast %add3A_920 : i32 to index
        %get3A_992 = arith.constant 48 : index
        %get3A_993 = tpu.vector_load %arg11[%get3A_990, %get3A_991, %get3A_992] {strides = array<i32>} : memref<2x112x144xf32, #tpu.memory_space<vmem>>, vector<1x1x16xf32>,
        %get3A_994 = vector.shape_cast %get3A_993 : vector<1x1x16xf32> to vector<16xf32>
        %mul3A_995 = arith.mulf %exp3A_939, %get3A_994 : vector<16xf32>
        %swap3A_996 = arith.constant 1 : i32
        %swap3A_997 = arith.index_cast %swap3A_996 : i32 to index
        %swap3A_998 = arith.index_cast %add3A_920 : i32 to index
        %swap3A_999 = arith.constant 48 : index
        %swap3A_1000 = tpu.vector_load %arg11[%swap3A_997, %swap3A_998, %swap3A_999] {strides = array<i32>} : memref<2x112x144xf32, #tpu.memory_space<vmem>>, vector<1x1x16xf32>,
        %swap3A_1001 = vector.shape_cast %swap3A_1000 : vector<1x1x16xf32> to vector<16xf32>
        %swap3A_1002 = vector.shape_cast %mul3A_995 : vector<16xf32> to vector<1x1x16xf32>
        tpu.vector_store %arg11[%swap3A_997, %swap3A_998, %swap3A_999], %swap3A_1002 {strides = array<i32>} : memref<2x112x144xf32, #tpu.memory_space<vmem>>, vector<1x1x16xf32>,
        %get3A_1003 = arith.constant 1 : i32
        %get3A_1004 = arith.index_cast %get3A_1003 : i32 to index
        %get3A_1005 = arith.index_cast %add3A_920 : i32 to index
        %get3A_1006 = arith.constant 64 : index
        %get3A_1007 = tpu.vector_load %arg11[%get3A_1004, %get3A_1005, %get3A_1006] {strides = array<i32>} : memref<2x112x144xf32, #tpu.memory_space<vmem>>, vector<1x1x16xf32>,
        %get3A_1008 = vector.shape_cast %get3A_1007 : vector<1x1x16xf32> to vector<16xf32>
        %mul3A_1009 = arith.mulf %exp3A_939, %get3A_1008 : vector<16xf32>
        %swap3A_1010 = arith.constant 1 : i32
        %swap3A_1011 = arith.index_cast %swap3A_1010 : i32 to index
        %swap3A_1012 = arith.index_cast %add3A_920 : i32 to index
        %swap3A_1013 = arith.constant 64 : index
        %swap3A_1014 = tpu.vector_load %arg11[%swap3A_1011, %swap3A_1012, %swap3A_1013] {strides = array<i32>} : memref<2x112x144xf32, #tpu.memory_space<vmem>>, vector<1x1x16xf32>,
        %swap3A_1015 = vector.shape_cast %swap3A_1014 : vector<1x1x16xf32> to vector<16xf32>
        %swap3A_1016 = vector.shape_cast %mul3A_1009 : vector<16xf32> to vector<1x1x16xf32>
        tpu.vector_store %arg11[%swap3A_1011, %swap3A_1012, %swap3A_1013], %swap3A_1016 {strides = array<i32>} : memref<2x112x144xf32, #tpu.memory_space<vmem>>, vector<1x1x16xf32>,
        %get3A_1017 = arith.constant 1 : i32
        %get3A_1018 = arith.index_cast %get3A_1017 : i32 to index
        %get3A_1019 = arith.index_cast %add3A_920 : i32 to index
        %get3A_1020 = arith.constant 80 : index
        %get3A_1021 = tpu.vector_load %arg11[%get3A_1018, %get3A_1019, %get3A_1020] {strides = array<i32>} : memref<2x112x144xf32, #tpu.memory_space<vmem>>, vector<1x1x16xf32>,
        %get3A_1022 = vector.shape_cast %get3A_1021 : vector<1x1x16xf32> to vector<16xf32>
        %mul3A_1023 = arith.mulf %exp3A_939, %get3A_1022 : vector<16xf32>
        %swap3A_1024 = arith.constant 1 : i32
        %swap3A_1025 = arith.index_cast %swap3A_1024 : i32 to index
        %swap3A_1026 = arith.index_cast %add3A_920 : i32 to index
        %swap3A_1027 = arith.constant 80 : index
        %swap3A_1028 = tpu.vector_load %arg11[%swap3A_1025, %swap3A_1026, %swap3A_1027] {strides = array<i32>} : memref<2x112x144xf32, #tpu.memory_space<vmem>>, vector<1x1x16xf32>,
        %swap3A_1029 = vector.shape_cast %swap3A_1028 : vector<1x1x16xf32> to vector<16xf32>
        %swap3A_1030 = vector.shape_cast %mul3A_1023 : vector<16xf32> to vector<1x1x16xf32>
        tpu.vector_store %arg11[%swap3A_1025, %swap3A_1026, %swap3A_1027], %swap3A_1030 {strides = array<i32>} : memref<2x112x144xf32, #tpu.memory_space<vmem>>, vector<1x1x16xf32>,
        %get3A_1031 = arith.constant 1 : i32
        %get3A_1032 = arith.index_cast %get3A_1031 : i32 to index
        %get3A_1033 = arith.index_cast %add3A_920 : i32 to index
        %get3A_1034 = arith.constant 96 : index
        %get3A_1035 = tpu.vector_load %arg11[%get3A_1032, %get3A_1033, %get3A_1034] {strides = array<i32>} : memref<2x112x144xf32, #tpu.memory_space<vmem>>, vector<1x1x16xf32>,
        %get3A_1036 = vector.shape_cast %get3A_1035 : vector<1x1x16xf32> to vector<16xf32>
        %mul3A_1037 = arith.mulf %exp3A_939, %get3A_1036 : vector<16xf32>
        %swap3A_1038 = arith.constant 1 : i32
        %swap3A_1039 = arith.index_cast %swap3A_1038 : i32 to index
        %swap3A_1040 = arith.index_cast %add3A_920 : i32 to index
        %swap3A_1041 = arith.constant 96 : index
        %swap3A_1042 = tpu.vector_load %arg11[%swap3A_1039, %swap3A_1040, %swap3A_1041] {strides = array<i32>} : memref<2x112x144xf32, #tpu.memory_space<vmem>>, vector<1x1x16xf32>,
        %swap3A_1043 = vector.shape_cast %swap3A_1042 : vector<1x1x16xf32> to vector<16xf32>
        %swap3A_1044 = vector.shape_cast %mul3A_1037 : vector<16xf32> to vector<1x1x16xf32>
        tpu.vector_store %arg11[%swap3A_1039, %swap3A_1040, %swap3A_1041], %swap3A_1044 {strides = array<i32>} : memref<2x112x144xf32, #tpu.memory_space<vmem>>, vector<1x1x16xf32>,
        %get3A_1045 = arith.constant 1 : i32
        %get3A_1046 = arith.index_cast %get3A_1045 : i32 to index
        %get3A_1047 = arith.index_cast %add3A_920 : i32 to index
        %get3A_1048 = arith.constant 112 : index
        %get3A_1049 = tpu.vector_load %arg11[%get3A_1046, %get3A_1047, %get3A_1048] {strides = array<i32>} : memref<2x112x144xf32, #tpu.memory_space<vmem>>, vector<1x1x16xf32>,
        %get3A_1050 = vector.shape_cast %get3A_1049 : vector<1x1x16xf32> to vector<16xf32>
        %mul3A_1051 = arith.mulf %exp3A_939, %get3A_1050 : vector<16xf32>
        %swap3A_1052 = arith.constant 1 : i32
        %swap3A_1053 = arith.index_cast %swap3A_1052 : i32 to index
        %swap3A_1054 = arith.index_cast %add3A_920 : i32 to index
        %swap3A_1055 = arith.constant 112 : index
        %swap3A_1056 = tpu.vector_load %arg11[%swap3A_1053, %swap3A_1054, %swap3A_1055] {strides = array<i32>} : memref<2x112x144xf32, #tpu.memory_space<vmem>>, vector<1x1x16xf32>,
        %swap3A_1057 = vector.shape_cast %swap3A_1056 : vector<1x1x16xf32> to vector<16xf32>
        %swap3A_1058 = vector.shape_cast %mul3A_1051 : vector<16xf32> to vector<1x1x16xf32>
        tpu.vector_store %arg11[%swap3A_1053, %swap3A_1054, %swap3A_1055], %swap3A_1058 {strides = array<i32>} : memref<2x112x144xf32, #tpu.memory_space<vmem>>, vector<1x1x16xf32>,
      }
      %scan3A_474 = arith.constant 112 : i32
      %dma_start3A_475 = arith.constant 1 : i32
      %dma_start3A_476 = arith.constant 1 : i32
      %dma_start3A_477 = arith.constant 0 : i32
      %dma_start3A_478 = arith.constant 0 : i32
      %dma_start3A_479 = tpu.memref_slice %arg11[%dma_start3A_475, %dma_start3A_477, %dma_start3A_478] : memref<2x112x144xf32, #tpu.memory_space<vmem>> -> memref<1x112x144xf32, #tpu.memory_space<vmem>>
      %dma_start3A_480 = tpu.memref_squeeze %dma_start3A_479 : memref<1x112x144xf32, #tpu.memory_space<vmem>> -> memref<112x144xf32, #tpu.memory_space<vmem>>
      %dma_start3A_481 = arith.constant 0 : i32
      %dma_start3A_482 = tpu.memref_slice %arg9[%dma_start3A_476, %dma_start3A_481] : memref<2x112xi32, #tpu.memory_space<vmem>> -> memref<1x112xi32, #tpu.memory_space<vmem>>
      %dma_start3A_483 = tpu.memref_squeeze %dma_start3A_482 : memref<1x112xi32, #tpu.memory_space<vmem>> -> memref<112xi32, #tpu.memory_space<vmem>>
      %dma_start3A_484 = arith.constant 0 : i32
      %dma_start3A_485 = arith.constant 0 : i32
      %dma_start3A_486 = tpu.memref_slice %arg13[%dma_start3A_484, %dma_start3A_485] : memref<10112x144xf32, #tpu.memory_space<vmem_shared>> -> memref<10112x144xf32, #tpu.memory_space<vmem_shared>>
      tpu.enqueue_indirect_dma source(%dma_start3A_480 : memref<112x144xf32, #tpu.memory_space<vmem>>) target(%dma_start3A_486 : memref<10112x144xf32, #tpu.memory_space<vmem_shared>>) offsets(%dma_start3A_483 : memref<112xi32, #tpu.memory_space<vmem>>) semaphore(%arg19 : memref<!tpu.dma_semaphore, #tpu.memory_space<semaphore_mem>>) {add = true}
    }
    %scan3A_148 = arith.constant 47 : i32
    %dma_wait3A_149 = arith.constant 1 : i32
    %dma_wait3A_150 = arith.constant 0 : i32
    %dma_wait3A_151 = arith.constant 0 : i32
    %dma_wait3A_152 = tpu.memref_slice %arg11[%dma_wait3A_149, %dma_wait3A_150, %dma_wait3A_151] : memref<2x112x144xf32, #tpu.memory_space<vmem>> -> memref<1x112x144xf32, #tpu.memory_space<vmem>>
    %dma_wait3A_153 = tpu.memref_squeeze %dma_wait3A_152 : memref<1x112x144xf32, #tpu.memory_space<vmem>> -> memref<112x144xf32, #tpu.memory_space<vmem>>
    %dma_wait3A_154 = arith.constant 0 : i32
    %dma_wait3A_155 = arith.constant 0 : i32
    %dma_wait3A_156 = tpu.memref_slice %arg13[%dma_wait3A_154, %dma_wait3A_155] : memref<10112x144xf32, #tpu.memory_space<vmem_shared>> -> memref<112x144xf32, #tpu.memory_space<vmem_shared>>
    %dma_wait3A_157 = arith.constant 0 : i32
    %dma_wait3A_158 = arith.constant 0 : i32
    %dma_wait3A_159 = tpu.memref_slice %arg13[%dma_wait3A_157, %dma_wait3A_158] : memref<10112x144xf32, #tpu.memory_space<vmem_shared>> -> memref<112x144xf32, #tpu.memory_space<vmem_shared>>
    %dma_wait3A_160 = arith.constant 0 : i32
    %dma_wait3A_161 = arith.constant 0 : i32
    %dma_wait3A_162 = tpu.memref_slice %arg11[%dma_wait3A_149, %dma_wait3A_160, %dma_wait3A_161] : memref<2x112x144xf32, #tpu.memory_space<vmem>> -> memref<1x112x144xf32, #tpu.memory_space<vmem>>
    %dma_wait3A_163 = tpu.memref_squeeze %dma_wait3A_162 : memref<1x112x144xf32, #tpu.memory_space<vmem>> -> memref<112x144xf32, #tpu.memory_space<vmem>>
    tpu.wait_dma2 semaphore(%arg19 : memref<!tpu.dma_semaphore, #tpu.memory_space<semaphore_mem>>) src(%dma_wait3A_163 : memref<112x144xf32, #tpu.memory_space<vmem>>) dst(%dma_wait3A_159 : memref<112x144xf32, #tpu.memory_space<vmem_shared>>)
    %barrier3A_164 = arith.constant 0 : index
    tpu.barrier barrier_id(%barrier3A_164)
    "tpu.region"() ({
      %run_scoped3A_165 = tpu.sem_alloc : memref<!tpu.dma_semaphore, #tpu.memory_space<semaphore_mem>>
      %dma_start3A_166 = arith.constant 0 : i32
      %dma_start3A_167 = tpu.memref_slice %arg7[%arg0, %mul3A_7, %dma_start3A_166] : memref<2x10112x144xf32, #tpu.memory_space<hbm>> -> memref<1x632x144xf32, #tpu.memory_space<hbm>>
      %dma_start3A_168 = tpu.memref_squeeze %dma_start3A_167 : memref<1x632x144xf32, #tpu.memory_space<hbm>> -> memref<632x144xf32, #tpu.memory_space<hbm>>
      %dma_start3A_169 = arith.constant 0 : i32
      %dma_start3A_170 = tpu.memref_slice %arg13[%mul3A_7, %dma_start3A_169] : memref<10112x144xf32, #tpu.memory_space<vmem_shared>> -> memref<632x144xf32, #tpu.memory_space<vmem_shared>>
      tpu.enqueue_dma source(%dma_start3A_170 : memref<632x144xf32, #tpu.memory_space<vmem_shared>>) target(%dma_start3A_168 : memref<632x144xf32, #tpu.memory_space<hbm>>) target_semaphore(%run_scoped3A_165 : memref<!tpu.dma_semaphore, #tpu.memory_space<semaphore_mem>>)
      %dma_wait3A_171 = arith.constant 0 : i32
      %dma_wait3A_172 = tpu.memref_slice %arg7[%arg0, %mul3A_7, %dma_wait3A_171] : memref<2x10112x144xf32, #tpu.memory_space<hbm>> -> memref<1x632x144xf32, #tpu.memory_space<hbm>>
      %dma_wait3A_173 = tpu.memref_squeeze %dma_wait3A_172 : memref<1x632x144xf32, #tpu.memory_space<hbm>> -> memref<632x144xf32, #tpu.memory_space<hbm>>
      %dma_wait3A_174 = arith.constant 0 : i32
      %dma_wait3A_175 = tpu.memref_slice %arg13[%mul3A_7, %dma_wait3A_174] : memref<10112x144xf32, #tpu.memory_space<vmem_shared>> -> memref<632x144xf32, #tpu.memory_space<vmem_shared>>
      tpu.wait_dma2 semaphore(%run_scoped3A_165 : memref<!tpu.dma_semaphore, #tpu.memory_space<semaphore_mem>>) src(%dma_wait3A_175 : memref<632x144xf32, #tpu.memory_space<vmem_shared>>) dst(%dma_wait3A_173 : memref<632x144xf32, #tpu.memory_space<hbm>>)
      tpu.yield
    }) : () -> ()
    return
  }
}

module attributes {stable_mosaic.version = 14 : i64} {
  func.func @_stage1_body(%arg0: memref<10000x128xf32, #tpu.memory_space<vmem>>, %arg1: memref<128x128xf32, #tpu.memory_space<vmem>>, %arg2: memref<1x128xf32, #tpu.memory_space<vmem>>, %arg3: memref<128x8xf32, #tpu.memory_space<vmem>>, %arg4: memref<128x8xf32, #tpu.memory_space<vmem>>, %arg5: memref<10016x144xf32, #tpu.memory_space<vmem>>, %arg6: memref<10016x16xf32, #tpu.memory_space<vmem>>, %arg7: memref<1x16xf32, #tpu.memory_space<vmem>>) attributes {dimension_semantics = [], scalar_prefetch = 0 : i64, scratch_operands = 0 : i64, tpu.core_type = #tpu.core_type<tc>} {
    %get3A = arith.constant 0 : index
    %get3A_0 = arith.constant 0 : index
    %get3A_1 = vector.load %arg0[%get3A, %get3A_0] : memref<10000x128xf32, #tpu.memory_space<vmem>>, vector<10000x128xf32>
    %get3A_2 = arith.constant 0 : index
    %get3A_3 = arith.constant 0 : index
    %get3A_4 = vector.load %arg1[%get3A_2, %get3A_3] : memref<128x128xf32, #tpu.memory_space<vmem>>, vector<128x128xf32>
    %dot_general3A = arith.constant dense<0.000000e+00> : vector<10000x128xf32>
    %dot_general3A_5 = tpu.matmul %get3A_1, %get3A_4, %dot_general3A {dimension_numbers = #tpu.dot_dimension_numbers<[1], [0], [0], [1], [0, 0, 1, 1], [], []>, precision = #tpu.contract_precision<fp32>, transpose_lhs_hint = false} : vector<10000x128xf32>, vector<128x128xf32>, vector<10000x128xf32> -> vector<10000x128xf32>
    %get3A_6 = arith.constant 0 : index
    %get3A_7 = arith.constant 0 : index
    %get3A_8 = vector.load %arg2[%get3A_6, %get3A_7] : memref<1x128xf32, #tpu.memory_space<vmem>>, vector<1x128xf32>
    %add3A = vector.broadcast %get3A_8 : vector<1x128xf32> to vector<10000x128xf32>
    %add3A_9 = arith.addf %dot_general3A_5, %add3A : vector<10000x128xf32>
    %get3A_10 = arith.constant 0 : index
    %get3A_11 = arith.constant 0 : index
    %get3A_12 = vector.load %arg3[%get3A_10, %get3A_11] : memref<128x8xf32, #tpu.memory_space<vmem>>, vector<128x8xf32>
    %dot_general3A_13 = arith.constant dense<0.000000e+00> : vector<10000x8xf32>
    %dot_general3A_14 = tpu.matmul %add3A_9, %get3A_12, %dot_general3A_13 {dimension_numbers = #tpu.dot_dimension_numbers<[1], [0], [0], [1], [0, 0, 1, 1], [], []>, precision = #tpu.contract_precision<fp32>, transpose_lhs_hint = false} : vector<10000x128xf32>, vector<128x8xf32>, vector<10000x8xf32> -> vector<10000x8xf32>
    %get3A_15 = arith.constant 0 : index
    %get3A_16 = arith.constant 0 : index
    %get3A_17 = vector.load %arg4[%get3A_15, %get3A_16] : memref<128x8xf32, #tpu.memory_space<vmem>>, vector<128x8xf32>
    %dot_general3A_18 = arith.constant dense<0.000000e+00> : vector<10000x8xf32>
    %dot_general3A_19 = tpu.matmul %add3A_9, %get3A_17, %dot_general3A_18 {dimension_numbers = #tpu.dot_dimension_numbers<[1], [0], [0], [1], [0, 0, 1, 1], [], []>, precision = #tpu.contract_precision<fp32>, transpose_lhs_hint = false} : vector<10000x128xf32>, vector<128x8xf32>, vector<10000x8xf32> -> vector<10000x8xf32>
    %broadcast_in_dim3A = arith.constant 0.000000e+00 : f32
    %broadcast_in_dim3A_20 = vector.broadcast %broadcast_in_dim3A : f32 to vector<16x128xf32>
    %broadcast_in_dim3A_21 = arith.constant 0.000000e+00 : f32
    %broadcast_in_dim3A_22 = vector.broadcast %broadcast_in_dim3A_21 : f32 to vector<16x8xf32>
    %concatenate3A = tpu.concatenate %add3A_9, %broadcast_in_dim3A_20 in 0 : vector<10000x128xf32>, vector<16x128xf32> -> vector<10016x128xf32>
    %concatenate3A_23 = tpu.concatenate %dot_general3A_14, %broadcast_in_dim3A_22 in 0 : vector<10000x8xf32>, vector<16x8xf32> -> vector<10016x8xf32>
    %concatenate3A_24 = tpu.concatenate %dot_general3A_19, %broadcast_in_dim3A_22 in 0 : vector<10000x8xf32>, vector<16x8xf32> -> vector<10016x8xf32>
    %concatenate3A_25 = tpu.concatenate %concatenate3A, %concatenate3A_24, %concatenate3A_24 in 1 : vector<10016x128xf32>, vector<10016x8xf32>, vector<10016x8xf32> -> vector<10016x144xf32>
    %swap3A = arith.constant 0 : index
    %swap3A_26 = arith.constant 0 : index
    %swap3A_27 = vector.load %arg5[%swap3A, %swap3A_26] : memref<10016x144xf32, #tpu.memory_space<vmem>>, vector<10016x144xf32>
    tpu.vector_store %arg5[%swap3A, %swap3A_26], %concatenate3A_25 {strides = array<i32>} : memref<10016x144xf32, #tpu.memory_space<vmem>>, vector<10016x144xf32>,
    %concatenate3A_28 = tpu.concatenate %concatenate3A_23, %concatenate3A_23 in 1 : vector<10016x8xf32>, vector<10016x8xf32> -> vector<10016x16xf32>
    %swap3A_29 = arith.constant 0 : index
    %swap3A_30 = arith.constant 0 : index
    %swap3A_31 = vector.load %arg6[%swap3A_29, %swap3A_30] : memref<10016x16xf32, #tpu.memory_space<vmem>>, vector<10016x16xf32>
    tpu.vector_store %arg6[%swap3A_29, %swap3A_30], %concatenate3A_28 {strides = array<i32>} : memref<10016x16xf32, #tpu.memory_space<vmem>>, vector<10016x16xf32>,
    %reduce_max3A = arith.constant dense<0xFF800000> : vector<8xf32>
    %reduce_max3A_32 = vector.multi_reduction <maximumf>, %dot_general3A_14, %reduce_max3A [0] : vector<10000x8xf32> to vector<8xf32>
    %reduce_max3A_33 = arith.constant dense<0xFF800000> : vector<8xf32>
    %reduce_max3A_34 = vector.multi_reduction <maximumf>, %dot_general3A_19, %reduce_max3A_33 [0] : vector<10000x8xf32> to vector<8xf32>
    %add3A_35 = arith.addf %reduce_max3A_32, %reduce_max3A_34 : vector<8xf32>
    %mul3A = arith.constant 0.00999999977 : f32
    %mul3A_36 = vector.broadcast %mul3A : f32 to vector<8xf32>
    %mul3A_37 = arith.mulf %mul3A_36, %add3A_35 : vector<8xf32>
    %max3A = arith.maximumf %add3A_35, %mul3A_37 : vector<8xf32>
    %concatenate3A_38 = tpu.concatenate %max3A, %max3A in 0 : vector<8xf32>, vector<8xf32> -> vector<16xf32>
    %reshape3A = vector.shape_cast %concatenate3A_38 : vector<16xf32> to vector<1x16xf32>
    %swap3A_39 = arith.constant 0 : index
    %swap3A_40 = arith.constant 0 : index
    %swap3A_41 = vector.load %arg7[%swap3A_39, %swap3A_40] : memref<1x16xf32, #tpu.memory_space<vmem>>, vector<1x16xf32>
    tpu.vector_store %arg7[%swap3A_39, %swap3A_40], %reshape3A {strides = array<i32>} : memref<1x16xf32, #tpu.memory_space<vmem>>, vector<1x16xf32>,
    return
  }
}

module attributes {stable_mosaic.version = 14 : i64} {
  func.func @_stage3_body(%arg0: i32, %arg1: memref<2x2000x144xf32, #tpu.memory_space<vmem>>, %arg2: memref<8x128xf32, #tpu.memory_space<vmem>>, %arg3: memref<2000x128xf32, #tpu.memory_space<vmem>>) attributes {dimension_semantics = [#tpu.dimension_semantics<arbitrary>], iteration_bounds = array<i64: 5>, scalar_prefetch = 0 : i64, scratch_operands = 0 : i64, tpu.core_type = #tpu.core_type<tc>, window_params = [{transform_indices = @transform_0, window_bounds = array<i64: 2, 2000, 144>}, {pipeline_mode = #tpu.pipeline_mode<synchronous>, transform_indices = @transform_1, window_bounds = array<i64: 8, 128>}, {transform_indices = @transform_2, window_bounds = array<i64: 2000, 128>}]} {
    %get3A = arith.constant 0 : index
    %get3A_0 = arith.constant 0 : index
    %get3A_1 = arith.constant 0 : index
    %get3A_2 = vector.load %arg1[%get3A, %get3A_0, %get3A_1] : memref<2x2000x144xf32, #tpu.memory_space<vmem>>, vector<1x2000x144xf32>
    %get3A_3 = vector.shape_cast %get3A_2 : vector<1x2000x144xf32> to vector<2000x144xf32>
    %get3A_4 = arith.constant 1 : index
    %get3A_5 = arith.constant 0 : index
    %get3A_6 = arith.constant 0 : index
    %get3A_7 = vector.load %arg1[%get3A_4, %get3A_5, %get3A_6] : memref<2x2000x144xf32, #tpu.memory_space<vmem>>, vector<1x2000x144xf32>
    %get3A_8 = vector.shape_cast %get3A_7 : vector<1x2000x144xf32> to vector<2000x144xf32>
    %add3A = arith.addf %get3A_3, %get3A_8 : vector<2000x144xf32>
    %slice3A = vector.extract_strided_slice %add3A {offsets = [0, 0], sizes = [2000, 128], strides = [1, 1]} : vector<2000x144xf32> to vector<2000x128xf32>
    %slice3A_9 = vector.extract_strided_slice %add3A {offsets = [0, 128], sizes = [2000, 8], strides = [1, 1]} : vector<2000x144xf32> to vector<2000x8xf32>
    %div3A = arith.constant 1.000000e+00 : f32
    %div3A_10 = vector.broadcast %div3A : f32 to vector<2000x8xf32>
    %div3A_11 = arith.divf %div3A_10, %slice3A_9 : vector<2000x8xf32>
    %get3A_12 = arith.constant 0 : index
    %get3A_13 = arith.constant 0 : index
    %get3A_14 = vector.load %arg2[%get3A_12, %get3A_13] : memref<8x128xf32, #tpu.memory_space<vmem>>, vector<8x128xf32>
    %dot_general3A = arith.constant dense<0.000000e+00> : vector<2000x128xf32>
    %dot_general3A_15 = tpu.matmul %div3A_11, %get3A_14, %dot_general3A {dimension_numbers = #tpu.dot_dimension_numbers<[1], [0], [0], [1], [0, 0, 1, 1], [], []>, precision = #tpu.contract_precision<fp32>, transpose_lhs_hint = false} : vector<2000x8xf32>, vector<8x128xf32>, vector<2000x128xf32> -> vector<2000x128xf32>
    %mul3A = arith.mulf %slice3A, %dot_general3A_15 : vector<2000x128xf32>
    %swap3A = arith.constant 0 : index
    %swap3A_16 = arith.constant 0 : index
    %swap3A_17 = vector.load %arg3[%swap3A, %swap3A_16] : memref<2000x128xf32, #tpu.memory_space<vmem>>, vector<2000x128xf32>
    tpu.vector_store %arg3[%swap3A, %swap3A_16], %mul3A {strides = array<i32>} : memref<2000x128xf32, #tpu.memory_space<vmem>>, vector<2000x128xf32>,
    return
  }
  func.func @transform_0(%arg0: i32) -> (i32, i32, i32) {
    %c0_i32 = arith.constant 0 : i32
    %c0_i32_0 = arith.constant 0 : i32
    %c0_i32_1 = arith.constant 0 : i32
    return %c0_i32, %arg0, %c0_i32_0 : i32, i32, i32
  }
  func.func @transform_1(%arg0: i32) -> (i32, i32) {
    %c0_i32 = arith.constant 0 : i32
    %c0_i32_0 = arith.constant 0 : i32
    %c0_i32_1 = arith.constant 0 : i32
    return %c0_i32, %c0_i32_0 : i32, i32
  }
  func.func @transform_2(%arg0: i32) -> (i32, i32) {
    %c0_i32 = arith.constant 0 : i32
    %c0_i32_0 = arith.constant 0 : i32
    return %arg0, %c0_i32 : i32, i32
  }
}

</mosaic_0001>

<sc_bundles>
// kernel: kernel.5.cloned.1.call-start
scs
__scs_entry_jumppad:
0x0: {  	(pc) =	sbr.rel $0x88, $3  }
0x1: {  	(tag) =	ssettag $0x0;
	lr =	simm.s32 $0x1  }
0x2: {  	[smem:$0x3F9B] =	sst lr;
	_ =	strace $0xD0000000  }
0x3: {  	_ = 	snop  }
0x4: {  	_ = 	snop  }
0x5: {  	_ = 	snop  }
0x6: {  	_ = 	snop  }
0x7: {  	_ = 	snop  }
__scs_overlays_trampoline_lowered:
0x8: {  	[smem:$0x3FAA] =	sst s0  }
0x9: {  	[smem:$0x3FAB] =	sst s1  }
0xa: {  	[smem:$0x3FAC] =	sst s2  }
0xb: {  	[smem:$0x3FAD] =	sst s3  }
0xc: {  	[smem:$0x3FAE] =	sst s4  }
0xd: {  	[smem:$0x3FAF] =	sst s5  }
0xe: {  	[smem:$0x3FB0] =	sst s6  }
0xf: {  	[smem:$0x3FB1] =	sst s7  }
0x10: {  	[smem:$0x3FB2] =	sst s8  }
0x11: {  	[smem:$0x3FB3] =	sst s9;
	s0 =	simm.s32 @!p0 $0x0  }
0x12: {  	s1 =	sld [smem:$0x3F99];
	s0 =	simm.s32 @p0 $0x1  }
0x13: {  	[smem:$0x3FB4] =	sst s0;
	s0 =	simm.s32 @!p1 $0x0  }
0x14: {  	s2 =	sld [smem:$0x3F98];
	s0 =	simm.s32 @p1 $0x1  }
0x15: {  	[smem:$0x3FB5] =	sst s0;
	s0 =	simm.s32 @!p2 $0x0  }
0x16: {  	s3 =	sld [smem:$0x3FDB];
	s0 =	simm.s32 @p2 $0x1  }
0x17: {  	s4 =	simm.s32 $0x1BF5;
	[smem:$0x3FB7] =	sst s0  }
0x18: {  	s0 =	sld [smem:$0x3F9A];
	_ =	swait.ge [sflag:s4], $0x0  }
0x19: {  	s7 =	sld [smem:$0x3F9B]  }
0x1a: {  	s8 =	sadd.s32 $0xFFFFE003, lr  }
0x1b: {  	s9 =	sadd.s32 $0xFFFFFEF7, lr;
	s5 =	simm.s32 $0xFFFFFFFF;
	p2 =	slt.u32 s8, $0xFFFFF086  }
0x1c: {  	p1 =	slt.u32 s9, $0xF7A;
	s5 =	simm.s32 @!p2 $0x0  }
0x1d: {  	s5 =	simm.s32 @p1 $0x1;
	p0 =	seq.s32 s7, s2  }
0x1e: {  	s7 =	smul.u32 @!p0 $0xF7A, s2;
	p2 =	seq.s32 @!p0 s5, $0x0  }
0x1f: {  	s9 =	smul.u32 $0xF7A, s1;
	s8 =	simm.s32 @!p0 $0x1BF5;
	p2 =	por !p2, p0  }
0x20: {  	[sflag:s8] =	ssyncset.s32 @!p0 $0xFFFFF086;
	s6 =	sadd.s32 @!p0 s3, s7;
	s7 =	simm.s32 @!p0 $0x108  }
0x21: {  	s3 =	sadd.s32 s3, s9;
	s6 =	sadd.s32 @!p0 $0x88, s6;
	s7 =	simm.s32 @p2 $0x1082  }
0x22: {  	[simem:s7], [sflag:s8] =	dma.local @!p0 [hbm:s6], $0xF7A  }
0x23: {  	s9 =	sor.u32 $0xD0000000, s2;
	s6 =	simm.s32 $0x108;
	_ =	swait.ge @!p0 [sflag:s8], $0x0  }
0x24: {  	s3 =	sadd.s32 $0x88, s3;
	s6 =	simm.s32 @!p1 $0x1082;
	[sflag:s4] =	ssyncset.s32 $0xFFFFF086  }
0x25: {  	[simem:s6], [sflag:s4] =	dma.local [hbm:s3], $0xF7A  }
0x26: {  	[smem:$0x3F9B] =	sst s1;
	(tag) =	ssettag s2;
	_ =	strace s9  }
0x27: {  	s1 =	sld [smem:$0x3FAB]  }
0x28: {  	s2 =	sld [smem:$0x3FAC]  }
0x29: {  	s4 =	sld [smem:$0x3FAE]  }
0x2a: {  	p0 =	seq.s32 s5, $0x0;
	s5 =	sld [smem:$0x3FAF]  }
0x2b: {  	s6 =	sld [smem:$0x3FB0]  }
0x2c: {  	s7 =	sld [smem:$0x3FB1]  }
0x2d: {  	s3 =	simm.s32 $0x108;
	s8 =	sld [smem:$0x3FB2]  }
0x2e: {  	s3 =	simm.s32 @!p0 $0x1082;
	s9 =	sld [smem:$0x3FB3]  }
0x2f: {  	lr =	sadd.s32 s0, s3;
	s0 =	sld [smem:$0x3FAA]  }
0x30: {  	s3 =	sld [smem:$0x3FAD]  }
0x31: {  	[smem:$0x3FB6] =	sst s10  }
0x32: {  	s10 =	sld [smem:$0x3FB4];
	_ =	sdelay $0x3  }
0x33: {  	p0 =	seq.s32 s10, $0x1;
	s10 =	sld [smem:$0x3FB6];
	_ =	sdelay $0x3  }
0x34: {  	[smem:$0x3FB6] =	sst s10  }
0x35: {  	s10 =	sld [smem:$0x3FB5];
	_ =	sdelay $0x3  }
0x36: {  	p1 =	seq.s32 s10, $0x1;
	s10 =	sld [smem:$0x3FB6];
	_ =	sdelay $0x3  }
0x37: {  	[smem:$0x3FB6] =	sst s10  }
0x38: {  	s10 =	sld [smem:$0x3FB7]  }
0x39: {  	_ = 	snop;
	(pc) =	sbr.ind lr, $3  }
0x3a: {  	_ = 	snop  }
0x3b: {  	_ = 	snop  }
0x3c: {  	p2 =	seq.s32 s10, $0x1;
	s10 =	sld [smem:$0x3FB6]  }
0x3d: {  	_ =	shalt  }
0x3e: {  	_ =	shalt  }
0x3f: {  	_ =	shalt  }
0x40: {  	_ =	shalt  }
0x41: {  	_ =	shalt  }
0x42: {  	_ =	shalt  }
0x43: {  	_ =	shalt  }
0x44: {  	_ =	shalt  }
0x45: {  	_ =	shalt  }
0x46: {  	_ =	shalt  }
0x47: {  	_ =	shalt  }
0x48: {  	_ =	shalt  }
0x49: {  	_ =	shalt  }
0x4a: {  	_ =	shalt  }
0x4b: {  	_ =	shalt  }
0x4c: {  	_ =	shalt  }
0x4d: {  	_ =	shalt  }
0x4e: {  	_ =	shalt  }
0x4f: {  	_ =	shalt  }
0x50: {  	_ =	shalt  }
0x51: {  	_ =	shalt  }
0x52: {  	_ =	shalt  }
0x53: {  	_ =	shalt  }
0x54: {  	_ =	shalt  }
0x55: {  	_ =	shalt  }
0x56: {  	_ =	shalt  }
0x57: {  	_ =	shalt  }
0x58: {  	_ =	shalt  }
0x59: {  	_ =	shalt  }
0x5a: {  	_ =	shalt  }
0x5b: {  	_ =	shalt  }
0x5c: {  	_ =	shalt  }
0x5d: {  	_ =	shalt  }
0x5e: {  	_ =	shalt  }
0x5f: {  	_ =	shalt  }
0x60: {  	_ =	shalt  }
0x61: {  	_ =	shalt  }
0x62: {  	_ =	shalt  }
0x63: {  	_ =	shalt  }
0x64: {  	_ =	shalt  }
0x65: {  	_ =	shalt  }
0x66: {  	_ =	shalt  }
0x67: {  	_ =	shalt  }
0x68: {  	_ =	shalt  }
0x69: {  	_ =	shalt  }
0x6a: {  	_ =	shalt  }
0x6b: {  	_ =	shalt  }
0x6c: {  	_ =	shalt  }
0x6d: {  	_ =	shalt  }
0x6e: {  	_ =	shalt  }
0x6f: {  	_ =	shalt  }
0x70: {  	_ =	shalt  }
0x71: {  	_ =	shalt  }
0x72: {  	_ =	shalt  }
0x73: {  	_ =	shalt  }
0x74: {  	_ =	shalt  }
0x75: {  	_ =	shalt  }
0x76: {  	_ =	shalt  }
0x77: {  	_ =	shalt  }
0x78: {  	_ =	shalt  }
0x79: {  	_ =	shalt  }
0x7a: {  	_ =	shalt  }
0x7b: {  	_ =	shalt  }
0x7c: {  	_ =	shalt  }
0x7d: {  	_ =	shalt  }
0x7e: {  	_ =	shalt  }
0x7f: {  	_ =	shalt  }
0x80: {  	_ =	shalt  }
0x81: {  	_ =	shalt  }
0x82: {  	_ =	shalt  }
0x83: {  	_ =	shalt  }
0x84: {  	_ =	shalt  }
0x85: {  	_ =	shalt  }
0x86: {  	_ =	shalt  }
0x87: {  	_ =	shalt  }
.Lfunc_end0:
.L_simem_size_0:
called_computation_lowered:
.L_overlay_start_0:
0x88: {  	s2 =	sld [smem:$0x3FD9]  }
0x89: {  	s3 =	sld [smem:$0x3FFE];
	_ =	sdelay $0x1  }
0x8a: {  	s1 =	srdreg.scid  }
0x8b: {  	s0 =	sand.u32 $0x1, s1  }
0x8c: {  	s17 =	sshll.u32 s0, $0xA;
	s2 =	sadd.s32 s3, s2  }
0x8d: {  	s2 =	sadd.s32 s2, s17  }
0x8e: {  	[smem:$0x3FC2] =	sst s2  }
0x8f: {  	_ = 	snop  }
0x90: {  	s2 =	sld [smem:$0x3FD0];
	(tm) =	ssettm $0x1  }
0x91: {  	s18 =	sld [smem:$0x3FFB];
	_ =	sdelay $0x3  }
0x92: {  	_ =	strace s18  }
0x93: {  	s3 =	sld [smem:$0x3FFC];
	_ =	sdelay $0x3  }
0x94: {  	_ =	strace s3  }
0x95: {  	s3 =	sld [smem:$0x3FFD];
	_ =	sdelay $0x3  }
0x96: {  	_ =	strace s3  }
0x97: {  	_ =	strace $0x8FFFFFFF  }
0x98: {  	s19 =	sld [smem:$0x3FDB];
	_ =	sdelay $0x1  }
0x99: {  	s4 =	simm.s32 $_scs_section_size  }
0x9a: {  	s5 =	simm.s32 $_size__tile_overlayer_lowered;
	s6 =	simm.s32 $_tile_overlayer_lowered  }
0x9b: {  	s22 =	simm.s32 $0x1BFF;
	s21 =	sshll.u32 s6, $0x1;
	s3 =	sadd.s32 s4, s19  }
0x9c: {  	s7 =	simm.s32 $0x0;
	s20 =	sshll.u32 s5, $0x1;
	s5 =	sadd.s32 s21, s3  }
0x9d: {  	[timem:s7], [sflag:s22] =	dma.local [hbm:s5], s20  }
0x9e: {  	_ =	swait.ge [sflag:s22], s20  }
0x9f: {  	s4 =	ssub.s32 $0x0, s20;
	[sflag:s22] =	ssyncset.done $0x0  }
0xa0: {  	[sflag:s22] =	ssyncadd.s32 s4;
	_ =	sdelay $0x1  }
0xa1: {  	s23 =	simm.s32 $0x1B8B  }
0xa2: {  	_ =	swait.ge [sflag:s23], $0x1  }
0xa3: {  	[sflag:s23] =	ssyncset.done $0x0  }
0xa4: {  	s25 =	simm.s32 $0x1B8E;
	s24 =	sld [smem:$0x3FFE];
	[sflag:s23] =	ssyncadd.s32 $0xFFFFFFFF  }
0xa5: {  	s26 =	simm.s32 $execute0_lowered;
	[smem:$0x3FD2] =	sst s25  }
0xa6: {  	s5 =	sshll.u32 s26, $0x1;
	_ =	strace $0x80000046;
	[dreg:$0x1] =	wrdreg $0xFFFFFFFF  }
0xa7: {  	s28 =	simm.s32 $_size_execute0_lowered;
	s3 =	sadd.s32 s3, s5;
	[dreg:$0x0] =	wrdreg $0x0  }
0xa8: {  	s5 =	sshll.u32 s28, $0x1;
	[dreg:$0x2] =	wrdreg s3  }
0xa9: {  	[dreg:$0x3] =	wrdreg s5  }
0xaa: {  	[dreg:$0x4] =	wrdreg $0xC0  }
0xab: {  	_ =	task [dreg:s7], $0x5FFFF  }
0xac: {  	[dreg:$0x1] =	wrdreg $0xFFFFFFFF  }
0xad: {  	[dreg:$0x0] =	wrdreg $0x60  }
0xae: {  	[dreg:$0x2] =	wrdreg s2  }
0xaf: {  	[dreg:$0x3] =	wrdreg s24  }
0xb0: {  	[dreg:$0x4] =	wrdreg $0x8EB00  }
0xb1: {  	[dreg:$0x5] =	wrdreg $0x9  }
0xb2: {  	_ =	task.clear_ibuf [dreg:s7], $0x6FFFF;
	_ =	strace $0x90000046  }
0xb3: {  	s29 =	simm.s32 $0x9;
	_ =	strace $0x80000048  }
0xb4: {  	_ =	swait.ge [sflag:s29], $0x1  }
0xb5: {  	[sflag:s29] =	ssyncadd.s32 $0xFFFFFFFF  }
0xb6: {  	_ =	strace $0x90000048  }
0xb7: {  	_ =	sfence  }
0xb8: {  	s30 =	sld [smem:$0x0];
	_ =	sdelay $0x2  }
0xb9: {  	s31 =	sshll.u32 s1, $0xD;
	s1 =	sshrl.u32 s1, $0x2  }
0xba: {  	s3 =	sand.u32 $0x4000, s31;
	s1 =	sadd.s32 s1, s30  }
0xbb: {  	s0 =	sor.u32 s3, s0;
	s1 =	sshll.u32 s1, $0x11  }
0xbc: {  	s0 =	sor.u32 s1, s0  }
0xbd: {  	s0 =	sadd.s32 $0x8F2B, s0  }
0xbe: {  	[sflag:s0] =	ssyncadd.remote.s32 $0x1  }
0xbf: {  	_ =	sfence.sel $0xFFFF  }
0xc0: {  	[dreg:$0x0] =	wrdreg $0xFFFFFFFF;
	(pc) =	sbr.abs _section_cstart, $3  }
0xc1: {  	[dreg:$0x1] =	wrdreg $0xFFFFFFFF  }
0xc2: {  	_ =	task.clear_ibuf [dreg:s7], $0x2FFFF;
	_ =	strace $0x9FFFFFFF  }
0xc3: {  	(tm) =	ssettm $0x7FFFFFFF  }
tec
execute0_lowered:
.L_overlay_start_1:
0x0: {  	(tag) =	ssettag $0x1  }
0x1: {  	s1 =	rddreg [dreg:$0x0]  }
0x2: {  	s0 =	rddreg [dreg:$0x1]  }
0x3: {  	s3 =	rddreg [dreg:$0x2]  }
0x4: {  	s2 =	srdreg.scid;
	s12 =	stileid.u32;
	s4 =	simm.s32 $0x0  }
0x5: {  	s28 =	simm.s32 $0xE0;
	s29 =	simm.s32 $0x150;
	s30 =	simm.s32 $0x1  }
0x6: {  	s31 =	simm.s32 $0x9A0;
	s2 =	sand.u32 $0x1, s2;
	s8 =	smul.u32 $0x16380, s12  }
0x7: {  	[smem:$0x7FF] =	sst s4;
	s5 =	sadd.s32 $0x31C00, s0;
	s6 =	sadd.s32 $0xA00, s0  }
0x8: {  	s7 =	sadd.s32 $0x5A00, s0;
	s10 =	sadd.s32 $0x800, s0;
	s16 =	smul.u32 $0x58E00, s12  }
0x9: {  	s13 =	simm.s32 $0x6;
	s9 =	smul.u32 $0x163800, s2;
	_ =	strace $0x80000047  }
0xa: {  	[dreg:$0x4] =	wrdreg s10;
	s17 =	ssub.s32 $0x2, s2;
	s2 =	sshll.u32 s2, $0x4  }
0xb: {  	s11 =	sshrl.u32 s17, $0x1;
	s2 =	sor.u32 s12, s2;
	s10 =	sshrl.u32 s16, $0x2  }
0xc: {  	s12 =	simm.s32 $0x230;
	s9 =	sadd.s32 s8, s9;
	s10 =	sadd.s32 s10, s3  }
0xd: {  	s11 =	ssub.s32 s17, s11;
	s2 =	smul.u32 $0x2920, s2;
	s18 =	sadd.s32 $0x3F00, s10  }
0xe: {  	s9 =	sshrl.u32 s9, $0x3;
	s19 =	sadd.s32 $0x7E00, s10;
	[dreg:$0x5] =	wrdreg s18  }
0xf: {  	s20 =	sadd.s32 $0xBD00, s10;
	s21 =	sadd.s32 $0xFC00, s10;
	[dreg:$0x6] =	wrdreg s19  }
0x10: {  	s10 =	sadd.s32 $0x13B00, s10;
	s0 =	sadd.s32 s9, s0;
	[dreg:$0x7] =	wrdreg s20  }
0x11: {  	s9 =	sadd.s32 s8, s3;
	[dreg:$0x8] =	wrdreg s21;
	s22 =	sshrl.u32 s2, $0x3  }
0x12: {  	[dreg:$0x9] =	wrdreg s10;
	s19 =	sadd.s32 $0xE0, s2;
	s20 =	sadd.s32 $0x150, s2  }
0x13: {  	s2 =	simm.s32 $0x4FA0;
	s10 =	simm.s32 $0x4;
	s23 =	sadd.s32 s1, s22  }
0x14: {  	s24 =	sadd.s32 $0xE, s22;
	s8 =	sadd.s32 s5, s22;
	s0 =	sadd.s32 $0x3C200, s0  }
0x15: {  	s22 =	smax.u32 s11, $0x1;
	s11 =	simm.s32 $0x5;
	[dreg:$0xa] =	wrdreg s23  }
0x16: {  	[dreg:$0xb] =	wrdreg s8;
	s25 =	sadd.s32 s1, s24;
	s26 =	sadd.s32 s5, s24  }
0x17: {  	[dreg:$0xe] =	wrdreg s0;
	s23 =	simm.s32 $0x10A0;
	s24 =	simm.s32 $0x7  }
0x18: {  	s0 =	simm.s32 $0x3;
	s8 =	simm.s32 $0x1C0;
	[dreg:$0xc] =	wrdreg s25  }
0x19: {  	v0 =	vimm.f32 $0.0e+00;
	[dreg:$0xd] =	wrdreg s26;
	s26 =	simm.s32 $0x70;
	s25 =	simm.s32 $0x2  }
.LBB2_1:
0x1a: {  	s14 =	simm.s32 $0x0;
	s15 =	simm.s32 $0x240  }
.LBB2_2:
0x1b: {  	p0 =	sne.s32 s15, $0xF9C0;
	[tilespmem:s14+$0x1120] =	vst v0  }
0x1c: {  	[tilespmem:s14+$0x10A0] =	vst v0  }
0x1d: {  	[tilespmem:s14+$0x10B0] =	vst v0  }
0x1e: {  	[tilespmem:s14+$0x10C0] =	vst v0  }
.Ltmp0:
0x1f: {  	[tilespmem:s14+$0x10D0] =	vst v0;
	(pc) =	sbr.rel @p0 .LBB2_2-.Ltmp0, $4  }
0x20: {  	[tilespmem:s14+$0x10E0] =	vst v0  }
0x21: {  	[tilespmem:s14+$0x10F0] =	vst v0  }
0x22: {  	[tilespmem:s14+$0x1100] =	vst v0  }
0x23: {  	[tilespmem:s14+$0x1110] =	vst v0;
	s14 =	sshra.s32 s15, $0x2;
	s15 =	sadd.s32 $0x240, s15  }
0x24: {  	[tilespmem:s14+$0x1120] =	vst v0  }
0x25: {  	[tilespmem:s14+$0x10A0] =	vst v0  }
0x26: {  	[tilespmem:s14+$0x10B0] =	vst v0  }
0x27: {  	[tilespmem:s14+$0x10C0] =	vst v0  }
0x28: {  	[tilespmem:s14+$0x10D0] =	vst v0  }
0x29: {  	[tilespmem:s14+$0x10E0] =	vst v0  }
0x2a: {  	[tilespmem:s14+$0x10F0] =	vst v0  }
0x2b: {  	[tilespmem:s14+$0x1100] =	vst v0  }
0x2c: {  	[tilespmem:s14+$0x1110] =	vst v0  }
0x2d: {  	[spmem:s9] =	stream.linear.scatter [tilespmem:s23], [sflag:$0x7], $0x3F00, $0x38;
	[tilespmem:$0x1F230] =	vst v63  }
0x2e: {  	_ =	swait.ge [sflag:s24], $0x3F00  }
0x2f: {  	[sflag:s24] =	ssyncset.done $0x0  }
0x30: {  	s21 =	rddreg [dreg:$0x5];
	[sflag:s24] =	ssyncadd.s32 $0xFFFFC100  }
0x31: {  	[spmem:s21] =	stream.linear.scatter [tilespmem:s23], [sflag:$0x7], $0x3F00, $0x38;
	[tilespmem:$0x1F230] =	vst v63  }
0x32: {  	_ =	swait.ge [sflag:s24], $0x3F00  }
0x33: {  	[sflag:s24] =	ssyncset.done $0x0  }
0x34: {  	s15 =	rddreg [dreg:$0x6];
	[sflag:s24] =	ssyncadd.s32 $0xFFFFC100  }
0x35: {  	[spmem:s15] =	stream.linear.scatter [tilespmem:s23], [sflag:$0x7], $0x3F00, $0x38;
	[tilespmem:$0x1F230] =	vst v63  }
0x36: {  	_ =	swait.ge [sflag:s24], $0x3F00  }
0x37: {  	[sflag:s24] =	ssyncset.done $0x0  }
0x38: {  	s16 =	rddreg [dreg:$0x7];
	[sflag:s24] =	ssyncadd.s32 $0xFFFFC100  }
0x39: {  	[spmem:s16] =	stream.linear.scatter [tilespmem:s23], [sflag:$0x7], $0x3F00, $0x38;
	[tilespmem:$0x1F230] =	vst v63  }
0x3a: {  	_ =	swait.ge [sflag:s24], $0x3F00  }
0x3b: {  	[sflag:s24] =	ssyncset.done $0x0  }
0x3c: {  	s17 =	rddreg [dreg:$0x8];
	[sflag:s24] =	ssyncadd.s32 $0xFFFFC100  }
0x3d: {  	[spmem:s17] =	stream.linear.scatter [tilespmem:s23], [sflag:$0x7], $0x3F00, $0x38;
	[tilespmem:$0x1F230] =	vst v63  }
0x3e: {  	_ =	swait.ge [sflag:s24], $0x3F00  }
0x3f: {  	[sflag:s24] =	ssyncset.done $0x0  }
0x40: {  	s18 =	rddreg [dreg:$0x9];
	[sflag:s24] =	ssyncadd.s32 $0xFFFFC100  }
0x41: {  	[spmem:s18] =	stream.linear.scatter [tilespmem:s23], [sflag:$0x7], $0x2880, $0x38;
	[tilespmem:$0x1F230] =	vst v63  }
0x42: {  	_ =	swait.ge [sflag:s24], $0x2880  }
0x43: {  	s14 =	simm.s32 $0x0;
	[sflag:s24] =	ssyncset.done $0x0  }
0x44: {  	s16 =	simm.s32 $0x8EA0;
	s15 =	rddreg [dreg:$0x4];
	[sflag:s24] =	ssyncadd.s32 $0xFFFFD780  }
0x45: {  	[tilespmem:s16], [sflag:$0x7] =	stream.linear.gather [hbm4b:s15+s14], $0x10, $0x38;
	[tilespmem:$0x1F230] =	vst v63  }
0x46: {  	_ =	swait.ge [sflag:s24], $0x10  }
0x47: {  	[sflag:s24] =	ssyncset.done $0x0  }
0x48: {  	[sflag:s24] =	ssyncadd.s32 $0xFFFFFFF0  }
0x49: {  	v1 =	vld [tilespmem:$0x8EA0];
	[bflag:$0x0] =	sbarrier.arrive $0xFFFF  }
0x4a: {  	s21 =	rddreg [dreg:$0xa]  }
0x4b: {  	[tilespmem:s14], [sflag:$0x1] =	stream.linear.gather [hbm4b:s21+s14], $0x70, $0x38;
	[tilespmem:$0x1F230] =	vst v63  }
0x4c: {  	s16 =	rddreg [dreg:$0xb]  }
0x4d: {  	[tilespmem:s26], [sflag:$0x1] =	stream.linear.gather [hbm4b:s16+s14], $0x70, $0x38;
	[tilespmem:$0x1F230] =	vst v63  }
0x4e: {  	s17 =	rddreg [dreg:$0xc]  }
0x4f: {  	[tilespmem:s28], [sflag:$0x2] =	stream.linear.gather [hbm4b:s17+s14], $0x70, $0x38;
	[tilespmem:$0x1F230] =	vst v63  }
0x50: {  	s18 =	rddreg [dreg:$0xd]  }
0x51: {  	[tilespmem:s29], [sflag:$0x2] =	stream.linear.gather [hbm4b:s18+s14], $0x70, $0x38;
	[tilespmem:$0x1F230] =	vst v63  }
0x52: {  	_ =	swait.ge [sflag:s30], $0x70  }
0x53: {  	[sflag:s30] =	ssyncset.done $0x0  }
0x54: {  	[sflag:s30] =	ssyncadd.s32 $0xFFFFFF90  }
0x55: {  	_ =	swait.ge [sflag:s30], $0x70  }
0x56: {  	[sflag:s30] =	ssyncset.done $0x0  }
0x57: {  	s21 =	simm.s32 $0x2A0;
	[sflag:s30] =	ssyncadd.s32 $0xFFFFFF90  }
0x58: {  	[tilespmem:s21], [sflag:$0x3] =	stream.indirect.gather [hbm4b:s6+s26], $0x10, s14, s26, $0xb8;
	[tilespmem:$0x1F230] =	vst v63  }
0x59: {  	_ = 	snop  }
0x5a: {  	[tilespmem:s23], [sflag:$0x3] =	stream.indirect.gather [hbm4b:s7+s26], $0x90, s26, s26, $0xb8;
	[tilespmem:$0x1F230] =	vst v63  }
.LBB2_4:
0x5b: {  	_ =	swait.ge [sflag:s0], $0x700  }
0x5c: {  	[sflag:s0] =	ssyncset.done $0x0  }
0x5d: {  	[sflag:s0] =	ssyncadd.s32 $0xFFFFF900  }
0x5e: {  	_ =	swait.ge [sflag:s0], $0x3F00  }
0x5f: {  	p0 =	seq.s32 s14, $0x0;
	[sflag:s0] =	ssyncset.done $0x0  }
0x60: {  	s15 =	simm.s32 @!p0 $0x6;
	[sflag:s0] =	ssyncadd.s32 $0xFFFFC100  }
0x61: {  	_ =	swait.ge @!p0 [sflag:s15], $0x3F00  }
0x62: {  	[sflag:s15] =	ssyncset.done @!p0 $0x0  }
0x63: {  	[sflag:s15] =	ssyncadd.s32 @!p0 $0xFFFFC100  }
0x64: {  	v2 =	vld [tilespmem:$0x0]  }
0x65: {  	v3 =	vld [tilespmem:$0x10]  }
0x66: {  	v4 =	vld [tilespmem:$0x20]  }
0x67: {  	v5 =	vld [tilespmem:$0x30]  }
0x68: {  	v6 =	vld [tilespmem:$0x40]  }
0x69: {  	[tilespmem:$0x1C0] =	vst v2;
	v2 =	vld [tilespmem:$0x50]  }
0x6a: {  	p0 =	seq.s32 s14, $0x2E;
	[tilespmem:$0x1D0] =	vst v3;
	v3 =	vld [tilespmem:$0x60]  }
0x6b: {  	s15 =	smul.u32 @!p0 $0xE0, s14;
	[tilespmem:$0x1E0] =	vst v4  }
0x6c: {  	[tilespmem:$0x1F0] =	vst v5  }
0x6d: {  	s16 =	sadd.s32 @!p0 s15, s19;
	[tilespmem:$0x200] =	vst v6  }
0x6e: {  	s16 =	sshrl.u32 @!p0 s16, $0x3;
	[tilespmem:$0x210] =	vst v2  }
0x6f: {  	s18 =	simm.s32 @!p0 $0x0;
	s17 =	sadd.s32 @!p0 s1, s16;
	[tilespmem:$0x220] =	vst v3  }
0x70: {  	[tilespmem:s18], [sflag:$0x1] =	stream.linear.gather @!p0 [hbm4b:s17+s18], $0x70, $0x38;
	[tilespmem:$0x1F230] =	vst v63  }
0x71: {  	s16 =	sadd.s32 @!p0 s5, s16;
	s17 =	simm.s32 @!p0 $0x70  }
0x72: {  	[tilespmem:s17], [sflag:$0x1] =	stream.linear.gather @!p0 [hbm4b:s16+s18], $0x70, $0x38;
	[tilespmem:$0x1F230] =	vst v63  }
0x73: {  	_ =	swait.ge [sflag:s25], $0x70  }
0x74: {  	[sflag:s25] =	ssyncset.done $0x0  }
0x75: {  	[sflag:s25] =	ssyncadd.s32 $0xFFFFFF90  }
0x76: {  	_ =	swait.ge [sflag:s25], $0x70  }
0x77: {  	[sflag:s25] =	ssyncset.done $0x0  }
0x78: {  	[sflag:s25] =	ssyncadd.s32 $0xFFFFFF90  }
0x79: {  	[tilespmem:s31], [sflag:$0x4] =	stream.indirect.gather [hbm4b:s6+s26], $0x10, s28, s26, $0xb8;
	[tilespmem:$0x1F230] =	vst v63  }
0x7a: {  	s16 =	simm.s32 $0x11C0  }
0x7b: {  	[tilespmem:s2], [sflag:$0x4] =	stream.indirect.gather [hbm4b:s7+s26], $0x90, s29, s26, $0xb8;
	[tilespmem:$0x1F230] =	vst v63  }
0x7c: {  	s17 =	simm.s32 $0x2C0;
	v2 =	vld [tilespmem:s16+$0xFFFFFF60]  }
0x7d: {  	v3 =	vld [tilespmem:s17+$0xFFFFFFE0];
	_ =	sdelay $0x4  }
0x7e: {  	v2 =	vadd.f32 v2, v3;
	_ =	sdelay $0x1  }
0x7f: {  	v3 =	vmul.f32 $9.999999770e-03, v2;
	_ =	sdelay $0x1  }
0x80: {  	v2 =	vmax.f32 v2, v3  }
0x81: {  	v2 =	vsub.f32 v2, v1;
	_ =	sdelay $0x1  }
0x82: {  	v2 =	vmul.f32 $1.442695020e+00, v2;
	_ =	sdelay $0x1  }
0x83: {  	(erf) = vpow2.f32 v2;
	_ =	sdelay $0x4  }
0x84: {  	v4 =	vld [tilespmem:s16+$0xFFFFFF00]  }
0x85: {  	v5 =	vld [tilespmem:s16+$0xFFFFFEE0]  }
0x86: {  	v53 =	vld [tilespmem:s16+$0xFFFFFF10]  }
0x87: {  	v2 =	vld [tilespmem:s16+$0xFFFFFF50]  }
0x88: {  	v3 =	vld [tilespmem:s16+$0xFFFFFF30];
	v9 =	vpop (erf)  }
0x89: {  	v7 =	vld [tilespmem:s16+$0xFFFFFEF0];
	v4 =	vmul.f32 v4, v9  }
0x8a: {  	v8 =	vld [tilespmem:s16+$0xFFFFFF20];
	[tilespmem:s16+$0xFFFFFF60] =	vst v9;
	v5 =	vmul.f32 v9, v5  }
0x8b: {  	v10 =	vld [tilespmem:s16+$0xFFFFFF40];
	v6 =	vmul.f32 v53, v9;
	[tilespmem:s16+$0xFFFFFF00] =	vst v4  }
0x8c: {  	v2 =	vmul.f32 v2, v9;
	[tilespmem:s16+$0xFFFFFEE0] =	vst v5  }
0x8d: {  	v3 =	vmul.f32 v3, v9;
	[tilespmem:s16+$0xFFFFFF10] =	vst v6  }
0x8e: {  	v4 =	vmul.f32 v9, v7;
	[tilespmem:s16+$0xFFFFFF50] =	vst v2  }
0x8f: {  	v5 =	vmul.f32 v8, v9;
	[tilespmem:s16+$0xFFFFFF30] =	vst v3  }
0x90: {  	v2 =	vmul.f32 v10, v9;
	[tilespmem:s16+$0xFFFFFEF0] =	vst v4  }
0x91: {  	[tilespmem:s16+$0xFFFFFF20] =	vst v5  }
0x92: {  	[tilespmem:s16+$0xFFFFFF40] =	vst v2;
	v2 =	vld [tilespmem:s16+$0xFFFFFFF0]  }
0x93: {  	v3 =	vld [tilespmem:s17+$0xFFFFFFF0];
	_ =	sdelay $0x4  }
0x94: {  	v2 =	vadd.f32 v2, v3;
	_ =	sdelay $0x1  }
0x95: {  	v3 =	vmul.f32 $9.999999770e-03, v2;
	_ =	sdelay $0x1  }
0x96: {  	v2 =	vmax.f32 v2, v3  }
0x97: {  	v2 =	vsub.f32 v2, v1;
	_ =	sdelay $0x1  }
0x98: {  	v2 =	vmul.f32 $1.442695020e+00, v2;
	_ =	sdelay $0x1  }
0x99: {  	(erf) = vpow2.f32 v2;
	_ =	sdelay $0x4  }
0x9a: {  	v2 =	vld [tilespmem:s16+$0xFFFFFFE0]  }
0x9b: {  	v3 =	vld [tilespmem:s16+$0xFFFFFF80]  }
0x9c: {  	v4 =	vld [tilespmem:s16+$0xFFFFFFC0]  }
0x9d: {  	v5 =	vld [tilespmem:s16+$0xFFFFFF70]  }
0x9e: {  	v54 =	vld [tilespmem:s16+$0xFFFFFFD0];
	v55 =	vpop (erf)  }
0x9f: {  	v56 =	vld [tilespmem:s16+$0xFFFFFFA0];
	v2 =	vmul.f32 v2, v55  }
0xa0: {  	v57 =	vld [tilespmem:s16+$0xFFFFFFB0];
	[tilespmem:s16+$0xFFFFFFF0] =	vst v55;
	v3 =	vmul.f32 v55, v3  }
0xa1: {  	v58 =	vld [tilespmem:s16+$0xFFFFFF90];
	v4 =	vmul.f32 v4, v55;
	[tilespmem:s16+$0xFFFFFFE0] =	vst v2  }
0xa2: {  	v2 =	vmul.f32 v55, v5;
	[tilespmem:s16+$0xFFFFFF80] =	vst v3  }
0xa3: {  	v3 =	vmul.f32 v54, v55;
	[tilespmem:s16+$0xFFFFFFC0] =	vst v4  }
0xa4: {  	v4 =	vmul.f32 v56, v55;
	[tilespmem:s16+$0xFFFFFF70] =	vst v2  }
0xa5: {  	v2 =	vmul.f32 v57, v55;
	[tilespmem:s16+$0xFFFFFFD0] =	vst v3  }
0xa6: {  	v3 =	vmul.f32 v58, v55;
	[tilespmem:s16+$0xFFFFFFA0] =	vst v4  }
0xa7: {  	[tilespmem:s16+$0xFFFFFFB0] =	vst v2  }
0xa8: {  	[tilespmem:s16+$0xFFFFFF90] =	vst v3;
	v2 =	vld [tilespmem:s16+$0x80]  }
0xa9: {  	v3 =	vld [tilespmem:s17+$0x0];
	_ =	sdelay $0x4  }
0xaa: {  	v2 =	vadd.f32 v2, v3;
	_ =	sdelay $0x1  }
0xab: {  	v3 =	vmul.f32 $9.999999770e-03, v2;
	_ =	sdelay $0x1  }
0xac: {  	v2 =	vmax.f32 v2, v3  }
0xad: {  	v2 =	vsub.f32 v2, v1;
	_ =	sdelay $0x1  }
0xae: {  	v2 =	vmul.f32 $1.442695020e+00, v2;
	_ =	sdelay $0x1  }
0xaf: {  	(erf) = vpow2.f32 v2;
	_ =	sdelay $0x4  }
0xb0: {  	v4 =	vld [tilespmem:s16+$0x0]  }
0xb1: {  	v5 =	vld [tilespmem:s16+$0x20]  }
0xb2: {  	v59 =	vld [tilespmem:s16+$0x30]  }
0xb3: {  	v2 =	vld [tilespmem:s16+$0x70]  }
0xb4: {  	v3 =	vld [tilespmem:s16+$0x50];
	v62 =	vpop (erf)  }
0xb5: {  	v60 =	vld [tilespmem:s16+$0x10];
	v4 =	vmul.f32 v62, v4  }
0xb6: {  	v61 =	vld [tilespmem:s16+$0x40];
	[tilespmem:s16+$0x80] =	vst v62;
	v5 =	vmul.f32 v5, v62  }
0xb7: {  	v63 =	vld [tilespmem:s16+$0x60];
	v6 =	vmul.f32 v59, v62;
	[tilespmem:s16+$0x0] =	vst v4  }
0xb8: {  	v2 =	vmul.f32 v2, v62;
	[tilespmem:s16+$0x20] =	vst v5  }
0xb9: {  	v3 =	vmul.f32 v3, v62;
	[tilespmem:s16+$0x30] =	vst v6  }
0xba: {  	v4 =	vmul.f32 v62, v60;
	[tilespmem:s16+$0x70] =	vst v2  }
0xbb: {  	v5 =	vmul.f32 v61, v62;
	[tilespmem:s16+$0x50] =	vst v3  }
0xbc: {  	[tilespmem:s16+$0x10] =	vst v4;
	v4 =	vmul.f32 v63, v62  }
0xbd: {  	[tilespmem:s16+$0x40] =	vst v5  }
0xbe: {  	v2 =	vld [tilespmem:s16+$0x110];
	[tilespmem:s16+$0x60] =	vst v4  }
0xbf: {  	s21 =	simm.s32 $0x0;
	s18 =	simm.s32 $0x11C0;
	v3 =	vld [tilespmem:s17+$0x10]  }
.LBB2_5:
0xc0: {  	_ =	sdelay $0x1  }
0xc1: {  	s21 =	sadd.s32 $0x4, s21;
	s16 =	sadd.s32 $0x240, s16;
	s17 =	sadd.s32 $0x40, s17  }
0xc2: {  	p1 =	slt.u32 s21, $0x6C  }
0xc3: {  	v2 =	vadd.f32 v2, v3;
	_ =	sdelay $0x1  }
0xc4: {  	v3 =	vmul.f32 $9.999999770e-03, v2;
	_ =	sdelay $0x1  }
0xc5: {  	v2 =	vmax.f32 v2, v3  }
0xc6: {  	v2 =	vsub.f32 v2, v1;
	_ =	sdelay $0x1  }
0xc7: {  	v2 =	vmul.f32 $1.442695020e+00, v2;
	_ =	sdelay $0x1  }
0xc8: {  	(erf) = vpow2.f32 v2  }
0xc9: {  	v2 =	vld [tilespmem:s18+$0xF0]  }
0xca: {  	v3 =	vld [tilespmem:s18+$0xE0]  }
0xcb: {  	v4 =	vld [tilespmem:s18+$0x90]  }
0xcc: {  	v5 =	vld [tilespmem:s18+$0xC0]  }
0xcd: {  	v6 =	vld [tilespmem:s18+$0xA0]  }
0xce: {  	v7 =	vld [tilespmem:s18+$0xB0]  }
0xcf: {  	v8 =	vld [tilespmem:s18+$0xD0]  }
0xd0: {  	v9 =	vld [tilespmem:s18+$0x100]  }
0xd1: {  	v10 =	vpop (erf)  }
0xd2: {  	[tilespmem:s18+$0x110] =	vst v10;
	v4 =	vmul.f32 v10, v4;
	v6 =	vmul.f32 v10, v6  }
0xd3: {  	v5 =	vmul.f32 v5, v10;
	v7 =	vmul.f32 v7, v10  }
0xd4: {  	v3 =	vmul.f32 v3, v10;
	[tilespmem:s18+$0x90] =	vst v4;
	v4 =	vmul.f32 v8, v10  }
0xd5: {  	v2 =	vmul.f32 v2, v10;
	[tilespmem:s18+$0xC0] =	vst v5;
	v5 =	vmul.f32 v9, v10  }
0xd6: {  	[tilespmem:s18+$0xD0] =	vst v4  }
0xd7: {  	[tilespmem:s18+$0xE0] =	vst v3  }
0xd8: {  	[tilespmem:s18+$0xF0] =	vst v2  }
0xd9: {  	[tilespmem:s18+$0x100] =	vst v5  }
0xda: {  	[tilespmem:s18+$0xA0] =	vst v6  }
0xdb: {  	v2 =	vld [tilespmem:s16+$0xFFFFFF60];
	[tilespmem:s18+$0xB0] =	vst v7;
	s18 =	smov.u32 s16  }
0xdc: {  	v3 =	vld [tilespmem:s17+$0xFFFFFFE0];
	_ =	sdelay $0x4  }
0xdd: {  	v2 =	vadd.f32 v2, v3;
	_ =	sdelay $0x1  }
0xde: {  	v3 =	vmul.f32 $9.999999770e-03, v2;
	_ =	sdelay $0x1  }
0xdf: {  	v2 =	vmax.f32 v2, v3  }
0xe0: {  	v2 =	vsub.f32 v2, v1;
	_ =	sdelay $0x1  }
0xe1: {  	v2 =	vmul.f32 $1.442695020e+00, v2;
	_ =	sdelay $0x1  }
0xe2: {  	(erf) = vpow2.f32 v2;
	_ =	sdelay $0x1  }
0xe3: {  	v2 =	vld [tilespmem:s16+$0xFFFFFF50]  }
0xe4: {  	v3 =	vld [tilespmem:s16+$0xFFFFFF30]  }
0xe5: {  	v4 =	vld [tilespmem:s16+$0xFFFFFF10]  }
0xe6: {  	v5 =	vld [tilespmem:s16+$0xFFFFFF00]  }
0xe7: {  	v6 =	vld [tilespmem:s16+$0xFFFFFEE0]  }
0xe8: {  	v7 =	vld [tilespmem:s16+$0xFFFFFEF0]  }
0xe9: {  	v8 =	vld [tilespmem:s16+$0xFFFFFF20]  }
0xea: {  	v9 =	vld [tilespmem:s16+$0xFFFFFF40];
	v10 =	vpop (erf)  }
0xeb: {  	[tilespmem:s16+$0xFFFFFF60] =	vst v10;
	v5 =	vmul.f32 v5, v10;
	v4 =	vmul.f32 v4, v10  }
0xec: {  	v3 =	vmul.f32 v3, v10;
	v6 =	vmul.f32 v10, v6  }
0xed: {  	v2 =	vmul.f32 v2, v10;
	v7 =	vmul.f32 v10, v7;
	[tilespmem:s16+$0xFFFFFF00] =	vst v5  }
0xee: {  	[tilespmem:s16+$0xFFFFFEE0] =	vst v6;
	v5 =	vmul.f32 v8, v10  }
0xef: {  	[tilespmem:s16+$0xFFFFFF10] =	vst v4;
	v4 =	vmul.f32 v9, v10  }
0xf0: {  	[tilespmem:s16+$0xFFFFFF50] =	vst v2  }
0xf1: {  	[tilespmem:s16+$0xFFFFFEF0] =	vst v7  }
0xf2: {  	[tilespmem:s16+$0xFFFFFF20] =	vst v5  }
0xf3: {  	[tilespmem:s16+$0xFFFFFF40] =	vst v4  }
0xf4: {  	[tilespmem:s16+$0xFFFFFF30] =	vst v3;
	v2 =	vld [tilespmem:s16+$0xFFFFFFF0]  }
0xf5: {  	v3 =	vld [tilespmem:s17+$0xFFFFFFF0];
	_ =	sdelay $0x4  }
0xf6: {  	v2 =	vadd.f32 v2, v3;
	_ =	sdelay $0x1  }
0xf7: {  	v3 =	vmul.f32 $9.999999770e-03, v2;
	_ =	sdelay $0x1  }
0xf8: {  	v2 =	vmax.f32 v2, v3  }
0xf9: {  	v2 =	vsub.f32 v2, v1;
	_ =	sdelay $0x1  }
0xfa: {  	v2 =	vmul.f32 $1.442695020e+00, v2;
	_ =	sdelay $0x1  }
0xfb: {  	(erf) = vpow2.f32 v2;
	_ =	sdelay $0x1  }
0xfc: {  	v2 =	vld [tilespmem:s16+$0xFFFFFFD0]  }
0xfd: {  	v3 =	vld [tilespmem:s16+$0xFFFFFFC0]  }
0xfe: {  	v4 =	vld [tilespmem:s16+$0xFFFFFFE0]  }
0xff: {  	v5 =	vld [tilespmem:s16+$0xFFFFFF70]  }
0x100: {  	v6 =	vld [tilespmem:s16+$0xFFFFFF80]  }
0x101: {  	v7 =	vld [tilespmem:s16+$0xFFFFFFA0]  }
0x102: {  	v8 =	vld [tilespmem:s16+$0xFFFFFF90]  }
0x103: {  	v9 =	vld [tilespmem:s16+$0xFFFFFFB0];
	v10 =	vpop (erf)  }
0x104: {  	[tilespmem:s16+$0xFFFFFFF0] =	vst v10;
	v5 =	vmul.f32 v10, v5;
	v4 =	vmul.f32 v4, v10  }
0x105: {  	v3 =	vmul.f32 v3, v10;
	v6 =	vmul.f32 v10, v6  }
0x106: {  	v2 =	vmul.f32 v2, v10;
	v7 =	vmul.f32 v7, v10;
	[tilespmem:s16+$0xFFFFFFE0] =	vst v4  }
0x107: {  	[tilespmem:s16+$0xFFFFFF80] =	vst v6;
	v4 =	vmul.f32 v8, v10  }
0x108: {  	v6 =	vmul.f32 v9, v10;
	[tilespmem:s16+$0xFFFFFFC0] =	vst v3  }
0x109: {  	[tilespmem:s16+$0xFFFFFF70] =	vst v5  }
0x10a: {  	[tilespmem:s16+$0xFFFFFFD0] =	vst v2  }
0x10b: {  	[tilespmem:s16+$0xFFFFFFA0] =	vst v7  }
0x10c: {  	[tilespmem:s16+$0xFFFFFFB0] =	vst v6  }
0x10d: {  	[tilespmem:s16+$0xFFFFFF90] =	vst v4;
	v2 =	vld [tilespmem:s16+$0x80]  }
0x10e: {  	v3 =	vld [tilespmem:s17+$0x0];
	_ =	sdelay $0x4  }
0x10f: {  	v2 =	vadd.f32 v2, v3;
	_ =	sdelay $0x1  }
0x110: {  	v3 =	vmul.f32 $9.999999770e-03, v2;
	_ =	sdelay $0x1  }
0x111: {  	v2 =	vmax.f32 v2, v3  }
0x112: {  	v2 =	vsub.f32 v2, v1;
	_ =	sdelay $0x1  }
0x113: {  	v2 =	vmul.f32 $1.442695020e+00, v2;
	_ =	sdelay $0x1  }
0x114: {  	(erf) = vpow2.f32 v2  }
0x115: {  	v2 =	vld [tilespmem:s16+$0x70]  }
0x116: {  	v3 =	vld [tilespmem:s16+$0x50]  }
0x117: {  	v4 =	vld [tilespmem:s16+$0x30]  }
0x118: {  	v5 =	vld [tilespmem:s16+$0x10]  }
0x119: {  	v6 =	vld [tilespmem:s16+$0x0]  }
0x11a: {  	v7 =	vld [tilespmem:s16+$0x20]  }
0x11b: {  	v8 =	vld [tilespmem:s16+$0x40]  }
0x11c: {  	v9 =	vld [tilespmem:s16+$0x60]  }
0x11d: {  	v10 =	vpop (erf)  }
0x11e: {  	[tilespmem:s16+$0x80] =	vst v10;
	v6 =	vmul.f32 v10, v6;
	v5 =	vmul.f32 v10, v5  }
0x11f: {  	v4 =	vmul.f32 v4, v10;
	v7 =	vmul.f32 v7, v10  }
0x120: {  	v3 =	vmul.f32 v3, v10;
	[tilespmem:s16+$0x0] =	vst v6;
	v6 =	vmul.f32 v8, v10  }
0x121: {  	v2 =	vmul.f32 v2, v10;
	[tilespmem:s16+$0x20] =	vst v7;
	v7 =	vmul.f32 v9, v10  }
0x122: {  	[tilespmem:s16+$0x30] =	vst v4  }
0x123: {  	[tilespmem:s16+$0x10] =	vst v5  }
.Ltmp1:
0x124: {  	[tilespmem:s16+$0x40] =	vst v6;
	(pc) =	sbr.rel @p1 .LBB2_5-.Ltmp1, $4  }
0x125: {  	[tilespmem:s16+$0x70] =	vst v2  }
0x126: {  	[tilespmem:s16+$0x50] =	vst v3  }
0x127: {  	[tilespmem:s16+$0x60] =	vst v7;
	v2 =	vld [tilespmem:s16+$0x110]  }
0x128: {  	v3 =	vld [tilespmem:s17+$0x10]  }
0x129: {  	_ =	sdelay $0x3  }
0x12a: {  	v2 =	vadd.f32 v2, v3;
	_ =	sdelay $0x1  }
0x12b: {  	v3 =	vmul.f32 $9.999999770e-03, v2;
	_ =	sdelay $0x1  }
0x12c: {  	v2 =	vmax.f32 v2, v3  }
0x12d: {  	v2 =	vsub.f32 v2, v1;
	_ =	sdelay $0x1  }
0x12e: {  	v2 =	vmul.f32 $1.442695020e+00, v2;
	_ =	sdelay $0x1  }
0x12f: {  	(erf) = vpow2.f32 v2;
	_ =	sdelay $0x4  }
0x130: {  	v3 =	vld [tilespmem:s18+$0x90]  }
0x131: {  	v4 =	vld [tilespmem:s18+$0xC0]  }
0x132: {  	v2 =	vld [tilespmem:s18+$0xF0]  }
0x133: {  	v5 =	vld [tilespmem:s18+$0xD0]  }
0x134: {  	v6 =	vld [tilespmem:s18+$0xE0];
	v8 =	vpop (erf)  }
0x135: {  	v7 =	vld [tilespmem:s18+$0xA0];
	v3 =	vmul.f32 v8, v3  }
0x136: {  	v10 =	vld [tilespmem:s18+$0xB0];
	[tilespmem:s18+$0x110] =	vst v8;
	v4 =	vmul.f32 v4, v8  }
0x137: {  	v9 =	vld [tilespmem:s18+$0x100];
	v2 =	vmul.f32 v2, v8;
	[tilespmem:s18+$0x90] =	vst v3  }
0x138: {  	v3 =	vmul.f32 v5, v8;
	[tilespmem:s18+$0xC0] =	vst v4  }
0x139: {  	v5 =	vmul.f32 v6, v8;
	[tilespmem:s18+$0xF0] =	vst v2  }
0x13a: {  	v4 =	vmul.f32 v8, v7;
	[tilespmem:s18+$0xD0] =	vst v3  }
0x13b: {  	v2 =	vmul.f32 v10, v8;
	[tilespmem:s18+$0xE0] =	vst v5  }
0x13c: {  	v3 =	vmul.f32 v9, v8;
	[tilespmem:s18+$0xA0] =	vst v4  }
0x13d: {  	[tilespmem:s18+$0xB0] =	vst v2  }
0x13e: {  	[tilespmem:s18+$0x100] =	vst v3  }
0x13f: {  	[spmem:s3] =	stream.indirect.scatter.add.f32 [tilespmem:s23], [sflag:$0x5], $0x90, s8, s26, $0xb8;
	[tilespmem:$0x1F230] =	vst v63  }
0x140: {  	_ =	swait.ge [sflag:s10], $0x700  }
0x141: {  	[sflag:s10] =	ssyncset.done $0x0  }
0x142: {  	[sflag:s10] =	ssyncadd.s32 $0xFFFFF900  }
0x143: {  	_ =	swait.ge [sflag:s10], $0x3F00  }
0x144: {  	[sflag:s10] =	ssyncset.done $0x0  }
0x145: {  	[sflag:s10] =	ssyncadd.s32 $0xFFFFC100  }
0x146: {  	_ =	swait.ge [sflag:s11], $0x3F00  }
0x147: {  	[sflag:s11] =	ssyncset.done $0x0  }
0x148: {  	[sflag:s11] =	ssyncadd.s32 $0xFFFFC100  }
0x149: {  	v2 =	vld [tilespmem:$0xE0]  }
0x14a: {  	v3 =	vld [tilespmem:$0xF0]  }
0x14b: {  	v4 =	vld [tilespmem:$0x100]  }
0x14c: {  	v5 =	vld [tilespmem:$0x110]  }
0x14d: {  	v48 =	vld [tilespmem:$0x120]  }
0x14e: {  	[tilespmem:$0x230] =	vst v2;
	v2 =	vld [tilespmem:$0x130]  }
0x14f: {  	[tilespmem:$0x240] =	vst v3;
	v3 =	vld [tilespmem:$0x140]  }
0x150: {  	[tilespmem:$0x250] =	vst v4  }
0x151: {  	[tilespmem:$0x260] =	vst v5  }
0x152: {  	s15 =	sadd.s32 @!p0 s15, s20;
	[tilespmem:$0x270] =	vst v48  }
0x153: {  	s15 =	sshrl.u32 @!p0 s15, $0x3;
	[tilespmem:$0x280] =	vst v2  }
0x154: {  	s17 =	simm.s32 @!p0 $0x0;
	s16 =	sadd.s32 @!p0 s1, s15;
	s18 =	simm.s32 @!p0 $0xE0;
	[tilespmem:$0x290] =	vst v3  }
0x155: {  	[tilespmem:s18], [sflag:$0x2] =	stream.linear.gather @!p0 [hbm4b:s16+s17], $0x70, $0x38;
	[tilespmem:$0x1F230] =	vst v63  }
0x156: {  	s15 =	sadd.s32 @!p0 s5, s15;
	s16 =	simm.s32 @!p0 $0x150  }
0x157: {  	[tilespmem:s16], [sflag:$0x2] =	stream.linear.gather @!p0 [hbm4b:s15+s17], $0x70, $0x38;
	[tilespmem:$0x1F230] =	vst v63  }
0x158: {  	s15 =	simm.s32 @!p0 $0x1  }
0x159: {  	_ =	swait.ge @!p0 [sflag:s15], $0x70  }
0x15a: {  	[sflag:s15] =	ssyncset.done @!p0 $0x0  }
0x15b: {  	[sflag:s15] =	ssyncadd.s32 @!p0 $0xFFFFFF90  }
0x15c: {  	_ =	swait.ge @!p0 [sflag:s15], $0x70  }
0x15d: {  	[sflag:s15] =	ssyncset.done @!p0 $0x0  }
0x15e: {  	s16 =	simm.s32 @!p0 $0x2A0;
	[sflag:s15] =	ssyncadd.s32 @!p0 $0xFFFFFF90;
	s15 =	simm.s32 @!p0 $0x70  }
0x15f: {  	[tilespmem:s16], [sflag:$0x3] =	stream.indirect.gather @!p0 [hbm4b:s6+s15], $0x10, s17, s15, $0xb8;
	[tilespmem:$0x1F230] =	vst v63  }
0x160: {  	s16 =	simm.s32 @!p0 $0x10A0  }
0x161: {  	[tilespmem:s16], [sflag:$0x3] =	stream.indirect.gather @!p0 [hbm4b:s7+s15], $0x90, s15, s15, $0xb8;
	[tilespmem:$0x1F230] =	vst v63  }
0x162: {  	s15 =	simm.s32 $0x51D0  }
0x163: {  	s16 =	simm.s32 $0x9D0;
	v2 =	vld [tilespmem:s15+$0xFFFFFE50]  }
0x164: {  	v3 =	vld [tilespmem:s16+$0xFFFFFFD0];
	_ =	sdelay $0x4  }
0x165: {  	v2 =	vadd.f32 v2, v3;
	_ =	sdelay $0x1  }
0x166: {  	v3 =	vmul.f32 $9.999999770e-03, v2;
	_ =	sdelay $0x1  }
0x167: {  	v2 =	vmax.f32 v2, v3  }
0x168: {  	v2 =	vsub.f32 v2, v1;
	_ =	sdelay $0x1  }
0x169: {  	v2 =	vmul.f32 $1.442695020e+00, v2;
	_ =	sdelay $0x1  }
0x16a: {  	(erf) = vpow2.f32 v2;
	_ =	sdelay $0x4  }
0x16b: {  	v4 =	vld [tilespmem:s15+$0xFFFFFDF0]  }
0x16c: {  	v5 =	vld [tilespmem:s15+$0xFFFFFDD0]  }
0x16d: {  	v49 =	vld [tilespmem:s15+$0xFFFFFE00]  }
0x16e: {  	v2 =	vld [tilespmem:s15+$0xFFFFFE40]  }
0x16f: {  	v3 =	vld [tilespmem:s15+$0xFFFFFE20];
	v52 =	vpop (erf)  }
0x170: {  	v50 =	vld [tilespmem:s15+$0xFFFFFDE0];
	v4 =	vmul.f32 v4, v52  }
0x171: {  	v51 =	vld [tilespmem:s15+$0xFFFFFE10];
	[tilespmem:s15+$0xFFFFFE50] =	vst v52;
	v5 =	vmul.f32 v52, v5  }
0x172: {  	v53 =	vld [tilespmem:s15+$0xFFFFFE30];
	v6 =	vmul.f32 v49, v52;
	[tilespmem:s15+$0xFFFFFDF0] =	vst v4  }
0x173: {  	v2 =	vmul.f32 v2, v52;
	[tilespmem:s15+$0xFFFFFDD0] =	vst v5  }
0x174: {  	v3 =	vmul.f32 v3, v52;
	[tilespmem:s15+$0xFFFFFE00] =	vst v6  }
0x175: {  	v4 =	vmul.f32 v52, v50;
	[tilespmem:s15+$0xFFFFFE40] =	vst v2  }
0x176: {  	v5 =	vmul.f32 v51, v52;
	[tilespmem:s15+$0xFFFFFE20] =	vst v3  }
0x177: {  	v2 =	vmul.f32 v53, v52;
	[tilespmem:s15+$0xFFFFFDE0] =	vst v4  }
0x178: {  	[tilespmem:s15+$0xFFFFFE10] =	vst v5  }
0x179: {  	[tilespmem:s15+$0xFFFFFE30] =	vst v2;
	v2 =	vld [tilespmem:s15+$0xFFFFFEE0]  }
0x17a: {  	v3 =	vld [tilespmem:s16+$0xFFFFFFE0];
	_ =	sdelay $0x4  }
0x17b: {  	v2 =	vadd.f32 v2, v3;
	_ =	sdelay $0x1  }
0x17c: {  	v3 =	vmul.f32 $9.999999770e-03, v2;
	_ =	sdelay $0x1  }
0x17d: {  	v2 =	vmax.f32 v2, v3  }
0x17e: {  	v2 =	vsub.f32 v2, v1;
	_ =	sdelay $0x1  }
0x17f: {  	v2 =	vmul.f32 $1.442695020e+00, v2;
	_ =	sdelay $0x1  }
0x180: {  	(erf) = vpow2.f32 v2;
	_ =	sdelay $0x4  }
0x181: {  	v2 =	vld [tilespmem:s15+$0xFFFFFED0]  }
0x182: {  	v3 =	vld [tilespmem:s15+$0xFFFFFE70]  }
0x183: {  	v4 =	vld [tilespmem:s15+$0xFFFFFEB0]  }
0x184: {  	v5 =	vld [tilespmem:s15+$0xFFFFFE60]  }
0x185: {  	v54 =	vld [tilespmem:s15+$0xFFFFFEC0];
	v55 =	vpop (erf)  }
0x186: {  	v56 =	vld [tilespmem:s15+$0xFFFFFE90];
	v2 =	vmul.f32 v2, v55  }
0x187: {  	v57 =	vld [tilespmem:s15+$0xFFFFFEA0];
	[tilespmem:s15+$0xFFFFFEE0] =	vst v55;
	v3 =	vmul.f32 v55, v3  }
0x188: {  	v58 =	vld [tilespmem:s15+$0xFFFFFE80];
	v4 =	vmul.f32 v4, v55;
	[tilespmem:s15+$0xFFFFFED0] =	vst v2  }
0x189: {  	v2 =	vmul.f32 v55, v5;
	[tilespmem:s15+$0xFFFFFE70] =	vst v3  }
0x18a: {  	v3 =	vmul.f32 v54, v55;
	[tilespmem:s15+$0xFFFFFEB0] =	vst v4  }
0x18b: {  	v4 =	vmul.f32 v56, v55;
	[tilespmem:s15+$0xFFFFFE60] =	vst v2  }
0x18c: {  	v2 =	vmul.f32 v57, v55;
	[tilespmem:s15+$0xFFFFFEC0] =	vst v3  }
0x18d: {  	v3 =	vmul.f32 v58, v55;
	[tilespmem:s15+$0xFFFFFE90] =	vst v4  }
0x18e: {  	[tilespmem:s15+$0xFFFFFEA0] =	vst v2  }
0x18f: {  	[tilespmem:s15+$0xFFFFFE80] =	vst v3;
	v2 =	vld [tilespmem:s15+$0xFFFFFF70]  }
0x190: {  	v3 =	vld [tilespmem:s16+$0xFFFFFFF0];
	_ =	sdelay $0x4  }
0x191: {  	v2 =	vadd.f32 v2, v3;
	_ =	sdelay $0x1  }
0x192: {  	v3 =	vmul.f32 $9.999999770e-03, v2;
	_ =	sdelay $0x1  }
0x193: {  	v2 =	vmax.f32 v2, v3  }
0x194: {  	v2 =	vsub.f32 v2, v1;
	_ =	sdelay $0x1  }
0x195: {  	v2 =	vmul.f32 $1.442695020e+00, v2;
	_ =	sdelay $0x1  }
0x196: {  	(erf) = vpow2.f32 v2;
	_ =	sdelay $0x4  }
0x197: {  	v4 =	vld [tilespmem:s15+$0xFFFFFEF0]  }
0x198: {  	v5 =	vld [tilespmem:s15+$0xFFFFFF10]  }
0x199: {  	v59 =	vld [tilespmem:s15+$0xFFFFFF20]  }
0x19a: {  	v2 =	vld [tilespmem:s15+$0xFFFFFF60]  }
0x19b: {  	v3 =	vld [tilespmem:s15+$0xFFFFFF40];
	v62 =	vpop (erf)  }
0x19c: {  	v60 =	vld [tilespmem:s15+$0xFFFFFF00];
	v4 =	vmul.f32 v62, v4  }
0x19d: {  	v61 =	vld [tilespmem:s15+$0xFFFFFF30];
	[tilespmem:s15+$0xFFFFFF70] =	vst v62;
	v5 =	vmul.f32 v5, v62  }
0x19e: {  	v63 =	vld [tilespmem:s15+$0xFFFFFF50];
	v6 =	vmul.f32 v59, v62;
	[tilespmem:s15+$0xFFFFFEF0] =	vst v4  }
0x19f: {  	v2 =	vmul.f32 v2, v62;
	[tilespmem:s15+$0xFFFFFF10] =	vst v5  }
0x1a0: {  	v3 =	vmul.f32 v3, v62;
	[tilespmem:s15+$0xFFFFFF20] =	vst v6  }
0x1a1: {  	v4 =	vmul.f32 v62, v60;
	[tilespmem:s15+$0xFFFFFF60] =	vst v2  }
0x1a2: {  	v5 =	vmul.f32 v61, v62;
	[tilespmem:s15+$0xFFFFFF40] =	vst v3  }
0x1a3: {  	[tilespmem:s15+$0xFFFFFF00] =	vst v4;
	v4 =	vmul.f32 v63, v62  }
0x1a4: {  	[tilespmem:s15+$0xFFFFFF30] =	vst v5  }
0x1a5: {  	v2 =	vld [tilespmem:s15+$0x0];
	[tilespmem:s15+$0xFFFFFF50] =	vst v4  }
0x1a6: {  	s18 =	simm.s32 $0x0;
	s17 =	simm.s32 $0x51D0;
	v3 =	vld [tilespmem:s16+$0x0]  }
.LBB2_7:
0x1a7: {  	_ =	sdelay $0x1  }
0x1a8: {  	s18 =	sadd.s32 $0x4, s18;
	s15 =	sadd.s32 $0x240, s15;
	s16 =	sadd.s32 $0x40, s16  }
0x1a9: {  	p0 =	slt.u32 s18, $0x6C  }
0x1aa: {  	v2 =	vadd.f32 v2, v3;
	_ =	sdelay $0x1  }
0x1ab: {  	v3 =	vmul.f32 $9.999999770e-03, v2;
	_ =	sdelay $0x1  }
0x1ac: {  	v2 =	vmax.f32 v2, v3  }
0x1ad: {  	v2 =	vsub.f32 v2, v1;
	_ =	sdelay $0x1  }
0x1ae: {  	v2 =	vmul.f32 $1.442695020e+00, v2;
	_ =	sdelay $0x1  }
0x1af: {  	(erf) = vpow2.f32 v2  }
0x1b0: {  	v2 =	vld [tilespmem:s17+$0xFFFFFFF0]  }
0x1b1: {  	v3 =	vld [tilespmem:s17+$0xFFFFFFD0]  }
0x1b2: {  	v4 =	vld [tilespmem:s17+$0xFFFFFF80]  }
0x1b3: {  	v5 =	vld [tilespmem:s17+$0xFFFFFFB0]  }
0x1b4: {  	v6 =	vld [tilespmem:s17+$0xFFFFFF90]  }
0x1b5: {  	v7 =	vld [tilespmem:s17+$0xFFFFFFA0]  }
0x1b6: {  	v8 =	vld [tilespmem:s17+$0xFFFFFFC0]  }
0x1b7: {  	v9 =	vld [tilespmem:s17+$0xFFFFFFE0]  }
0x1b8: {  	v10 =	vpop (erf)  }
0x1b9: {  	[tilespmem:s17+$0x0] =	vst v10;
	v4 =	vmul.f32 v10, v4;
	v6 =	vmul.f32 v10, v6  }
0x1ba: {  	v5 =	vmul.f32 v5, v10;
	v7 =	vmul.f32 v7, v10  }
0x1bb: {  	v3 =	vmul.f32 v3, v10;
	[tilespmem:s17+$0xFFFFFF80] =	vst v4;
	v4 =	vmul.f32 v8, v10  }
0x1bc: {  	v2 =	vmul.f32 v2, v10;
	[tilespmem:s17+$0xFFFFFFB0] =	vst v5;
	v5 =	vmul.f32 v9, v10  }
0x1bd: {  	[tilespmem:s17+$0xFFFFFFC0] =	vst v4  }
0x1be: {  	[tilespmem:s17+$0xFFFFFFD0] =	vst v3  }
0x1bf: {  	[tilespmem:s17+$0xFFFFFFE0] =	vst v5  }
0x1c0: {  	[tilespmem:s17+$0xFFFFFFF0] =	vst v2  }
0x1c1: {  	[tilespmem:s17+$0xFFFFFF90] =	vst v6  }
0x1c2: {  	v2 =	vld [tilespmem:s15+$0xFFFFFE50];
	[tilespmem:s17+$0xFFFFFFA0] =	vst v7;
	s17 =	smov.u32 s15  }
0x1c3: {  	v3 =	vld [tilespmem:s16+$0xFFFFFFD0];
	_ =	sdelay $0x4  }
0x1c4: {  	v2 =	vadd.f32 v2, v3;
	_ =	sdelay $0x1  }
0x1c5: {  	v3 =	vmul.f32 $9.999999770e-03, v2;
	_ =	sdelay $0x1  }
0x1c6: {  	v2 =	vmax.f32 v2, v3  }
0x1c7: {  	v2 =	vsub.f32 v2, v1;
	_ =	sdelay $0x1  }
0x1c8: {  	v2 =	vmul.f32 $1.442695020e+00, v2;
	_ =	sdelay $0x1  }
0x1c9: {  	(erf) = vpow2.f32 v2;
	_ =	sdelay $0x1  }
0x1ca: {  	v2 =	vld [tilespmem:s15+$0xFFFFFE40]  }
0x1cb: {  	v3 =	vld [tilespmem:s15+$0xFFFFFE20]  }
0x1cc: {  	v4 =	vld [tilespmem:s15+$0xFFFFFE00]  }
0x1cd: {  	v5 =	vld [tilespmem:s15+$0xFFFFFDF0]  }
0x1ce: {  	v6 =	vld [tilespmem:s15+$0xFFFFFDD0]  }
0x1cf: {  	v7 =	vld [tilespmem:s15+$0xFFFFFDE0]  }
0x1d0: {  	v8 =	vld [tilespmem:s15+$0xFFFFFE10]  }
0x1d1: {  	v9 =	vld [tilespmem:s15+$0xFFFFFE30];
	v10 =	vpop (erf)  }
0x1d2: {  	[tilespmem:s15+$0xFFFFFE50] =	vst v10;
	v5 =	vmul.f32 v5, v10;
	v4 =	vmul.f32 v4, v10  }
0x1d3: {  	v3 =	vmul.f32 v3, v10;
	v6 =	vmul.f32 v10, v6  }
0x1d4: {  	v2 =	vmul.f32 v2, v10;
	v7 =	vmul.f32 v10, v7;
	[tilespmem:s15+$0xFFFFFDF0] =	vst v5  }
0x1d5: {  	[tilespmem:s15+$0xFFFFFDD0] =	vst v6;
	v5 =	vmul.f32 v8, v10  }
0x1d6: {  	[tilespmem:s15+$0xFFFFFE00] =	vst v4;
	v4 =	vmul.f32 v9, v10  }
0x1d7: {  	[tilespmem:s15+$0xFFFFFE40] =	vst v2  }
0x1d8: {  	[tilespmem:s15+$0xFFFFFDE0] =	vst v7  }
0x1d9: {  	[tilespmem:s15+$0xFFFFFE10] =	vst v5  }
0x1da: {  	[tilespmem:s15+$0xFFFFFE30] =	vst v4  }
0x1db: {  	[tilespmem:s15+$0xFFFFFE20] =	vst v3;
	v2 =	vld [tilespmem:s15+$0xFFFFFEE0]  }
0x1dc: {  	v3 =	vld [tilespmem:s16+$0xFFFFFFE0];
	_ =	sdelay $0x4  }
0x1dd: {  	v2 =	vadd.f32 v2, v3;
	_ =	sdelay $0x1  }
0x1de: {  	v3 =	vmul.f32 $9.999999770e-03, v2;
	_ =	sdelay $0x1  }
0x1df: {  	v2 =	vmax.f32 v2, v3  }
0x1e0: {  	v2 =	vsub.f32 v2, v1;
	_ =	sdelay $0x1  }
0x1e1: {  	v2 =	vmul.f32 $1.442695020e+00, v2;
	_ =	sdelay $0x1  }
0x1e2: {  	(erf) = vpow2.f32 v2;
	_ =	sdelay $0x1  }
0x1e3: {  	v2 =	vld [tilespmem:s15+$0xFFFFFEC0]  }
0x1e4: {  	v3 =	vld [tilespmem:s15+$0xFFFFFEB0]  }
0x1e5: {  	v4 =	vld [tilespmem:s15+$0xFFFFFED0]  }
0x1e6: {  	v5 =	vld [tilespmem:s15+$0xFFFFFE60]  }
0x1e7: {  	v6 =	vld [tilespmem:s15+$0xFFFFFE70]  }
0x1e8: {  	v7 =	vld [tilespmem:s15+$0xFFFFFE90]  }
0x1e9: {  	v8 =	vld [tilespmem:s15+$0xFFFFFE80]  }
0x1ea: {  	v9 =	vld [tilespmem:s15+$0xFFFFFEA0];
	v10 =	vpop (erf)  }
0x1eb: {  	[tilespmem:s15+$0xFFFFFEE0] =	vst v10;
	v5 =	vmul.f32 v10, v5;
	v4 =	vmul.f32 v4, v10  }
0x1ec: {  	v3 =	vmul.f32 v3, v10;
	v6 =	vmul.f32 v10, v6  }
0x1ed: {  	v2 =	vmul.f32 v2, v10;
	v7 =	vmul.f32 v7, v10;
	[tilespmem:s15+$0xFFFFFED0] =	vst v4  }
0x1ee: {  	[tilespmem:s15+$0xFFFFFE70] =	vst v6;
	v4 =	vmul.f32 v8, v10  }
0x1ef: {  	v6 =	vmul.f32 v9, v10;
	[tilespmem:s15+$0xFFFFFEB0] =	vst v3  }
0x1f0: {  	[tilespmem:s15+$0xFFFFFE60] =	vst v5  }
0x1f1: {  	[tilespmem:s15+$0xFFFFFEC0] =	vst v2  }
0x1f2: {  	[tilespmem:s15+$0xFFFFFE90] =	vst v7  }
0x1f3: {  	[tilespmem:s15+$0xFFFFFEA0] =	vst v6  }
0x1f4: {  	[tilespmem:s15+$0xFFFFFE80] =	vst v4;
	v2 =	vld [tilespmem:s15+$0xFFFFFF70]  }
0x1f5: {  	v3 =	vld [tilespmem:s16+$0xFFFFFFF0];
	_ =	sdelay $0x4  }
0x1f6: {  	v2 =	vadd.f32 v2, v3;
	_ =	sdelay $0x1  }
0x1f7: {  	v3 =	vmul.f32 $9.999999770e-03, v2;
	_ =	sdelay $0x1  }
0x1f8: {  	v2 =	vmax.f32 v2, v3  }
0x1f9: {  	v2 =	vsub.f32 v2, v1;
	_ =	sdelay $0x1  }
0x1fa: {  	v2 =	vmul.f32 $1.442695020e+00, v2;
	_ =	sdelay $0x1  }
0x1fb: {  	(erf) = vpow2.f32 v2  }
0x1fc: {  	v2 =	vld [tilespmem:s15+$0xFFFFFF60]  }
0x1fd: {  	v3 =	vld [tilespmem:s15+$0xFFFFFF40]  }
0x1fe: {  	v4 =	vld [tilespmem:s15+$0xFFFFFF20]  }
0x1ff: {  	v5 =	vld [tilespmem:s15+$0xFFFFFF00]  }
0x200: {  	v6 =	vld [tilespmem:s15+$0xFFFFFEF0]  }
0x201: {  	v7 =	vld [tilespmem:s15+$0xFFFFFF10]  }
0x202: {  	v8 =	vld [tilespmem:s15+$0xFFFFFF30]  }
0x203: {  	v9 =	vld [tilespmem:s15+$0xFFFFFF50]  }
0x204: {  	v10 =	vpop (erf)  }
0x205: {  	[tilespmem:s15+$0xFFFFFF70] =	vst v10;
	v6 =	vmul.f32 v10, v6;
	v5 =	vmul.f32 v10, v5  }
0x206: {  	v4 =	vmul.f32 v4, v10;
	v7 =	vmul.f32 v7, v10  }
0x207: {  	v3 =	vmul.f32 v3, v10;
	[tilespmem:s15+$0xFFFFFEF0] =	vst v6;
	v6 =	vmul.f32 v8, v10  }
0x208: {  	v2 =	vmul.f32 v2, v10;
	[tilespmem:s15+$0xFFFFFF10] =	vst v7;
	v7 =	vmul.f32 v9, v10  }
0x209: {  	[tilespmem:s15+$0xFFFFFF20] =	vst v4  }
0x20a: {  	[tilespmem:s15+$0xFFFFFF00] =	vst v5  }
.Ltmp2:
0x20b: {  	[tilespmem:s15+$0xFFFFFF30] =	vst v6;
	(pc) =	sbr.rel @p0 .LBB2_7-.Ltmp2, $4  }
0x20c: {  	[tilespmem:s15+$0xFFFFFF60] =	vst v2  }
0x20d: {  	[tilespmem:s15+$0xFFFFFF40] =	vst v3  }
0x20e: {  	[tilespmem:s15+$0xFFFFFF50] =	vst v7;
	v2 =	vld [tilespmem:s15+$0x0]  }
0x20f: {  	v3 =	vld [tilespmem:s16+$0x0]  }
0x210: {  	_ =	sdelay $0x3  }
0x211: {  	v2 =	vadd.f32 v2, v3;
	_ =	sdelay $0x1  }
0x212: {  	v3 =	vmul.f32 $9.999999770e-03, v2;
	_ =	sdelay $0x1  }
0x213: {  	v2 =	vmax.f32 v2, v3  }
0x214: {  	v2 =	vsub.f32 v2, v1;
	_ =	sdelay $0x1  }
0x215: {  	v2 =	vmul.f32 $1.442695020e+00, v2;
	_ =	sdelay $0x1  }
0x216: {  	(erf) = vpow2.f32 v2;
	_ =	sdelay $0x4  }
0x217: {  	v3 =	vld [tilespmem:s17+$0xFFFFFF80]  }
0x218: {  	v4 =	vld [tilespmem:s17+$0xFFFFFFB0]  }
0x219: {  	v6 =	vld [tilespmem:s17+$0xFFFFFFD0]  }
0x21a: {  	v7 =	vld [tilespmem:s17+$0xFFFFFFE0]  }
0x21b: {  	v2 =	vld [tilespmem:s17+$0xFFFFFFF0];
	v8 =	vpop (erf)  }
0x21c: {  	v5 =	vld [tilespmem:s17+$0xFFFFFFC0];
	v3 =	vmul.f32 v8, v3  }
0x21d: {  	v10 =	vld [tilespmem:s17+$0xFFFFFFA0];
	[tilespmem:s17+$0x0] =	vst v8;
	v4 =	vmul.f32 v4, v8  }
0x21e: {  	v9 =	vld [tilespmem:s17+$0xFFFFFF90];
	v61 =	vmul.f32 v6, v8;
	[tilespmem:s17+$0xFFFFFF80] =	vst v3  }
0x21f: {  	v62 =	vmul.f32 v7, v8;
	[tilespmem:s17+$0xFFFFFFB0] =	vst v4  }
0x220: {  	s14 =	sadd.s32 $0x1, s14;
	v2 =	vmul.f32 v2, v8;
	[tilespmem:s17+$0xFFFFFFD0] =	vst v61  }
0x221: {  	p0 =	sne.s32 s14, $0x2F;
	v3 =	vmul.f32 v5, v8;
	[tilespmem:s17+$0xFFFFFFE0] =	vst v62  }
.Ltmp3:
0x222: {  	v63 =	vmul.f32 v10, v8;
	[tilespmem:s17+$0xFFFFFFF0] =	vst v2;
	(pc) =	sbr.rel @p0 .LBB2_4-.Ltmp3, $4  }
0x223: {  	[tilespmem:s17+$0xFFFFFFC0] =	vst v3;
	v3 =	vmul.f32 v8, v9  }
0x224: {  	[tilespmem:s17+$0xFFFFFFA0] =	vst v63  }
0x225: {  	[tilespmem:s17+$0xFFFFFF90] =	vst v3  }
0x226: {  	[spmem:s3] =	stream.indirect.scatter.add.f32 [tilespmem:s2], [sflag:$0x6], $0x90, s12, s26, $0xb8;
	[tilespmem:$0x1F230] =	vst v63  }
0x227: {  	_ =	swait.ge [sflag:s13], $0x3F00  }
0x228: {  	s14 =	stileid.u32;
	[sflag:s13] =	ssyncset.done $0x0  }
0x229: {  	s15 =	sshrl.u32 s9, $0x3;
	s4 =	sadd.s32 $0x1, s4;
	[sflag:s13] =	ssyncadd.s32 $0xFFFFC100  }
0x22a: {  	s14 =	sshll.u32 s14, $0x6;
	p0 =	sne.s32 s4, s22;
	[bflag:$0x0] =	sbarrier.arrive $0xFFFF  }
.Ltmp4:
0x22b: {  	s14 =	sor.u32 $0x1C07, s14;
	s16 =	rddreg [dreg:$0xe];
	(pc) =	sbr.rel @p0 .LBB2_1-.Ltmp4, $4  }
0x22c: {  	[hbm:s16], [sflag:s14] =	dma.local [spmem:s15], $0x2C70  }
0x22d: {  	_ =	swait.ge [sflag:s24], $0x2C70  }
0x22e: {  	[sflag:s24] =	ssyncset.done $0x0  }
0x22f: {  	[sflag:s24] =	ssyncadd.s32 $0xFFFFD390  }
0x230: {  	_ =	sfence.sel $0x180000  }
0x231: {  	[bflag:$0x0] =	sbarrier.arrive $0xFFFF  }
0x232: {  	_ =	strace $0x90000047  }
0x233: {  	s0 =	stileid.u32;
	[bflag:$0x2] =	sbarrier.arrive $0xFFFF  }
0x234: {  	p0 =	sne.s32 s0, $0x0;
	s0 =	rddreg [dreg:$0x3]  }
0x235: {  	s0 =	sadd.s32 @!p0 $0x100000, s0  }
0x236: {  	[sflag:s0] =	ssyncadd.tile.s32 @!p0 $0x1;
	_ =	shalt  }
.Lfunc_end2:
_tile_overlayer_lowered:
.L_overlay_start_2:
0x237: {  	(tag) =	ssettag $0x2  }
0x238: {  	s0 =	rddreg [dreg:$0x0];
	s2 =	stileid.u32  }
0x239: {  	s1 =	rddreg [dreg:$0x1];
	p0 =	sne.s32 s2, $0x0  }
0x23a: {  	s3 =	rddreg [dreg:$0x2];
	[bflag:$0x3] =	sbarrier.arrive $0xFFFF;
	s2 =	simm.s32 @!p0 $0x1C07  }
0x23b: {  	[timem:s3], [sflag:s2] =	dma.local @!p0 [hbm:s0], s1  }
0x23c: {  	s0 =	simm.s32 @!p0 $0x7  }
0x23d: {  	_ =	swait.ge @!p0 [sflag:s0], s1  }
0x23e: {  	s1 =	ssub.s32 @!p0 $0x0, s1;
	[sflag:s0] =	ssyncset.done @!p0 $0x0  }
0x23f: {  	[sflag:s0] =	ssyncadd.s32 @!p0 s1  }
0x240: {  	[bflag:$0x3] =	sbarrier.arrive $0xFFFF  }
0x241: {  	_ =	shalt  }

</sc_bundles>
